<compile_context>
chip_gen: v7x
topology: tpu7x:2x2x1
jax: 0.10.2.dev20260603
libtpu: 0.0.44.dev20260713+nightly
codegen_flags: <defaults>
</compile_context>

<pallas_src>
import functools

import jax
import jax.numpy as jnp
from jax import lax
from jax.experimental import pallas as pl
from jax.experimental.pallas import tpu as pltpu
from jax.experimental.pallas import tpu_sc as plsc

NC = 2
NS = 16
CHUNK = 128
NBUF = 4
RCH = 128
HALF = 64


def _ln_body(h_ref, g_ref, b_ref, o_ref):
    x = h_ref[...]
    mu = jnp.mean(x, axis=-1, keepdims=True)
    xc = x - mu
    var = jnp.mean(xc * xc, axis=-1, keepdims=True)
    o_ref[...] = xc * lax.rsqrt(var + 1e-5) * g_ref[...] + b_ref[...]


def _layernorm(h, gamma, beta, block_rows):
    n, d = h.shape
    return pl.pallas_call(
        _ln_body,
        grid=(n // block_rows,),
        in_specs=[
            pl.BlockSpec((block_rows, d), lambda i: (i, 0)),
            pl.BlockSpec((1, d), lambda i: (0, 0)),
            pl.BlockSpec((1, d), lambda i: (0, 0)),
        ],
        out_specs=pl.BlockSpec((block_rows, d), lambda i: (i, 0)),
        out_shape=jax.ShapeDtypeStruct((n, d), jnp.float32),
    )(h, gamma.reshape(1, d), beta.reshape(1, d))


def _make_sc_pass(h_pad, rpt, n_chunks, with_deg):
    groups = n_chunks // NBUF
    mesh = plsc.VectorSubcoreMesh(core_axis_name="c", subcore_axis_name="s",
                                  num_cores=NC)
    out_type = jax.ShapeDtypeStruct((NC, h_pad, HALF), jnp.float32)
    if with_deg:
        out_type = (out_type,
                    jax.ShapeDtypeStruct((NC, NS, h_pad), jnp.float32))

    @functools.partial(
        pl.kernel,
        out_type=out_type,
        mesh=mesh,
        scratch_types=[
            pltpu.VMEM((n_chunks, CHUNK), jnp.int32),
            pltpu.VMEM((n_chunks, CHUNK), jnp.int32),
            pltpu.VMEM((NBUF, CHUNK, HALF), jnp.float32),
            pltpu.VMEM((h_pad,), jnp.float32),
            pltpu.VMEM_SHARED((h_pad, HALF), jnp.float32),
        ]
        + [pltpu.SemaphoreType.DMA] * (2 * NBUF),
        compiler_params=pltpu.CompilerParams(use_tc_tiling_on_sc=False,
                                             needs_layout_passes=False),
    )
    def sc_pass(hn2_hbm, src_hbm, dst_hbm, z_hbm, agg_out, *rest):
        if with_deg:
            deg_out = rest[0]
            rest = rest[1:]
        src_v, dst_v, rows_v, deg_v, agg_sp = rest[:5]
        sems = rest[5:]
        gsems = sems[0:NBUF]
        ssems = sems[NBUF:2 * NBUF]
        cid = lax.axis_index("c")
        sid = lax.axis_index("s")
        row0 = sid * rpt

        pltpu.sync_copy(src_hbm.at[cid, sid], src_v)
        pltpu.sync_copy(dst_hbm.at[cid, sid], dst_v)

        pltpu.sync_copy(z_hbm, rows_v.at[0, pl.ds(0, RCH)])
        for t in range(rpt // RCH):
            pltpu.sync_copy(rows_v.at[0, pl.ds(0, RCH)],
                            agg_sp.at[pl.ds(row0 + t * RCH, RCH)])

        if with_deg:
            zeros16 = jnp.zeros((16,), jnp.float32)
            ones16 = jnp.full((16,), 1.0, jnp.float32)

            def zero_deg(i, _):
                deg_v[pl.ds(i * 16, 16)] = zeros16
                return 0
            lax.fori_loop(0, h_pad // 16, zero_deg, 0)

            def count(i, _):
                dvec = dst_v[i // (CHUNK // 16), pl.ds((i % (CHUNK // 16)) * 16, 16)]
                plsc.addupdate_scatter(deg_v, [dvec], ones16)
                return 0
            lax.fori_loop(0, n_chunks * (CHUNK // 16), count, 0)
            pltpu.sync_copy(deg_v, deg_out.at[cid, sid])

        plsc.subcore_barrier()

        def start_gather(j, b):
            pltpu.async_copy(hn2_hbm.at[src_v.at[j]], rows_v.at[b], gsems[b])

        def wait_gather(j, b):
            pltpu.make_async_copy(
                hn2_hbm.at[src_v.at[j]], rows_v.at[b], gsems[b]).wait()

        def start_scatter(j, b):
            pltpu.async_copy(
                rows_v.at[b], agg_sp.at[dst_v.at[j]], ssems[b], add=True)

        def wait_scatter(j, b):
            pltpu.make_async_copy(
                rows_v.at[b], agg_sp.at[dst_v.at[j]], ssems[b]).wait()

        M = NBUF // 2
        for b in range(NBUF):
            start_gather(b, b)

        def pair(i, _):
            c0 = i * NBUF
            for m in range(M):
                wait_gather(c0 + m, m)
                start_scatter(c0 + m, m)
            for m in range(M):
                wait_gather(c0 + M + m, M + m)
                start_scatter(c0 + M + m, M + m)
            for m in range(M):
                wait_scatter(c0 + m, m)
                start_gather(c0 + NBUF + m, m)
            for m in range(M):
                wait_scatter(c0 + M + m, M + m)
                start_gather(c0 + NBUF + M + m, M + m)
            return 0
        lax.fori_loop(0, groups - 1, pair, 0)

        cL = (groups - 1) * NBUF
        for m in range(M):
            wait_gather(cL + m, m)
            start_scatter(cL + m, m)
        for m in range(M):
            wait_gather(cL + M + m, M + m)
            start_scatter(cL + M + m, M + m)
        for b in range(NBUF):
            wait_scatter(cL + b, b)

        plsc.subcore_barrier()

        noc = rpt // RCH
        for t in range(noc):
            s = t % NBUF
            if t >= NBUF:
                pltpu.make_async_copy(
                    rows_v.at[s, pl.ds(0, RCH)],
                    agg_out.at[cid, pl.ds(row0 + (t - NBUF) * RCH, RCH)],
                    ssems[s]).wait()
            pltpu.sync_copy(agg_sp.at[pl.ds(row0 + t * RCH, RCH)],
                            rows_v.at[s, pl.ds(0, RCH)])
            pltpu.async_copy(
                rows_v.at[s, pl.ds(0, RCH)],
                agg_out.at[cid, pl.ds(row0 + t * RCH, RCH)], ssems[s])
        for t in range(max(noc - NBUF, 0), noc):
            s = t % NBUF
            pltpu.make_async_copy(
                rows_v.at[s, pl.ds(0, RCH)],
                agg_out.at[cid, pl.ds(row0 + t * RCH, RCH)],
                ssems[s]).wait()

    return sc_pass


def _final_body(hn_ref, a0_ref, a1_ref, deg_ref, ws_ref, wn_ref, b_ref,
                o_ref):
    hn = hn_ref[...]
    agg = jnp.concatenate([jnp.sum(a0_ref[...], axis=0),
                           jnp.sum(a1_ref[...], axis=0)], axis=-1)
    deg = jnp.maximum(jnp.sum(deg_ref[...], axis=(0, 1)), 1.0)
    hng = agg / deg[:, None]
    dn = (((1,), (1,)), ((), ()))
    o_ref[...] = (
        lax.dot_general(hn, ws_ref[...], dn, preferred_element_type=jnp.float32)
        + lax.dot_general(hng, wn_ref[...], dn, preferred_element_type=jnp.float32)
        + b_ref[...]
    )


def _final(hn, agg0, agg1, deg_parts, W_self, W_neigh, bias, block_rows):
    n, d = hn.shape
    return pl.pallas_call(
        _final_body,
        grid=(-(-n // block_rows),),
        in_specs=[
            pl.BlockSpec((block_rows, d), lambda i: (i, 0)),
            pl.BlockSpec((NC, block_rows, HALF), lambda i: (0, i, 0)),
            pl.BlockSpec((NC, block_rows, HALF), lambda i: (0, i, 0)),
            pl.BlockSpec((NC, NS, block_rows), lambda i: (0, 0, i)),
            pl.BlockSpec((d, d), lambda i: (0, 0)),
            pl.BlockSpec((d, d), lambda i: (0, 0)),
            pl.BlockSpec((1, d), lambda i: (0, 0)),
        ],
        out_specs=pl.BlockSpec((block_rows, d), lambda i: (i, 0)),
        out_shape=jax.ShapeDtypeStruct((n, d), jnp.float32),
    )(hn, agg0, agg1, deg_parts, W_self, W_neigh, bias.reshape(1, d))


def kernel(h, edge_index, ln_gamma, ln_beta, W_self, W_neigh, bias):
    n, d = h.shape
    e = edge_index.shape[1]

    rpt = -(-(n + 1) // (NS * RCH)) * RCH
    h_pad = NS * rpt
    n_chunks = -(-(-(-e // (NC * NS * CHUNK))) // NBUF) * NBUF
    e_pad = NC * NS * n_chunks * CHUNK
    pad = e_pad - e

    src = jnp.concatenate([edge_index[0], jnp.zeros((pad,), jnp.int32)])
    src2 = jnp.stack([2 * src, 2 * src + 1]).reshape(
        2, NC, NS, n_chunks, CHUNK)
    dst = jnp.concatenate(
        [edge_index[1], jnp.full((pad,), n, jnp.int32)]).reshape(
            NC, NS, n_chunks, CHUNK)
    zrows = jnp.zeros((RCH, HALF), jnp.float32)

    hn = _layernorm(h, ln_gamma, ln_beta, block_rows=1000)
    hn2 = hn.reshape(2 * n, HALF)
    agg0, deg_parts = _make_sc_pass(h_pad, rpt, n_chunks, True)(
        hn2, src2[0], dst, zrows)
    agg1 = _make_sc_pass(h_pad, rpt, n_chunks, False)(
        hn2, src2[1], dst, zrows)
    return _final(hn, agg0, agg1, deg_parts, W_self, W_neigh, bias,
                  block_rows=1024)

# --- scband reference (transcript-rebuilt; emitter-appended) ---
"""Pipeline reference for scband-sagemodule-10359461118095 (READ-ONLY COPY).

The authoritative reference and input builder live on the scoring server;
editing this copy changes nothing except your own understanding.
"""

import jax, jax.numpy as jnp
import numpy as np

N = 10000
E = 320000
D = 128

def setup_inputs(seed: int = 0) -> dict:
    key = jax.random.key(seed)
    k1, k2, k3, k4 = jax.random.split(key, 4)
    h = jax.random.normal(k1, (N, D), dtype=jnp.float32)
    edge_index = jax.random.randint(k2, (2, E), 0, N, dtype=jnp.int32)
    # LayerNorm params (in_dim)
    ln_gamma = jnp.ones((D,), dtype=jnp.float32)
    ln_beta = jnp.zeros((D,), dtype=jnp.float32)
    # SAGEConv('mean') params: fc_self (no bias), fc_neigh (no bias), shared bias
    W_self = jax.random.normal(k3, (D, D), dtype=jnp.float32) * 0.05
    W_neigh = jax.random.normal(k4, (D, D), dtype=jnp.float32) * 0.05
    bias = jnp.zeros((D,), dtype=jnp.float32)
    return {"h": h, "edge_index": edge_index, "ln_gamma": ln_gamma, "ln_beta": ln_beta, "W_self": W_self, "W_neigh": W_neigh, "bias": bias}

def reference(h, edge_index, ln_gamma, ln_beta, W_self, W_neigh, bias):
    # 1) LayerNorm over feature dim
    mu = jnp.mean(h, axis=-1, keepdims=True)
    var = jnp.mean((h - mu) ** 2, axis=-1, keepdims=True)
    hn = (h - mu) / jnp.sqrt(var + 1e-5) * ln_gamma + ln_beta
    # 2) SAGEConv with 'mean' aggregator (DGL semantics):
    #    h_neigh[v] = mean over incoming edges (u->v) of hn[u]; zero if in-degree 0
    src = edge_index[0]
    dst = edge_index[1]
    msg = jnp.take(hn, src, axis=0)
    agg = jax.ops.segment_sum(msg, dst, num_segments=N)
    deg = jax.ops.segment_sum(jnp.ones((E,), dtype=jnp.float32), dst, num_segments=N)
    h_neigh = agg / jnp.clip(deg, 1.0)[:, None]
    out = hn @ W_self.T + h_neigh @ W_neigh.T + bias
    # 3) Dropout p=0.0 -> identity
    return out

if __name__ == "__main__":
    import jax
    _d = setup_inputs()
    print(jax.jit(kernel)(*tuple(_d.values())))

</pallas_src>

<mosaic_0001>
#map = affine_map<(d0, d1) -> (0, 0)>
#map1 = affine_map<(d0, d1) -> (0, 0, 0, 0)>
#map2 = affine_map<(d0, d1) -> (0, 0, 0)>
module attributes {stable_mosaic.version = 14 : i64} {
  func.func @sc_pass(%arg0: i32, %arg1: i32, %arg2: memref<20000x64xf32, #tpu.memory_space<hbm>>, %arg3: memref<2x16x80x128xi32, #tpu.memory_space<hbm>>, %arg4: memref<2x16x80x128xi32, #tpu.memory_space<hbm>>, %arg5: memref<128x64xf32, #tpu.memory_space<hbm>>, %arg6: memref<2x10240x64xf32, #tpu.memory_space<hbm>>, %arg7: memref<2x16x10240xf32, #tpu.memory_space<hbm>>, %arg8: memref<80x128xi32, #tpu.memory_space<vmem>>, %arg9: memref<80x128xi32, #tpu.memory_space<vmem>>, %arg10: memref<4x128x64xf32, #tpu.memory_space<vmem>>, %arg11: memref<10240xf32, #tpu.memory_space<vmem>>, %arg12: memref<10240x64xf32, #tpu.memory_space<vmem_shared>>, %arg13: memref<!tpu.dma_semaphore, #tpu.memory_space<semaphore_mem>>, %arg14: memref<!tpu.dma_semaphore, #tpu.memory_space<semaphore_mem>>, %arg15: memref<!tpu.dma_semaphore, #tpu.memory_space<semaphore_mem>>, %arg16: memref<!tpu.dma_semaphore, #tpu.memory_space<semaphore_mem>>, %arg17: memref<!tpu.dma_semaphore, #tpu.memory_space<semaphore_mem>>, %arg18: memref<!tpu.dma_semaphore, #tpu.memory_space<semaphore_mem>>, %arg19: memref<!tpu.dma_semaphore, #tpu.memory_space<semaphore_mem>>, %arg20: memref<!tpu.dma_semaphore, #tpu.memory_space<semaphore_mem>>) attributes {dimension_semantics = [#tpu.dimension_semantics<core_parallel>, #tpu.dimension_semantics<subcore_parallel>], iteration_bounds = array<i64: 2, 16>, scalar_prefetch = 0 : i64, scratch_operands = 13 : i64, tpu.core_type = #tpu.core_type<sc_vector_subcore>, window_params = [{transform_indices = #map}, {transform_indices = #map1}, {transform_indices = #map1}, {transform_indices = #map}, {transform_indices = #map2}, {transform_indices = #map2}]} {
    %mul3A = arith.constant 640 : i32
    %mul3A_0 = arith.muli %arg1, %mul3A : i32
    "tpu.region"() ({
      %run_scoped3A_414 = tpu.sem_alloc : memref<!tpu.dma_semaphore, #tpu.memory_space<semaphore_mem>>
      %dma_start3A_415 = arith.constant 0 : i32
      %dma_start3A_416 = arith.constant 0 : i32
      %dma_start3A_417 = tpu.memref_slice %arg3[%arg0, %arg1, %dma_start3A_415, %dma_start3A_416] : memref<2x16x80x128xi32, #tpu.memory_space<hbm>> -> memref<1x1x80x128xi32, #tpu.memory_space<hbm>>
      %dma_start3A_418 = tpu.memref_squeeze %dma_start3A_417 : memref<1x1x80x128xi32, #tpu.memory_space<hbm>> -> memref<80x128xi32, #tpu.memory_space<hbm>>
      %dma_start3A_419 = arith.constant 0 : i32
      %dma_start3A_420 = arith.constant 0 : i32
      %dma_start3A_421 = tpu.memref_slice %arg3[%arg0, %arg1, %dma_start3A_419, %dma_start3A_420] : memref<2x16x80x128xi32, #tpu.memory_space<hbm>> -> memref<1x1x80x128xi32, #tpu.memory_space<hbm>>
      %dma_start3A_422 = tpu.memref_squeeze %dma_start3A_421 : memref<1x1x80x128xi32, #tpu.memory_space<hbm>> -> memref<80x128xi32, #tpu.memory_space<hbm>>
      tpu.enqueue_dma source(%dma_start3A_422 : memref<80x128xi32, #tpu.memory_space<hbm>>) target(%arg8 : memref<80x128xi32, #tpu.memory_space<vmem>>) target_semaphore(%run_scoped3A_414 : memref<!tpu.dma_semaphore, #tpu.memory_space<semaphore_mem>>)
      %dma_wait3A_423 = arith.constant 0 : i32
      %dma_wait3A_424 = arith.constant 0 : i32
      %dma_wait3A_425 = tpu.memref_slice %arg3[%arg0, %arg1, %dma_wait3A_423, %dma_wait3A_424] : memref<2x16x80x128xi32, #tpu.memory_space<hbm>> -> memref<1x1x80x128xi32, #tpu.memory_space<hbm>>
      %dma_wait3A_426 = tpu.memref_squeeze %dma_wait3A_425 : memref<1x1x80x128xi32, #tpu.memory_space<hbm>> -> memref<80x128xi32, #tpu.memory_space<hbm>>
      %dma_wait3A_427 = arith.constant 0 : i32
      %dma_wait3A_428 = arith.constant 0 : i32
      %dma_wait3A_429 = tpu.memref_slice %arg3[%arg0, %arg1, %dma_wait3A_427, %dma_wait3A_428] : memref<2x16x80x128xi32, #tpu.memory_space<hbm>> -> memref<1x1x80x128xi32, #tpu.memory_space<hbm>>
      %dma_wait3A_430 = tpu.memref_squeeze %dma_wait3A_429 : memref<1x1x80x128xi32, #tpu.memory_space<hbm>> -> memref<80x128xi32, #tpu.memory_space<hbm>>
      tpu.wait_dma2 semaphore(%run_scoped3A_414 : memref<!tpu.dma_semaphore, #tpu.memory_space<semaphore_mem>>) src(%dma_wait3A_430 : memref<80x128xi32, #tpu.memory_space<hbm>>) dst(%arg8 : memref<80x128xi32, #tpu.memory_space<vmem>>)
      tpu.yield
    }) : () -> ()
    "tpu.region"() ({
      %run_scoped3A_414 = tpu.sem_alloc : memref<!tpu.dma_semaphore, #tpu.memory_space<semaphore_mem>>
      %dma_start3A_415 = arith.constant 0 : i32
      %dma_start3A_416 = arith.constant 0 : i32
      %dma_start3A_417 = tpu.memref_slice %arg4[%arg0, %arg1, %dma_start3A_415, %dma_start3A_416] : memref<2x16x80x128xi32, #tpu.memory_space<hbm>> -> memref<1x1x80x128xi32, #tpu.memory_space<hbm>>
      %dma_start3A_418 = tpu.memref_squeeze %dma_start3A_417 : memref<1x1x80x128xi32, #tpu.memory_space<hbm>> -> memref<80x128xi32, #tpu.memory_space<hbm>>
      %dma_start3A_419 = arith.constant 0 : i32
      %dma_start3A_420 = arith.constant 0 : i32
      %dma_start3A_421 = tpu.memref_slice %arg4[%arg0, %arg1, %dma_start3A_419, %dma_start3A_420] : memref<2x16x80x128xi32, #tpu.memory_space<hbm>> -> memref<1x1x80x128xi32, #tpu.memory_space<hbm>>
      %dma_start3A_422 = tpu.memref_squeeze %dma_start3A_421 : memref<1x1x80x128xi32, #tpu.memory_space<hbm>> -> memref<80x128xi32, #tpu.memory_space<hbm>>
      tpu.enqueue_dma source(%dma_start3A_422 : memref<80x128xi32, #tpu.memory_space<hbm>>) target(%arg9 : memref<80x128xi32, #tpu.memory_space<vmem>>) target_semaphore(%run_scoped3A_414 : memref<!tpu.dma_semaphore, #tpu.memory_space<semaphore_mem>>)
      %dma_wait3A_423 = arith.constant 0 : i32
      %dma_wait3A_424 = arith.constant 0 : i32
      %dma_wait3A_425 = tpu.memref_slice %arg4[%arg0, %arg1, %dma_wait3A_423, %dma_wait3A_424] : memref<2x16x80x128xi32, #tpu.memory_space<hbm>> -> memref<1x1x80x128xi32, #tpu.memory_space<hbm>>
      %dma_wait3A_426 = tpu.memref_squeeze %dma_wait3A_425 : memref<1x1x80x128xi32, #tpu.memory_space<hbm>> -> memref<80x128xi32, #tpu.memory_space<hbm>>
      %dma_wait3A_427 = arith.constant 0 : i32
      %dma_wait3A_428 = arith.constant 0 : i32
      %dma_wait3A_429 = tpu.memref_slice %arg4[%arg0, %arg1, %dma_wait3A_427, %dma_wait3A_428] : memref<2x16x80x128xi32, #tpu.memory_space<hbm>> -> memref<1x1x80x128xi32, #tpu.memory_space<hbm>>
      %dma_wait3A_430 = tpu.memref_squeeze %dma_wait3A_429 : memref<1x1x80x128xi32, #tpu.memory_space<hbm>> -> memref<80x128xi32, #tpu.memory_space<hbm>>
      tpu.wait_dma2 semaphore(%run_scoped3A_414 : memref<!tpu.dma_semaphore, #tpu.memory_space<semaphore_mem>>) src(%dma_wait3A_430 : memref<80x128xi32, #tpu.memory_space<hbm>>) dst(%arg9 : memref<80x128xi32, #tpu.memory_space<vmem>>)
      tpu.yield
    }) : () -> ()
    %run_scoped3A = arith.constant 0 : i32
    "tpu.region"() ({
      %run_scoped3A_414 = tpu.sem_alloc : memref<!tpu.dma_semaphore, #tpu.memory_space<semaphore_mem>>
      %dma_start3A_415 = arith.constant 0 : i32
      %dma_start3A_416 = arith.constant 0 : i32
      %dma_start3A_417 = tpu.memref_slice %arg10[%run_scoped3A, %dma_start3A_415, %dma_start3A_416] : memref<4x128x64xf32, #tpu.memory_space<vmem>> -> memref<1x128x64xf32, #tpu.memory_space<vmem>>
      %dma_start3A_418 = tpu.memref_squeeze %dma_start3A_417 : memref<1x128x64xf32, #tpu.memory_space<vmem>> -> memref<128x64xf32, #tpu.memory_space<vmem>>
      %dma_start3A_419 = arith.constant 0 : i32
      %dma_start3A_420 = arith.constant 0 : i32
      %dma_start3A_421 = tpu.memref_slice %arg10[%run_scoped3A, %dma_start3A_419, %dma_start3A_420] : memref<4x128x64xf32, #tpu.memory_space<vmem>> -> memref<1x128x64xf32, #tpu.memory_space<vmem>>
      %dma_start3A_422 = tpu.memref_squeeze %dma_start3A_421 : memref<1x128x64xf32, #tpu.memory_space<vmem>> -> memref<128x64xf32, #tpu.memory_space<vmem>>
      tpu.enqueue_dma source(%arg5 : memref<128x64xf32, #tpu.memory_space<hbm>>) target(%dma_start3A_422 : memref<128x64xf32, #tpu.memory_space<vmem>>) target_semaphore(%run_scoped3A_414 : memref<!tpu.dma_semaphore, #tpu.memory_space<semaphore_mem>>)
      %dma_wait3A_423 = arith.constant 0 : i32
      %dma_wait3A_424 = arith.constant 0 : i32
      %dma_wait3A_425 = tpu.memref_slice %arg10[%run_scoped3A, %dma_wait3A_423, %dma_wait3A_424] : memref<4x128x64xf32, #tpu.memory_space<vmem>> -> memref<1x128x64xf32, #tpu.memory_space<vmem>>
      %dma_wait3A_426 = tpu.memref_squeeze %dma_wait3A_425 : memref<1x128x64xf32, #tpu.memory_space<vmem>> -> memref<128x64xf32, #tpu.memory_space<vmem>>
      %dma_wait3A_427 = arith.constant 0 : i32
      %dma_wait3A_428 = arith.constant 0 : i32
      %dma_wait3A_429 = tpu.memref_slice %arg10[%run_scoped3A, %dma_wait3A_427, %dma_wait3A_428] : memref<4x128x64xf32, #tpu.memory_space<vmem>> -> memref<1x128x64xf32, #tpu.memory_space<vmem>>
      %dma_wait3A_430 = tpu.memref_squeeze %dma_wait3A_429 : memref<1x128x64xf32, #tpu.memory_space<vmem>> -> memref<128x64xf32, #tpu.memory_space<vmem>>
      tpu.wait_dma2 semaphore(%run_scoped3A_414 : memref<!tpu.dma_semaphore, #tpu.memory_space<semaphore_mem>>) src(%arg5 : memref<128x64xf32, #tpu.memory_space<hbm>>) dst(%dma_wait3A_430 : memref<128x64xf32, #tpu.memory_space<vmem>>)
      tpu.yield
    }) : () -> ()
    %add3A = arith.constant 0 : i32
    %add3A_1 = arith.addi %mul3A_0, %add3A : i32
    %run_scoped3A_2 = arith.constant 0 : i32
    "tpu.region"() ({
      %run_scoped3A_414 = tpu.sem_alloc : memref<!tpu.dma_semaphore, #tpu.memory_space<semaphore_mem>>
      %dma_start3A_415 = arith.constant 0 : i32
      %dma_start3A_416 = arith.constant 0 : i32
      %dma_start3A_417 = tpu.memref_slice %arg10[%run_scoped3A_2, %dma_start3A_415, %dma_start3A_416] : memref<4x128x64xf32, #tpu.memory_space<vmem>> -> memref<1x128x64xf32, #tpu.memory_space<vmem>>
      %dma_start3A_418 = tpu.memref_squeeze %dma_start3A_417 : memref<1x128x64xf32, #tpu.memory_space<vmem>> -> memref<128x64xf32, #tpu.memory_space<vmem>>
      %dma_start3A_419 = arith.constant 0 : i32
      %dma_start3A_420 = tpu.memref_slice %arg12[%add3A_1, %dma_start3A_419] : memref<10240x64xf32, #tpu.memory_space<vmem_shared>> -> memref<128x64xf32, #tpu.memory_space<vmem_shared>>
      %dma_start3A_421 = arith.constant 0 : i32
      %dma_start3A_422 = tpu.memref_slice %arg12[%add3A_1, %dma_start3A_421] : memref<10240x64xf32, #tpu.memory_space<vmem_shared>> -> memref<128x64xf32, #tpu.memory_space<vmem_shared>>
      %dma_start3A_423 = arith.constant 0 : i32
      %dma_start3A_424 = arith.constant 0 : i32
      %dma_start3A_425 = tpu.memref_slice %arg10[%run_scoped3A_2, %dma_start3A_423, %dma_start3A_424] : memref<4x128x64xf32, #tpu.memory_space<vmem>> -> memref<1x128x64xf32, #tpu.memory_space<vmem>>
      %dma_start3A_426 = tpu.memref_squeeze %dma_start3A_425 : memref<1x128x64xf32, #tpu.memory_space<vmem>> -> memref<128x64xf32, #tpu.memory_space<vmem>>
      tpu.enqueue_dma source(%dma_start3A_426 : memref<128x64xf32, #tpu.memory_space<vmem>>) target(%dma_start3A_422 : memref<128x64xf32, #tpu.memory_space<vmem_shared>>) target_semaphore(%run_scoped3A_414 : memref<!tpu.dma_semaphore, #tpu.memory_space<semaphore_mem>>)
      %dma_wait3A_427 = arith.constant 0 : i32
      %dma_wait3A_428 = arith.constant 0 : i32
      %dma_wait3A_429 = tpu.memref_slice %arg10[%run_scoped3A_2, %dma_wait3A_427, %dma_wait3A_428] : memref<4x128x64xf32, #tpu.memory_space<vmem>> -> memref<1x128x64xf32, #tpu.memory_space<vmem>>
      %dma_wait3A_430 = tpu.memref_squeeze %dma_wait3A_429 : memref<1x128x64xf32, #tpu.memory_space<vmem>> -> memref<128x64xf32, #tpu.memory_space<vmem>>
      %dma_wait3A_431 = arith.constant 0 : i32
      %dma_wait3A_432 = tpu.memref_slice %arg12[%add3A_1, %dma_wait3A_431] : memref<10240x64xf32, #tpu.memory_space<vmem_shared>> -> memref<128x64xf32, #tpu.memory_space<vmem_shared>>
      %dma_wait3A_433 = arith.constant 0 : i32
      %dma_wait3A_434 = tpu.memref_slice %arg12[%add3A_1, %dma_wait3A_433] : memref<10240x64xf32, #tpu.memory_space<vmem_shared>> -> memref<128x64xf32, #tpu.memory_space<vmem_shared>>
      %dma_wait3A_435 = arith.constant 0 : i32
      %dma_wait3A_436 = arith.constant 0 : i32
      %dma_wait3A_437 = tpu.memref_slice %arg10[%run_scoped3A_2, %dma_wait3A_435, %dma_wait3A_436] : memref<4x128x64xf32, #tpu.memory_space<vmem>> -> memref<1x128x64xf32, #tpu.memory_space<vmem>>
      %dma_wait3A_438 = tpu.memref_squeeze %dma_wait3A_437 : memref<1x128x64xf32, #tpu.memory_space<vmem>> -> memref<128x64xf32, #tpu.memory_space<vmem>>
      tpu.wait_dma2 semaphore(%run_scoped3A_414 : memref<!tpu.dma_semaphore, #tpu.memory_space<semaphore_mem>>) src(%dma_wait3A_438 : memref<128x64xf32, #tpu.memory_space<vmem>>) dst(%dma_wait3A_434 : memref<128x64xf32, #tpu.memory_space<vmem_shared>>)
      tpu.yield
    }) : () -> ()
    %add3A_3 = arith.constant 128 : i32
    %add3A_4 = arith.addi %mul3A_0, %add3A_3 : i32
    %run_scoped3A_5 = arith.constant 0 : i32
    "tpu.region"() ({
      %run_scoped3A_414 = tpu.sem_alloc : memref<!tpu.dma_semaphore, #tpu.memory_space<semaphore_mem>>
      %dma_start3A_415 = arith.constant 0 : i32
      %dma_start3A_416 = arith.constant 0 : i32
      %dma_start3A_417 = tpu.memref_slice %arg10[%run_scoped3A_5, %dma_start3A_415, %dma_start3A_416] : memref<4x128x64xf32, #tpu.memory_space<vmem>> -> memref<1x128x64xf32, #tpu.memory_space<vmem>>
      %dma_start3A_418 = tpu.memref_squeeze %dma_start3A_417 : memref<1x128x64xf32, #tpu.memory_space<vmem>> -> memref<128x64xf32, #tpu.memory_space<vmem>>
      %dma_start3A_419 = arith.constant 0 : i32
      %dma_start3A_420 = tpu.memref_slice %arg12[%add3A_4, %dma_start3A_419] : memref<10240x64xf32, #tpu.memory_space<vmem_shared>> -> memref<128x64xf32, #tpu.memory_space<vmem_shared>>
      %dma_start3A_421 = arith.constant 0 : i32
      %dma_start3A_422 = tpu.memref_slice %arg12[%add3A_4, %dma_start3A_421] : memref<10240x64xf32, #tpu.memory_space<vmem_shared>> -> memref<128x64xf32, #tpu.memory_space<vmem_shared>>
      %dma_start3A_423 = arith.constant 0 : i32
      %dma_start3A_424 = arith.constant 0 : i32
      %dma_start3A_425 = tpu.memref_slice %arg10[%run_scoped3A_5, %dma_start3A_423, %dma_start3A_424] : memref<4x128x64xf32, #tpu.memory_space<vmem>> -> memref<1x128x64xf32, #tpu.memory_space<vmem>>
      %dma_start3A_426 = tpu.memref_squeeze %dma_start3A_425 : memref<1x128x64xf32, #tpu.memory_space<vmem>> -> memref<128x64xf32, #tpu.memory_space<vmem>>
      tpu.enqueue_dma source(%dma_start3A_426 : memref<128x64xf32, #tpu.memory_space<vmem>>) target(%dma_start3A_422 : memref<128x64xf32, #tpu.memory_space<vmem_shared>>) target_semaphore(%run_scoped3A_414 : memref<!tpu.dma_semaphore, #tpu.memory_space<semaphore_mem>>)
      %dma_wait3A_427 = arith.constant 0 : i32
      %dma_wait3A_428 = arith.constant 0 : i32
      %dma_wait3A_429 = tpu.memref_slice %arg10[%run_scoped3A_5, %dma_wait3A_427, %dma_wait3A_428] : memref<4x128x64xf32, #tpu.memory_space<vmem>> -> memref<1x128x64xf32, #tpu.memory_space<vmem>>
      %dma_wait3A_430 = tpu.memref_squeeze %dma_wait3A_429 : memref<1x128x64xf32, #tpu.memory_space<vmem>> -> memref<128x64xf32, #tpu.memory_space<vmem>>
      %dma_wait3A_431 = arith.constant 0 : i32
      %dma_wait3A_432 = tpu.memref_slice %arg12[%add3A_4, %dma_wait3A_431] : memref<10240x64xf32, #tpu.memory_space<vmem_shared>> -> memref<128x64xf32, #tpu.memory_space<vmem_shared>>
      %dma_wait3A_433 = arith.constant 0 : i32
      %dma_wait3A_434 = tpu.memref_slice %arg12[%add3A_4, %dma_wait3A_433] : memref<10240x64xf32, #tpu.memory_space<vmem_shared>> -> memref<128x64xf32, #tpu.memory_space<vmem_shared>>
      %dma_wait3A_435 = arith.constant 0 : i32
      %dma_wait3A_436 = arith.constant 0 : i32
      %dma_wait3A_437 = tpu.memref_slice %arg10[%run_scoped3A_5, %dma_wait3A_435, %dma_wait3A_436] : memref<4x128x64xf32, #tpu.memory_space<vmem>> -> memref<1x128x64xf32, #tpu.memory_space<vmem>>
      %dma_wait3A_438 = tpu.memref_squeeze %dma_wait3A_437 : memref<1x128x64xf32, #tpu.memory_space<vmem>> -> memref<128x64xf32, #tpu.memory_space<vmem>>
      tpu.wait_dma2 semaphore(%run_scoped3A_414 : memref<!tpu.dma_semaphore, #tpu.memory_space<semaphore_mem>>) src(%dma_wait3A_438 : memref<128x64xf32, #tpu.memory_space<vmem>>) dst(%dma_wait3A_434 : memref<128x64xf32, #tpu.memory_space<vmem_shared>>)
      tpu.yield
    }) : () -> ()
    %add3A_6 = arith.constant 256 : i32
    %add3A_7 = arith.addi %mul3A_0, %add3A_6 : i32
    %run_scoped3A_8 = arith.constant 0 : i32
    "tpu.region"() ({
      %run_scoped3A_414 = tpu.sem_alloc : memref<!tpu.dma_semaphore, #tpu.memory_space<semaphore_mem>>
      %dma_start3A_415 = arith.constant 0 : i32
      %dma_start3A_416 = arith.constant 0 : i32
      %dma_start3A_417 = tpu.memref_slice %arg10[%run_scoped3A_8, %dma_start3A_415, %dma_start3A_416] : memref<4x128x64xf32, #tpu.memory_space<vmem>> -> memref<1x128x64xf32, #tpu.memory_space<vmem>>
      %dma_start3A_418 = tpu.memref_squeeze %dma_start3A_417 : memref<1x128x64xf32, #tpu.memory_space<vmem>> -> memref<128x64xf32, #tpu.memory_space<vmem>>
      %dma_start3A_419 = arith.constant 0 : i32
      %dma_start3A_420 = tpu.memref_slice %arg12[%add3A_7, %dma_start3A_419] : memref<10240x64xf32, #tpu.memory_space<vmem_shared>> -> memref<128x64xf32, #tpu.memory_space<vmem_shared>>
      %dma_start3A_421 = arith.constant 0 : i32
      %dma_start3A_422 = tpu.memref_slice %arg12[%add3A_7, %dma_start3A_421] : memref<10240x64xf32, #tpu.memory_space<vmem_shared>> -> memref<128x64xf32, #tpu.memory_space<vmem_shared>>
      %dma_start3A_423 = arith.constant 0 : i32
      %dma_start3A_424 = arith.constant 0 : i32
      %dma_start3A_425 = tpu.memref_slice %arg10[%run_scoped3A_8, %dma_start3A_423, %dma_start3A_424] : memref<4x128x64xf32, #tpu.memory_space<vmem>> -> memref<1x128x64xf32, #tpu.memory_space<vmem>>
      %dma_start3A_426 = tpu.memref_squeeze %dma_start3A_425 : memref<1x128x64xf32, #tpu.memory_space<vmem>> -> memref<128x64xf32, #tpu.memory_space<vmem>>
      tpu.enqueue_dma source(%dma_start3A_426 : memref<128x64xf32, #tpu.memory_space<vmem>>) target(%dma_start3A_422 : memref<128x64xf32, #tpu.memory_space<vmem_shared>>) target_semaphore(%run_scoped3A_414 : memref<!tpu.dma_semaphore, #tpu.memory_space<semaphore_mem>>)
      %dma_wait3A_427 = arith.constant 0 : i32
      %dma_wait3A_428 = arith.constant 0 : i32
      %dma_wait3A_429 = tpu.memref_slice %arg10[%run_scoped3A_8, %dma_wait3A_427, %dma_wait3A_428] : memref<4x128x64xf32, #tpu.memory_space<vmem>> -> memref<1x128x64xf32, #tpu.memory_space<vmem>>
      %dma_wait3A_430 = tpu.memref_squeeze %dma_wait3A_429 : memref<1x128x64xf32, #tpu.memory_space<vmem>> -> memref<128x64xf32, #tpu.memory_space<vmem>>
      %dma_wait3A_431 = arith.constant 0 : i32
      %dma_wait3A_432 = tpu.memref_slice %arg12[%add3A_7, %dma_wait3A_431] : memref<10240x64xf32, #tpu.memory_space<vmem_shared>> -> memref<128x64xf32, #tpu.memory_space<vmem_shared>>
      %dma_wait3A_433 = arith.constant 0 : i32
      %dma_wait3A_434 = tpu.memref_slice %arg12[%add3A_7, %dma_wait3A_433] : memref<10240x64xf32, #tpu.memory_space<vmem_shared>> -> memref<128x64xf32, #tpu.memory_space<vmem_shared>>
      %dma_wait3A_435 = arith.constant 0 : i32
      %dma_wait3A_436 = arith.constant 0 : i32
      %dma_wait3A_437 = tpu.memref_slice %arg10[%run_scoped3A_8, %dma_wait3A_435, %dma_wait3A_436] : memref<4x128x64xf32, #tpu.memory_space<vmem>> -> memref<1x128x64xf32, #tpu.memory_space<vmem>>
      %dma_wait3A_438 = tpu.memref_squeeze %dma_wait3A_437 : memref<1x128x64xf32, #tpu.memory_space<vmem>> -> memref<128x64xf32, #tpu.memory_space<vmem>>
      tpu.wait_dma2 semaphore(%run_scoped3A_414 : memref<!tpu.dma_semaphore, #tpu.memory_space<semaphore_mem>>) src(%dma_wait3A_438 : memref<128x64xf32, #tpu.memory_space<vmem>>) dst(%dma_wait3A_434 : memref<128x64xf32, #tpu.memory_space<vmem_shared>>)
      tpu.yield
    }) : () -> ()
    %add3A_9 = arith.constant 384 : i32
    %add3A_10 = arith.addi %mul3A_0, %add3A_9 : i32
    %run_scoped3A_11 = arith.constant 0 : i32
    "tpu.region"() ({
      %run_scoped3A_414 = tpu.sem_alloc : memref<!tpu.dma_semaphore, #tpu.memory_space<semaphore_mem>>
      %dma_start3A_415 = arith.constant 0 : i32
      %dma_start3A_416 = arith.constant 0 : i32
      %dma_start3A_417 = tpu.memref_slice %arg10[%run_scoped3A_11, %dma_start3A_415, %dma_start3A_416] : memref<4x128x64xf32, #tpu.memory_space<vmem>> -> memref<1x128x64xf32, #tpu.memory_space<vmem>>
      %dma_start3A_418 = tpu.memref_squeeze %dma_start3A_417 : memref<1x128x64xf32, #tpu.memory_space<vmem>> -> memref<128x64xf32, #tpu.memory_space<vmem>>
      %dma_start3A_419 = arith.constant 0 : i32
      %dma_start3A_420 = tpu.memref_slice %arg12[%add3A_10, %dma_start3A_419] : memref<10240x64xf32, #tpu.memory_space<vmem_shared>> -> memref<128x64xf32, #tpu.memory_space<vmem_shared>>
      %dma_start3A_421 = arith.constant 0 : i32
      %dma_start3A_422 = tpu.memref_slice %arg12[%add3A_10, %dma_start3A_421] : memref<10240x64xf32, #tpu.memory_space<vmem_shared>> -> memref<128x64xf32, #tpu.memory_space<vmem_shared>>
      %dma_start3A_423 = arith.constant 0 : i32
      %dma_start3A_424 = arith.constant 0 : i32
      %dma_start3A_425 = tpu.memref_slice %arg10[%run_scoped3A_11, %dma_start3A_423, %dma_start3A_424] : memref<4x128x64xf32, #tpu.memory_space<vmem>> -> memref<1x128x64xf32, #tpu.memory_space<vmem>>
      %dma_start3A_426 = tpu.memref_squeeze %dma_start3A_425 : memref<1x128x64xf32, #tpu.memory_space<vmem>> -> memref<128x64xf32, #tpu.memory_space<vmem>>
      tpu.enqueue_dma source(%dma_start3A_426 : memref<128x64xf32, #tpu.memory_space<vmem>>) target(%dma_start3A_422 : memref<128x64xf32, #tpu.memory_space<vmem_shared>>) target_semaphore(%run_scoped3A_414 : memref<!tpu.dma_semaphore, #tpu.memory_space<semaphore_mem>>)
      %dma_wait3A_427 = arith.constant 0 : i32
      %dma_wait3A_428 = arith.constant 0 : i32
      %dma_wait3A_429 = tpu.memref_slice %arg10[%run_scoped3A_11, %dma_wait3A_427, %dma_wait3A_428] : memref<4x128x64xf32, #tpu.memory_space<vmem>> -> memref<1x128x64xf32, #tpu.memory_space<vmem>>
      %dma_wait3A_430 = tpu.memref_squeeze %dma_wait3A_429 : memref<1x128x64xf32, #tpu.memory_space<vmem>> -> memref<128x64xf32, #tpu.memory_space<vmem>>
      %dma_wait3A_431 = arith.constant 0 : i32
      %dma_wait3A_432 = tpu.memref_slice %arg12[%add3A_10, %dma_wait3A_431] : memref<10240x64xf32, #tpu.memory_space<vmem_shared>> -> memref<128x64xf32, #tpu.memory_space<vmem_shared>>
      %dma_wait3A_433 = arith.constant 0 : i32
      %dma_wait3A_434 = tpu.memref_slice %arg12[%add3A_10, %dma_wait3A_433] : memref<10240x64xf32, #tpu.memory_space<vmem_shared>> -> memref<128x64xf32, #tpu.memory_space<vmem_shared>>
      %dma_wait3A_435 = arith.constant 0 : i32
      %dma_wait3A_436 = arith.constant 0 : i32
      %dma_wait3A_437 = tpu.memref_slice %arg10[%run_scoped3A_11, %dma_wait3A_435, %dma_wait3A_436] : memref<4x128x64xf32, #tpu.memory_space<vmem>> -> memref<1x128x64xf32, #tpu.memory_space<vmem>>
      %dma_wait3A_438 = tpu.memref_squeeze %dma_wait3A_437 : memref<1x128x64xf32, #tpu.memory_space<vmem>> -> memref<128x64xf32, #tpu.memory_space<vmem>>
      tpu.wait_dma2 semaphore(%run_scoped3A_414 : memref<!tpu.dma_semaphore, #tpu.memory_space<semaphore_mem>>) src(%dma_wait3A_438 : memref<128x64xf32, #tpu.memory_space<vmem>>) dst(%dma_wait3A_434 : memref<128x64xf32, #tpu.memory_space<vmem_shared>>)
      tpu.yield
    }) : () -> ()
    %add3A_12 = arith.constant 512 : i32
    %add3A_13 = arith.addi %mul3A_0, %add3A_12 : i32
    %run_scoped3A_14 = arith.constant 0 : i32
    "tpu.region"() ({
      %run_scoped3A_414 = tpu.sem_alloc : memref<!tpu.dma_semaphore, #tpu.memory_space<semaphore_mem>>
      %dma_start3A_415 = arith.constant 0 : i32
      %dma_start3A_416 = arith.constant 0 : i32
      %dma_start3A_417 = tpu.memref_slice %arg10[%run_scoped3A_14, %dma_start3A_415, %dma_start3A_416] : memref<4x128x64xf32, #tpu.memory_space<vmem>> -> memref<1x128x64xf32, #tpu.memory_space<vmem>>
      %dma_start3A_418 = tpu.memref_squeeze %dma_start3A_417 : memref<1x128x64xf32, #tpu.memory_space<vmem>> -> memref<128x64xf32, #tpu.memory_space<vmem>>
      %dma_start3A_419 = arith.constant 0 : i32
      %dma_start3A_420 = tpu.memref_slice %arg12[%add3A_13, %dma_start3A_419] : memref<10240x64xf32, #tpu.memory_space<vmem_shared>> -> memref<128x64xf32, #tpu.memory_space<vmem_shared>>
      %dma_start3A_421 = arith.constant 0 : i32
      %dma_start3A_422 = tpu.memref_slice %arg12[%add3A_13, %dma_start3A_421] : memref<10240x64xf32, #tpu.memory_space<vmem_shared>> -> memref<128x64xf32, #tpu.memory_space<vmem_shared>>
      %dma_start3A_423 = arith.constant 0 : i32
      %dma_start3A_424 = arith.constant 0 : i32
      %dma_start3A_425 = tpu.memref_slice %arg10[%run_scoped3A_14, %dma_start3A_423, %dma_start3A_424] : memref<4x128x64xf32, #tpu.memory_space<vmem>> -> memref<1x128x64xf32, #tpu.memory_space<vmem>>
      %dma_start3A_426 = tpu.memref_squeeze %dma_start3A_425 : memref<1x128x64xf32, #tpu.memory_space<vmem>> -> memref<128x64xf32, #tpu.memory_space<vmem>>
      tpu.enqueue_dma source(%dma_start3A_426 : memref<128x64xf32, #tpu.memory_space<vmem>>) target(%dma_start3A_422 : memref<128x64xf32, #tpu.memory_space<vmem_shared>>) target_semaphore(%run_scoped3A_414 : memref<!tpu.dma_semaphore, #tpu.memory_space<semaphore_mem>>)
      %dma_wait3A_427 = arith.constant 0 : i32
      %dma_wait3A_428 = arith.constant 0 : i32
      %dma_wait3A_429 = tpu.memref_slice %arg10[%run_scoped3A_14, %dma_wait3A_427, %dma_wait3A_428] : memref<4x128x64xf32, #tpu.memory_space<vmem>> -> memref<1x128x64xf32, #tpu.memory_space<vmem>>
      %dma_wait3A_430 = tpu.memref_squeeze %dma_wait3A_429 : memref<1x128x64xf32, #tpu.memory_space<vmem>> -> memref<128x64xf32, #tpu.memory_space<vmem>>
      %dma_wait3A_431 = arith.constant 0 : i32
      %dma_wait3A_432 = tpu.memref_slice %arg12[%add3A_13, %dma_wait3A_431] : memref<10240x64xf32, #tpu.memory_space<vmem_shared>> -> memref<128x64xf32, #tpu.memory_space<vmem_shared>>
      %dma_wait3A_433 = arith.constant 0 : i32
      %dma_wait3A_434 = tpu.memref_slice %arg12[%add3A_13, %dma_wait3A_433] : memref<10240x64xf32, #tpu.memory_space<vmem_shared>> -> memref<128x64xf32, #tpu.memory_space<vmem_shared>>
      %dma_wait3A_435 = arith.constant 0 : i32
      %dma_wait3A_436 = arith.constant 0 : i32
      %dma_wait3A_437 = tpu.memref_slice %arg10[%run_scoped3A_14, %dma_wait3A_435, %dma_wait3A_436] : memref<4x128x64xf32, #tpu.memory_space<vmem>> -> memref<1x128x64xf32, #tpu.memory_space<vmem>>
      %dma_wait3A_438 = tpu.memref_squeeze %dma_wait3A_437 : memref<1x128x64xf32, #tpu.memory_space<vmem>> -> memref<128x64xf32, #tpu.memory_space<vmem>>
      tpu.wait_dma2 semaphore(%run_scoped3A_414 : memref<!tpu.dma_semaphore, #tpu.memory_space<semaphore_mem>>) src(%dma_wait3A_438 : memref<128x64xf32, #tpu.memory_space<vmem>>) dst(%dma_wait3A_434 : memref<128x64xf32, #tpu.memory_space<vmem_shared>>)
      tpu.yield
    }) : () -> ()
    %broadcast_in_dim3A = arith.constant 0.000000e+00 : f32
    %broadcast_in_dim3A_15 = vector.broadcast %broadcast_in_dim3A : f32 to vector<16xf32>
    %broadcast_in_dim3A_16 = arith.constant 1.000000e+00 : f32
    %broadcast_in_dim3A_17 = vector.broadcast %broadcast_in_dim3A_16 : f32 to vector<16xf32>
    %scan3A = arith.constant 0 : i32
    %scan3A_18 = arith.constant 0 : i32
    %scan3A_19 = arith.constant 640 : i32
    %scan3A_20 = arith.addi %scan3A_18, %scan3A_19 : i32
    %scan3A_21 = arith.constant 1 : i32
    %scan3A_22 = scf.for %scan3A_414 = %scan3A_18 to %scan3A_20 step %scan3A_21 iter_args(%scan3A_415 = %scan3A) -> (i32)  : i32 {
      %mul3A_416 = arith.constant 16 : i32
      %mul3A_417 = arith.muli %scan3A_414, %mul3A_416 : i32
      %swap3A = arith.index_cast %mul3A_417 : i32 to index
      %swap3A_418 = tpu.vector_load %arg11[%swap3A] {strides = array<i32>} : memref<10240xf32, #tpu.memory_space<vmem>>, vector<16xf32>,
      tpu.vector_store %arg11[%swap3A], %broadcast_in_dim3A_15 {strides = array<i32>} : memref<10240xf32, #tpu.memory_space<vmem>>, vector<16xf32>,
      %scan3A_419 = arith.constant 0 : i32
      scf.yield %scan3A_419 : i32
    }
    %scan3A_23 = arith.constant 640 : i32
    %scan3A_24 = arith.constant 0 : i32
    %scan3A_25 = arith.constant 0 : i32
    %scan3A_26 = arith.constant 640 : i32
    %scan3A_27 = arith.addi %scan3A_25, %scan3A_26 : i32
    %scan3A_28 = arith.constant 1 : i32
    %scan3A_29 = scf.for %scan3A_414 = %scan3A_25 to %scan3A_27 step %scan3A_28 iter_args(%scan3A_415 = %scan3A_24) -> (i32)  : i32 {
      %jit3A = arith.constant 8 : i32
      %div3A = arith.divsi %scan3A_414, %jit3A : i32
      %sign3A = arith.constant 0 : i32
      %sign3A_416 = arith.cmpi sgt, %scan3A_414, %sign3A : i32
      %sign3A_417 = arith.extui %sign3A_416 : i1 to i32
      %sign3A_418 = arith.constant 0 : i32
      %sign3A_419 = arith.cmpi slt, %scan3A_414, %sign3A_418 : i32
      %sign3A_420 = arith.extui %sign3A_419 : i1 to i32
      %sign3A_421 = arith.subi %sign3A_417, %sign3A_420 : i32
      %sign3A_422 = arith.constant 0 : i32
      %sign3A_423 = arith.cmpi sgt, %jit3A, %sign3A_422 : i32
      %sign3A_424 = arith.extui %sign3A_423 : i1 to i32
      %sign3A_425 = arith.constant 0 : i32
      %sign3A_426 = arith.cmpi slt, %jit3A, %sign3A_425 : i32
      %sign3A_427 = arith.extui %sign3A_426 : i1 to i32
      %sign3A_428 = arith.subi %sign3A_424, %sign3A_427 : i32
      %ne3A = arith.cmpi ne, %sign3A_421, %sign3A_428 : i32
      %rem3A = arith.remsi %scan3A_414, %jit3A : i32
      %ne3A_429 = arith.constant 0 : i32
      %ne3A_430 = arith.cmpi ne, %rem3A, %ne3A_429 : i32
      %and3A = arith.andi %ne3A, %ne3A_430 : i1
      %sub3A = arith.constant 1 : i32
      %sub3A_431 = arith.subi %div3A, %sub3A : i32
      %select_n3A = arith.select %and3A, %sub3A_431, %div3A : i32
      %jit3A_432 = arith.constant 8 : i32
      %eq3A = arith.constant 0 : i32
      %eq3A_433 = arith.cmpi eq, %jit3A_432, %eq3A : i32
      %jit3A_434 = arith.constant 1 : i32
      %select_n3A_435 = arith.select %eq3A_433, %jit3A_434, %jit3A_432 : i32
      %rem3A_436 = arith.remsi %scan3A_414, %select_n3A_435 : i32
      %ne3A_437 = arith.constant 0 : i32
      %ne3A_438 = arith.cmpi ne, %rem3A_436, %ne3A_437 : i32
      %lt3A = arith.constant 0 : i32
      %lt3A_439 = arith.cmpi slt, %rem3A_436, %lt3A : i32
      %lt3A_440 = arith.constant 0 : i32
      %lt3A_441 = arith.cmpi slt, %select_n3A_435, %lt3A_440 : i32
      %ne3A_442 = arith.xori %lt3A_439, %lt3A_441 : i1
      %and3A_443 = arith.andi %ne3A_442, %ne3A_438 : i1
      %add3A_444 = arith.addi %rem3A_436, %select_n3A_435 : i32
      %select_n3A_445 = arith.select %and3A_443, %add3A_444, %rem3A_436 : i32
      %mul3A_446 = arith.constant 16 : i32
      %mul3A_447 = arith.muli %select_n3A_445, %mul3A_446 : i32
      %get3A = arith.index_cast %select_n3A : i32 to index
      %get3A_448 = arith.index_cast %mul3A_447 : i32 to index
      %get3A_449 = tpu.vector_load %arg9[%get3A, %get3A_448] {strides = array<i32>} : memref<80x128xi32, #tpu.memory_space<vmem>>, vector<16xi32>,
      tpu.vector_store_idx %arg11[%get3A_449], %broadcast_in_dim3A_17 {add = true} : memref<10240xf32, #tpu.memory_space<vmem>>[vector<16xi32>], vector<16xf32>,
      %scan3A_450 = arith.constant 0 : i32
      scf.yield %scan3A_450 : i32
    }
    %scan3A_30 = arith.constant 640 : i32
    "tpu.region"() ({
      %run_scoped3A_414 = tpu.sem_alloc : memref<!tpu.dma_semaphore, #tpu.memory_space<semaphore_mem>>
      %dma_start3A_415 = arith.constant 0 : i32
      %dma_start3A_416 = tpu.memref_slice %arg7[%arg0, %arg1, %dma_start3A_415] : memref<2x16x10240xf32, #tpu.memory_space<hbm>> -> memref<1x1x10240xf32, #tpu.memory_space<hbm>>
      %dma_start3A_417 = tpu.memref_squeeze %dma_start3A_416 : memref<1x1x10240xf32, #tpu.memory_space<hbm>> -> memref<10240xf32, #tpu.memory_space<hbm>>
      %dma_start3A_418 = arith.constant 0 : i32
      %dma_start3A_419 = tpu.memref_slice %arg7[%arg0, %arg1, %dma_start3A_418] : memref<2x16x10240xf32, #tpu.memory_space<hbm>> -> memref<1x1x10240xf32, #tpu.memory_space<hbm>>
      %dma_start3A_420 = tpu.memref_squeeze %dma_start3A_419 : memref<1x1x10240xf32, #tpu.memory_space<hbm>> -> memref<10240xf32, #tpu.memory_space<hbm>>
      tpu.enqueue_dma source(%arg11 : memref<10240xf32, #tpu.memory_space<vmem>>) target(%dma_start3A_420 : memref<10240xf32, #tpu.memory_space<hbm>>) target_semaphore(%run_scoped3A_414 : memref<!tpu.dma_semaphore, #tpu.memory_space<semaphore_mem>>)
      %dma_wait3A_421 = arith.constant 0 : i32
      %dma_wait3A_422 = tpu.memref_slice %arg7[%arg0, %arg1, %dma_wait3A_421] : memref<2x16x10240xf32, #tpu.memory_space<hbm>> -> memref<1x1x10240xf32, #tpu.memory_space<hbm>>
      %dma_wait3A_423 = tpu.memref_squeeze %dma_wait3A_422 : memref<1x1x10240xf32, #tpu.memory_space<hbm>> -> memref<10240xf32, #tpu.memory_space<hbm>>
      %dma_wait3A_424 = arith.constant 0 : i32
      %dma_wait3A_425 = tpu.memref_slice %arg7[%arg0, %arg1, %dma_wait3A_424] : memref<2x16x10240xf32, #tpu.memory_space<hbm>> -> memref<1x1x10240xf32, #tpu.memory_space<hbm>>
      %dma_wait3A_426 = tpu.memref_squeeze %dma_wait3A_425 : memref<1x1x10240xf32, #tpu.memory_space<hbm>> -> memref<10240xf32, #tpu.memory_space<hbm>>
      tpu.wait_dma2 semaphore(%run_scoped3A_414 : memref<!tpu.dma_semaphore, #tpu.memory_space<semaphore_mem>>) src(%arg11 : memref<10240xf32, #tpu.memory_space<vmem>>) dst(%dma_wait3A_426 : memref<10240xf32, #tpu.memory_space<hbm>>)
      tpu.yield
    }) : () -> ()
    %barrier3A = arith.constant 0 : index
    tpu.barrier barrier_id(%barrier3A)
    %dma_start3A = arith.constant 0 : i32
    %dma_start3A_31 = arith.constant 0 : i32
    %dma_start3A_32 = arith.constant 0 : i32
    %dma_start3A_33 = arith.constant 0 : i32
    %dma_start3A_34 = tpu.memref_slice %arg10[%dma_start3A_31, %dma_start3A_32, %dma_start3A_33] : memref<4x128x64xf32, #tpu.memory_space<vmem>> -> memref<1x128x64xf32, #tpu.memory_space<vmem>>
    %dma_start3A_35 = tpu.memref_squeeze %dma_start3A_34 : memref<1x128x64xf32, #tpu.memory_space<vmem>> -> memref<128x64xf32, #tpu.memory_space<vmem>>
    %dma_start3A_36 = arith.constant 0 : i32
    %dma_start3A_37 = tpu.memref_slice %arg8[%dma_start3A, %dma_start3A_36] : memref<80x128xi32, #tpu.memory_space<vmem>> -> memref<1x128xi32, #tpu.memory_space<vmem>>
    %dma_start3A_38 = tpu.memref_squeeze %dma_start3A_37 : memref<1x128xi32, #tpu.memory_space<vmem>> -> memref<128xi32, #tpu.memory_space<vmem>>
    %dma_start3A_39 = arith.constant 0 : i32
    %dma_start3A_40 = arith.constant 0 : i32
    %dma_start3A_41 = tpu.memref_slice %arg2[%dma_start3A_39, %dma_start3A_40] : memref<20000x64xf32, #tpu.memory_space<hbm>> -> memref<20000x64xf32, #tpu.memory_space<hbm>>
    tpu.enqueue_indirect_dma source(%dma_start3A_41 : memref<20000x64xf32, #tpu.memory_space<hbm>>) target(%dma_start3A_35 : memref<128x64xf32, #tpu.memory_space<vmem>>) offsets(%dma_start3A_38 : memref<128xi32, #tpu.memory_space<vmem>>) semaphore(%arg13 : memref<!tpu.dma_semaphore, #tpu.memory_space<semaphore_mem>>)
    %dma_start3A_42 = arith.constant 1 : i32
    %dma_start3A_43 = arith.constant 1 : i32
    %dma_start3A_44 = arith.constant 0 : i32
    %dma_start3A_45 = arith.constant 0 : i32
    %dma_start3A_46 = tpu.memref_slice %arg10[%dma_start3A_43, %dma_start3A_44, %dma_start3A_45] : memref<4x128x64xf32, #tpu.memory_space<vmem>> -> memref<1x128x64xf32, #tpu.memory_space<vmem>>
    %dma_start3A_47 = tpu.memref_squeeze %dma_start3A_46 : memref<1x128x64xf32, #tpu.memory_space<vmem>> -> memref<128x64xf32, #tpu.memory_space<vmem>>
    %dma_start3A_48 = arith.constant 0 : i32
    %dma_start3A_49 = tpu.memref_slice %arg8[%dma_start3A_42, %dma_start3A_48] : memref<80x128xi32, #tpu.memory_space<vmem>> -> memref<1x128xi32, #tpu.memory_space<vmem>>
    %dma_start3A_50 = tpu.memref_squeeze %dma_start3A_49 : memref<1x128xi32, #tpu.memory_space<vmem>> -> memref<128xi32, #tpu.memory_space<vmem>>
    %dma_start3A_51 = arith.constant 0 : i32
    %dma_start3A_52 = arith.constant 0 : i32
    %dma_start3A_53 = tpu.memref_slice %arg2[%dma_start3A_51, %dma_start3A_52] : memref<20000x64xf32, #tpu.memory_space<hbm>> -> memref<20000x64xf32, #tpu.memory_space<hbm>>
    tpu.enqueue_indirect_dma source(%dma_start3A_53 : memref<20000x64xf32, #tpu.memory_space<hbm>>) target(%dma_start3A_47 : memref<128x64xf32, #tpu.memory_space<vmem>>) offsets(%dma_start3A_50 : memref<128xi32, #tpu.memory_space<vmem>>) semaphore(%arg14 : memref<!tpu.dma_semaphore, #tpu.memory_space<semaphore_mem>>)
    %dma_start3A_54 = arith.constant 2 : i32
    %dma_start3A_55 = arith.constant 2 : i32
    %dma_start3A_56 = arith.constant 0 : i32
    %dma_start3A_57 = arith.constant 0 : i32
    %dma_start3A_58 = tpu.memref_slice %arg10[%dma_start3A_55, %dma_start3A_56, %dma_start3A_57] : memref<4x128x64xf32, #tpu.memory_space<vmem>> -> memref<1x128x64xf32, #tpu.memory_space<vmem>>
    %dma_start3A_59 = tpu.memref_squeeze %dma_start3A_58 : memref<1x128x64xf32, #tpu.memory_space<vmem>> -> memref<128x64xf32, #tpu.memory_space<vmem>>
    %dma_start3A_60 = arith.constant 0 : i32
    %dma_start3A_61 = tpu.memref_slice %arg8[%dma_start3A_54, %dma_start3A_60] : memref<80x128xi32, #tpu.memory_space<vmem>> -> memref<1x128xi32, #tpu.memory_space<vmem>>
    %dma_start3A_62 = tpu.memref_squeeze %dma_start3A_61 : memref<1x128xi32, #tpu.memory_space<vmem>> -> memref<128xi32, #tpu.memory_space<vmem>>
    %dma_start3A_63 = arith.constant 0 : i32
    %dma_start3A_64 = arith.constant 0 : i32
    %dma_start3A_65 = tpu.memref_slice %arg2[%dma_start3A_63, %dma_start3A_64] : memref<20000x64xf32, #tpu.memory_space<hbm>> -> memref<20000x64xf32, #tpu.memory_space<hbm>>
    tpu.enqueue_indirect_dma source(%dma_start3A_65 : memref<20000x64xf32, #tpu.memory_space<hbm>>) target(%dma_start3A_59 : memref<128x64xf32, #tpu.memory_space<vmem>>) offsets(%dma_start3A_62 : memref<128xi32, #tpu.memory_space<vmem>>) semaphore(%arg15 : memref<!tpu.dma_semaphore, #tpu.memory_space<semaphore_mem>>)
    %dma_start3A_66 = arith.constant 3 : i32
    %dma_start3A_67 = arith.constant 3 : i32
    %dma_start3A_68 = arith.constant 0 : i32
    %dma_start3A_69 = arith.constant 0 : i32
    %dma_start3A_70 = tpu.memref_slice %arg10[%dma_start3A_67, %dma_start3A_68, %dma_start3A_69] : memref<4x128x64xf32, #tpu.memory_space<vmem>> -> memref<1x128x64xf32, #tpu.memory_space<vmem>>
    %dma_start3A_71 = tpu.memref_squeeze %dma_start3A_70 : memref<1x128x64xf32, #tpu.memory_space<vmem>> -> memref<128x64xf32, #tpu.memory_space<vmem>>
    %dma_start3A_72 = arith.constant 0 : i32
    %dma_start3A_73 = tpu.memref_slice %arg8[%dma_start3A_66, %dma_start3A_72] : memref<80x128xi32, #tpu.memory_space<vmem>> -> memref<1x128xi32, #tpu.memory_space<vmem>>
    %dma_start3A_74 = tpu.memref_squeeze %dma_start3A_73 : memref<1x128xi32, #tpu.memory_space<vmem>> -> memref<128xi32, #tpu.memory_space<vmem>>
    %dma_start3A_75 = arith.constant 0 : i32
    %dma_start3A_76 = arith.constant 0 : i32
    %dma_start3A_77 = tpu.memref_slice %arg2[%dma_start3A_75, %dma_start3A_76] : memref<20000x64xf32, #tpu.memory_space<hbm>> -> memref<20000x64xf32, #tpu.memory_space<hbm>>
    tpu.enqueue_indirect_dma source(%dma_start3A_77 : memref<20000x64xf32, #tpu.memory_space<hbm>>) target(%dma_start3A_71 : memref<128x64xf32, #tpu.memory_space<vmem>>) offsets(%dma_start3A_74 : memref<128xi32, #tpu.memory_space<vmem>>) semaphore(%arg16 : memref<!tpu.dma_semaphore, #tpu.memory_space<semaphore_mem>>)
    %scan3A_78 = arith.constant 0 : i32
    %scan3A_79 = arith.constant 0 : i32
    %scan3A_80 = arith.constant 19 : i32
    %scan3A_81 = arith.addi %scan3A_79, %scan3A_80 : i32
    %scan3A_82 = arith.constant 1 : i32
    %scan3A_83 = scf.for %scan3A_414 = %scan3A_79 to %scan3A_81 step %scan3A_82 iter_args(%scan3A_415 = %scan3A_78) -> (i32)  : i32 {
      %mul3A_416 = arith.constant 4 : i32
      %mul3A_417 = arith.muli %scan3A_414, %mul3A_416 : i32
      %add3A_418 = arith.constant 0 : i32
      %add3A_419 = arith.addi %mul3A_417, %add3A_418 : i32
      %dma_wait3A_420 = arith.constant 0 : i32
      %dma_wait3A_421 = arith.constant 0 : i32
      %dma_wait3A_422 = arith.constant 0 : i32
      %dma_wait3A_423 = tpu.memref_slice %arg10[%dma_wait3A_420, %dma_wait3A_421, %dma_wait3A_422] : memref<4x128x64xf32, #tpu.memory_space<vmem>> -> memref<1x128x64xf32, #tpu.memory_space<vmem>>
      %dma_wait3A_424 = tpu.memref_squeeze %dma_wait3A_423 : memref<1x128x64xf32, #tpu.memory_space<vmem>> -> memref<128x64xf32, #tpu.memory_space<vmem>>
      %dma_wait3A_425 = arith.constant 0 : i32
      %dma_wait3A_426 = tpu.memref_slice %arg8[%add3A_419, %dma_wait3A_425] : memref<80x128xi32, #tpu.memory_space<vmem>> -> memref<1x128xi32, #tpu.memory_space<vmem>>
      %dma_wait3A_427 = tpu.memref_squeeze %dma_wait3A_426 : memref<1x128xi32, #tpu.memory_space<vmem>> -> memref<128xi32, #tpu.memory_space<vmem>>
      %dma_wait3A_428 = arith.constant 0 : i32
      %dma_wait3A_429 = arith.constant 0 : i32
      %dma_wait3A_430 = tpu.memref_slice %arg2[%dma_wait3A_428, %dma_wait3A_429] : memref<20000x64xf32, #tpu.memory_space<hbm>> -> memref<20000x64xf32, #tpu.memory_space<hbm>>
      tpu.wait_indirect_dma semaphore(%arg13 : memref<!tpu.dma_semaphore, #tpu.memory_space<semaphore_mem>>) src(%dma_wait3A_430 : memref<20000x64xf32, #tpu.memory_space<hbm>>) dst(%dma_wait3A_424 : memref<128x64xf32, #tpu.memory_space<vmem>>)
      %add3A_431 = arith.constant 0 : i32
      %add3A_432 = arith.addi %mul3A_417, %add3A_431 : i32
      %dma_start3A_433 = arith.constant 0 : i32
      %dma_start3A_434 = arith.constant 0 : i32
      %dma_start3A_435 = arith.constant 0 : i32
      %dma_start3A_436 = tpu.memref_slice %arg10[%dma_start3A_433, %dma_start3A_434, %dma_start3A_435] : memref<4x128x64xf32, #tpu.memory_space<vmem>> -> memref<1x128x64xf32, #tpu.memory_space<vmem>>
      %dma_start3A_437 = tpu.memref_squeeze %dma_start3A_436 : memref<1x128x64xf32, #tpu.memory_space<vmem>> -> memref<128x64xf32, #tpu.memory_space<vmem>>
      %dma_start3A_438 = arith.constant 0 : i32
      %dma_start3A_439 = tpu.memref_slice %arg9[%add3A_432, %dma_start3A_438] : memref<80x128xi32, #tpu.memory_space<vmem>> -> memref<1x128xi32, #tpu.memory_space<vmem>>
      %dma_start3A_440 = tpu.memref_squeeze %dma_start3A_439 : memref<1x128xi32, #tpu.memory_space<vmem>> -> memref<128xi32, #tpu.memory_space<vmem>>
      %dma_start3A_441 = arith.constant 0 : i32
      %dma_start3A_442 = arith.constant 0 : i32
      %dma_start3A_443 = tpu.memref_slice %arg12[%dma_start3A_441, %dma_start3A_442] : memref<10240x64xf32, #tpu.memory_space<vmem_shared>> -> memref<10240x64xf32, #tpu.memory_space<vmem_shared>>
      tpu.enqueue_indirect_dma source(%dma_start3A_437 : memref<128x64xf32, #tpu.memory_space<vmem>>) target(%dma_start3A_443 : memref<10240x64xf32, #tpu.memory_space<vmem_shared>>) offsets(%dma_start3A_440 : memref<128xi32, #tpu.memory_space<vmem>>) semaphore(%arg17 : memref<!tpu.dma_semaphore, #tpu.memory_space<semaphore_mem>>) {add = true}
      %add3A_444 = arith.constant 1 : i32
      %add3A_445 = arith.addi %mul3A_417, %add3A_444 : i32
      %dma_wait3A_446 = arith.constant 1 : i32
      %dma_wait3A_447 = arith.constant 0 : i32
      %dma_wait3A_448 = arith.constant 0 : i32
      %dma_wait3A_449 = tpu.memref_slice %arg10[%dma_wait3A_446, %dma_wait3A_447, %dma_wait3A_448] : memref<4x128x64xf32, #tpu.memory_space<vmem>> -> memref<1x128x64xf32, #tpu.memory_space<vmem>>
      %dma_wait3A_450 = tpu.memref_squeeze %dma_wait3A_449 : memref<1x128x64xf32, #tpu.memory_space<vmem>> -> memref<128x64xf32, #tpu.memory_space<vmem>>
      %dma_wait3A_451 = arith.constant 0 : i32
      %dma_wait3A_452 = tpu.memref_slice %arg8[%add3A_445, %dma_wait3A_451] : memref<80x128xi32, #tpu.memory_space<vmem>> -> memref<1x128xi32, #tpu.memory_space<vmem>>
      %dma_wait3A_453 = tpu.memref_squeeze %dma_wait3A_452 : memref<1x128xi32, #tpu.memory_space<vmem>> -> memref<128xi32, #tpu.memory_space<vmem>>
      %dma_wait3A_454 = arith.constant 0 : i32
      %dma_wait3A_455 = arith.constant 0 : i32
      %dma_wait3A_456 = tpu.memref_slice %arg2[%dma_wait3A_454, %dma_wait3A_455] : memref<20000x64xf32, #tpu.memory_space<hbm>> -> memref<20000x64xf32, #tpu.memory_space<hbm>>
      tpu.wait_indirect_dma semaphore(%arg14 : memref<!tpu.dma_semaphore, #tpu.memory_space<semaphore_mem>>) src(%dma_wait3A_456 : memref<20000x64xf32, #tpu.memory_space<hbm>>) dst(%dma_wait3A_450 : memref<128x64xf32, #tpu.memory_space<vmem>>)
      %add3A_457 = arith.constant 1 : i32
      %add3A_458 = arith.addi %mul3A_417, %add3A_457 : i32
      %dma_start3A_459 = arith.constant 1 : i32
      %dma_start3A_460 = arith.constant 0 : i32
      %dma_start3A_461 = arith.constant 0 : i32
      %dma_start3A_462 = tpu.memref_slice %arg10[%dma_start3A_459, %dma_start3A_460, %dma_start3A_461] : memref<4x128x64xf32, #tpu.memory_space<vmem>> -> memref<1x128x64xf32, #tpu.memory_space<vmem>>
      %dma_start3A_463 = tpu.memref_squeeze %dma_start3A_462 : memref<1x128x64xf32, #tpu.memory_space<vmem>> -> memref<128x64xf32, #tpu.memory_space<vmem>>
      %dma_start3A_464 = arith.constant 0 : i32
      %dma_start3A_465 = tpu.memref_slice %arg9[%add3A_458, %dma_start3A_464] : memref<80x128xi32, #tpu.memory_space<vmem>> -> memref<1x128xi32, #tpu.memory_space<vmem>>
      %dma_start3A_466 = tpu.memref_squeeze %dma_start3A_465 : memref<1x128xi32, #tpu.memory_space<vmem>> -> memref<128xi32, #tpu.memory_space<vmem>>
      %dma_start3A_467 = arith.constant 0 : i32
      %dma_start3A_468 = arith.constant 0 : i32
      %dma_start3A_469 = tpu.memref_slice %arg12[%dma_start3A_467, %dma_start3A_468] : memref<10240x64xf32, #tpu.memory_space<vmem_shared>> -> memref<10240x64xf32, #tpu.memory_space<vmem_shared>>
      tpu.enqueue_indirect_dma source(%dma_start3A_463 : memref<128x64xf32, #tpu.memory_space<vmem>>) target(%dma_start3A_469 : memref<10240x64xf32, #tpu.memory_space<vmem_shared>>) offsets(%dma_start3A_466 : memref<128xi32, #tpu.memory_space<vmem>>) semaphore(%arg18 : memref<!tpu.dma_semaphore, #tpu.memory_space<semaphore_mem>>) {add = true}
      %add3A_470 = arith.constant 2 : i32
      %add3A_471 = arith.addi %mul3A_417, %add3A_470 : i32
      %add3A_472 = arith.constant 0 : i32
      %add3A_473 = arith.addi %add3A_471, %add3A_472 : i32
      %dma_wait3A_474 = arith.constant 2 : i32
      %dma_wait3A_475 = arith.constant 0 : i32
      %dma_wait3A_476 = arith.constant 0 : i32
      %dma_wait3A_477 = tpu.memref_slice %arg10[%dma_wait3A_474, %dma_wait3A_475, %dma_wait3A_476] : memref<4x128x64xf32, #tpu.memory_space<vmem>> -> memref<1x128x64xf32, #tpu.memory_space<vmem>>
      %dma_wait3A_478 = tpu.memref_squeeze %dma_wait3A_477 : memref<1x128x64xf32, #tpu.memory_space<vmem>> -> memref<128x64xf32, #tpu.memory_space<vmem>>
      %dma_wait3A_479 = arith.constant 0 : i32
      %dma_wait3A_480 = tpu.memref_slice %arg8[%add3A_473, %dma_wait3A_479] : memref<80x128xi32, #tpu.memory_space<vmem>> -> memref<1x128xi32, #tpu.memory_space<vmem>>
      %dma_wait3A_481 = tpu.memref_squeeze %dma_wait3A_480 : memref<1x128xi32, #tpu.memory_space<vmem>> -> memref<128xi32, #tpu.memory_space<vmem>>
      %dma_wait3A_482 = arith.constant 0 : i32
      %dma_wait3A_483 = arith.constant 0 : i32
      %dma_wait3A_484 = tpu.memref_slice %arg2[%dma_wait3A_482, %dma_wait3A_483] : memref<20000x64xf32, #tpu.memory_space<hbm>> -> memref<20000x64xf32, #tpu.memory_space<hbm>>
      tpu.wait_indirect_dma semaphore(%arg15 : memref<!tpu.dma_semaphore, #tpu.memory_space<semaphore_mem>>) src(%dma_wait3A_484 : memref<20000x64xf32, #tpu.memory_space<hbm>>) dst(%dma_wait3A_478 : memref<128x64xf32, #tpu.memory_space<vmem>>)
      %add3A_485 = arith.constant 2 : i32
      %add3A_486 = arith.addi %mul3A_417, %add3A_485 : i32
      %add3A_487 = arith.constant 0 : i32
      %add3A_488 = arith.addi %add3A_486, %add3A_487 : i32
      %dma_start3A_489 = arith.constant 2 : i32
      %dma_start3A_490 = arith.constant 0 : i32
      %dma_start3A_491 = arith.constant 0 : i32
      %dma_start3A_492 = tpu.memref_slice %arg10[%dma_start3A_489, %dma_start3A_490, %dma_start3A_491] : memref<4x128x64xf32, #tpu.memory_space<vmem>> -> memref<1x128x64xf32, #tpu.memory_space<vmem>>
      %dma_start3A_493 = tpu.memref_squeeze %dma_start3A_492 : memref<1x128x64xf32, #tpu.memory_space<vmem>> -> memref<128x64xf32, #tpu.memory_space<vmem>>
      %dma_start3A_494 = arith.constant 0 : i32
      %dma_start3A_495 = tpu.memref_slice %arg9[%add3A_488, %dma_start3A_494] : memref<80x128xi32, #tpu.memory_space<vmem>> -> memref<1x128xi32, #tpu.memory_space<vmem>>
      %dma_start3A_496 = tpu.memref_squeeze %dma_start3A_495 : memref<1x128xi32, #tpu.memory_space<vmem>> -> memref<128xi32, #tpu.memory_space<vmem>>
      %dma_start3A_497 = arith.constant 0 : i32
      %dma_start3A_498 = arith.constant 0 : i32
      %dma_start3A_499 = tpu.memref_slice %arg12[%dma_start3A_497, %dma_start3A_498] : memref<10240x64xf32, #tpu.memory_space<vmem_shared>> -> memref<10240x64xf32, #tpu.memory_space<vmem_shared>>
      tpu.enqueue_indirect_dma source(%dma_start3A_493 : memref<128x64xf32, #tpu.memory_space<vmem>>) target(%dma_start3A_499 : memref<10240x64xf32, #tpu.memory_space<vmem_shared>>) offsets(%dma_start3A_496 : memref<128xi32, #tpu.memory_space<vmem>>) semaphore(%arg19 : memref<!tpu.dma_semaphore, #tpu.memory_space<semaphore_mem>>) {add = true}
      %add3A_500 = arith.constant 2 : i32
      %add3A_501 = arith.addi %mul3A_417, %add3A_500 : i32
      %add3A_502 = arith.constant 1 : i32
      %add3A_503 = arith.addi %add3A_501, %add3A_502 : i32
      %dma_wait3A_504 = arith.constant 3 : i32
      %dma_wait3A_505 = arith.constant 0 : i32
      %dma_wait3A_506 = arith.constant 0 : i32
      %dma_wait3A_507 = tpu.memref_slice %arg10[%dma_wait3A_504, %dma_wait3A_505, %dma_wait3A_506] : memref<4x128x64xf32, #tpu.memory_space<vmem>> -> memref<1x128x64xf32, #tpu.memory_space<vmem>>
      %dma_wait3A_508 = tpu.memref_squeeze %dma_wait3A_507 : memref<1x128x64xf32, #tpu.memory_space<vmem>> -> memref<128x64xf32, #tpu.memory_space<vmem>>
      %dma_wait3A_509 = arith.constant 0 : i32
      %dma_wait3A_510 = tpu.memref_slice %arg8[%add3A_503, %dma_wait3A_509] : memref<80x128xi32, #tpu.memory_space<vmem>> -> memref<1x128xi32, #tpu.memory_space<vmem>>
      %dma_wait3A_511 = tpu.memref_squeeze %dma_wait3A_510 : memref<1x128xi32, #tpu.memory_space<vmem>> -> memref<128xi32, #tpu.memory_space<vmem>>
      %dma_wait3A_512 = arith.constant 0 : i32
      %dma_wait3A_513 = arith.constant 0 : i32
      %dma_wait3A_514 = tpu.memref_slice %arg2[%dma_wait3A_512, %dma_wait3A_513] : memref<20000x64xf32, #tpu.memory_space<hbm>> -> memref<20000x64xf32, #tpu.memory_space<hbm>>
      tpu.wait_indirect_dma semaphore(%arg16 : memref<!tpu.dma_semaphore, #tpu.memory_space<semaphore_mem>>) src(%dma_wait3A_514 : memref<20000x64xf32, #tpu.memory_space<hbm>>) dst(%dma_wait3A_508 : memref<128x64xf32, #tpu.memory_space<vmem>>)
      %add3A_515 = arith.constant 2 : i32
      %add3A_516 = arith.addi %mul3A_417, %add3A_515 : i32
      %add3A_517 = arith.constant 1 : i32
      %add3A_518 = arith.addi %add3A_516, %add3A_517 : i32
      %dma_start3A_519 = arith.constant 3 : i32
      %dma_start3A_520 = arith.constant 0 : i32
      %dma_start3A_521 = arith.constant 0 : i32
      %dma_start3A_522 = tpu.memref_slice %arg10[%dma_start3A_519, %dma_start3A_520, %dma_start3A_521] : memref<4x128x64xf32, #tpu.memory_space<vmem>> -> memref<1x128x64xf32, #tpu.memory_space<vmem>>
      %dma_start3A_523 = tpu.memref_squeeze %dma_start3A_522 : memref<1x128x64xf32, #tpu.memory_space<vmem>> -> memref<128x64xf32, #tpu.memory_space<vmem>>
      %dma_start3A_524 = arith.constant 0 : i32
      %dma_start3A_525 = tpu.memref_slice %arg9[%add3A_518, %dma_start3A_524] : memref<80x128xi32, #tpu.memory_space<vmem>> -> memref<1x128xi32, #tpu.memory_space<vmem>>
      %dma_start3A_526 = tpu.memref_squeeze %dma_start3A_525 : memref<1x128xi32, #tpu.memory_space<vmem>> -> memref<128xi32, #tpu.memory_space<vmem>>
      %dma_start3A_527 = arith.constant 0 : i32
      %dma_start3A_528 = arith.constant 0 : i32
      %dma_start3A_529 = tpu.memref_slice %arg12[%dma_start3A_527, %dma_start3A_528] : memref<10240x64xf32, #tpu.memory_space<vmem_shared>> -> memref<10240x64xf32, #tpu.memory_space<vmem_shared>>
      tpu.enqueue_indirect_dma source(%dma_start3A_523 : memref<128x64xf32, #tpu.memory_space<vmem>>) target(%dma_start3A_529 : memref<10240x64xf32, #tpu.memory_space<vmem_shared>>) offsets(%dma_start3A_526 : memref<128xi32, #tpu.memory_space<vmem>>) semaphore(%arg20 : memref<!tpu.dma_semaphore, #tpu.memory_space<semaphore_mem>>) {add = true}
      %add3A_530 = arith.constant 0 : i32
      %add3A_531 = arith.addi %mul3A_417, %add3A_530 : i32
      %dma_wait3A_532 = arith.constant 0 : i32
      %dma_wait3A_533 = arith.constant 0 : i32
      %dma_wait3A_534 = arith.constant 0 : i32
      %dma_wait3A_535 = tpu.memref_slice %arg10[%dma_wait3A_532, %dma_wait3A_533, %dma_wait3A_534] : memref<4x128x64xf32, #tpu.memory_space<vmem>> -> memref<1x128x64xf32, #tpu.memory_space<vmem>>
      %dma_wait3A_536 = tpu.memref_squeeze %dma_wait3A_535 : memref<1x128x64xf32, #tpu.memory_space<vmem>> -> memref<128x64xf32, #tpu.memory_space<vmem>>
      %dma_wait3A_537 = arith.constant 0 : i32
      %dma_wait3A_538 = tpu.memref_slice %arg9[%add3A_531, %dma_wait3A_537] : memref<80x128xi32, #tpu.memory_space<vmem>> -> memref<1x128xi32, #tpu.memory_space<vmem>>
      %dma_wait3A_539 = tpu.memref_squeeze %dma_wait3A_538 : memref<1x128xi32, #tpu.memory_space<vmem>> -> memref<128xi32, #tpu.memory_space<vmem>>
      %dma_wait3A_540 = arith.constant 0 : i32
      %dma_wait3A_541 = arith.constant 0 : i32
      %dma_wait3A_542 = tpu.memref_slice %arg12[%dma_wait3A_540, %dma_wait3A_541] : memref<10240x64xf32, #tpu.memory_space<vmem_shared>> -> memref<10240x64xf32, #tpu.memory_space<vmem_shared>>
      tpu.wait_indirect_dma semaphore(%arg17 : memref<!tpu.dma_semaphore, #tpu.memory_space<semaphore_mem>>) src(%dma_wait3A_536 : memref<128x64xf32, #tpu.memory_space<vmem>>) dst(%dma_wait3A_542 : memref<10240x64xf32, #tpu.memory_space<vmem_shared>>)
      %add3A_543 = arith.constant 4 : i32
      %add3A_544 = arith.addi %mul3A_417, %add3A_543 : i32
      %add3A_545 = arith.constant 0 : i32
      %add3A_546 = arith.addi %add3A_544, %add3A_545 : i32
      %dma_start3A_547 = arith.constant 0 : i32
      %dma_start3A_548 = arith.constant 0 : i32
      %dma_start3A_549 = arith.constant 0 : i32
      %dma_start3A_550 = tpu.memref_slice %arg10[%dma_start3A_547, %dma_start3A_548, %dma_start3A_549] : memref<4x128x64xf32, #tpu.memory_space<vmem>> -> memref<1x128x64xf32, #tpu.memory_space<vmem>>
      %dma_start3A_551 = tpu.memref_squeeze %dma_start3A_550 : memref<1x128x64xf32, #tpu.memory_space<vmem>> -> memref<128x64xf32, #tpu.memory_space<vmem>>
      %dma_start3A_552 = arith.constant 0 : i32
      %dma_start3A_553 = tpu.memref_slice %arg8[%add3A_546, %dma_start3A_552] : memref<80x128xi32, #tpu.memory_space<vmem>> -> memref<1x128xi32, #tpu.memory_space<vmem>>
      %dma_start3A_554 = tpu.memref_squeeze %dma_start3A_553 : memref<1x128xi32, #tpu.memory_space<vmem>> -> memref<128xi32, #tpu.memory_space<vmem>>
      %dma_start3A_555 = arith.constant 0 : i32
      %dma_start3A_556 = arith.constant 0 : i32
      %dma_start3A_557 = tpu.memref_slice %arg2[%dma_start3A_555, %dma_start3A_556] : memref<20000x64xf32, #tpu.memory_space<hbm>> -> memref<20000x64xf32, #tpu.memory_space<hbm>>
      tpu.enqueue_indirect_dma source(%dma_start3A_557 : memref<20000x64xf32, #tpu.memory_space<hbm>>) target(%dma_start3A_551 : memref<128x64xf32, #tpu.memory_space<vmem>>) offsets(%dma_start3A_554 : memref<128xi32, #tpu.memory_space<vmem>>) semaphore(%arg13 : memref<!tpu.dma_semaphore, #tpu.memory_space<semaphore_mem>>)
      %add3A_558 = arith.constant 1 : i32
      %add3A_559 = arith.addi %mul3A_417, %add3A_558 : i32
      %dma_wait3A_560 = arith.constant 1 : i32
      %dma_wait3A_561 = arith.constant 0 : i32
      %dma_wait3A_562 = arith.constant 0 : i32
      %dma_wait3A_563 = tpu.memref_slice %arg10[%dma_wait3A_560, %dma_wait3A_561, %dma_wait3A_562] : memref<4x128x64xf32, #tpu.memory_space<vmem>> -> memref<1x128x64xf32, #tpu.memory_space<vmem>>
      %dma_wait3A_564 = tpu.memref_squeeze %dma_wait3A_563 : memref<1x128x64xf32, #tpu.memory_space<vmem>> -> memref<128x64xf32, #tpu.memory_space<vmem>>
      %dma_wait3A_565 = arith.constant 0 : i32
      %dma_wait3A_566 = tpu.memref_slice %arg9[%add3A_559, %dma_wait3A_565] : memref<80x128xi32, #tpu.memory_space<vmem>> -> memref<1x128xi32, #tpu.memory_space<vmem>>
      %dma_wait3A_567 = tpu.memref_squeeze %dma_wait3A_566 : memref<1x128xi32, #tpu.memory_space<vmem>> -> memref<128xi32, #tpu.memory_space<vmem>>
      %dma_wait3A_568 = arith.constant 0 : i32
      %dma_wait3A_569 = arith.constant 0 : i32
      %dma_wait3A_570 = tpu.memref_slice %arg12[%dma_wait3A_568, %dma_wait3A_569] : memref<10240x64xf32, #tpu.memory_space<vmem_shared>> -> memref<10240x64xf32, #tpu.memory_space<vmem_shared>>
      tpu.wait_indirect_dma semaphore(%arg18 : memref<!tpu.dma_semaphore, #tpu.memory_space<semaphore_mem>>) src(%dma_wait3A_564 : memref<128x64xf32, #tpu.memory_space<vmem>>) dst(%dma_wait3A_570 : memref<10240x64xf32, #tpu.memory_space<vmem_shared>>)
      %add3A_571 = arith.constant 4 : i32
      %add3A_572 = arith.addi %mul3A_417, %add3A_571 : i32
      %add3A_573 = arith.constant 1 : i32
      %add3A_574 = arith.addi %add3A_572, %add3A_573 : i32
      %dma_start3A_575 = arith.constant 1 : i32
      %dma_start3A_576 = arith.constant 0 : i32
      %dma_start3A_577 = arith.constant 0 : i32
      %dma_start3A_578 = tpu.memref_slice %arg10[%dma_start3A_575, %dma_start3A_576, %dma_start3A_577] : memref<4x128x64xf32, #tpu.memory_space<vmem>> -> memref<1x128x64xf32, #tpu.memory_space<vmem>>
      %dma_start3A_579 = tpu.memref_squeeze %dma_start3A_578 : memref<1x128x64xf32, #tpu.memory_space<vmem>> -> memref<128x64xf32, #tpu.memory_space<vmem>>
      %dma_start3A_580 = arith.constant 0 : i32
      %dma_start3A_581 = tpu.memref_slice %arg8[%add3A_574, %dma_start3A_580] : memref<80x128xi32, #tpu.memory_space<vmem>> -> memref<1x128xi32, #tpu.memory_space<vmem>>
      %dma_start3A_582 = tpu.memref_squeeze %dma_start3A_581 : memref<1x128xi32, #tpu.memory_space<vmem>> -> memref<128xi32, #tpu.memory_space<vmem>>
      %dma_start3A_583 = arith.constant 0 : i32
      %dma_start3A_584 = arith.constant 0 : i32
      %dma_start3A_585 = tpu.memref_slice %arg2[%dma_start3A_583, %dma_start3A_584] : memref<20000x64xf32, #tpu.memory_space<hbm>> -> memref<20000x64xf32, #tpu.memory_space<hbm>>
      tpu.enqueue_indirect_dma source(%dma_start3A_585 : memref<20000x64xf32, #tpu.memory_space<hbm>>) target(%dma_start3A_579 : memref<128x64xf32, #tpu.memory_space<vmem>>) offsets(%dma_start3A_582 : memref<128xi32, #tpu.memory_space<vmem>>) semaphore(%arg14 : memref<!tpu.dma_semaphore, #tpu.memory_space<semaphore_mem>>)
      %add3A_586 = arith.constant 2 : i32
      %add3A_587 = arith.addi %mul3A_417, %add3A_586 : i32
      %add3A_588 = arith.constant 0 : i32
      %add3A_589 = arith.addi %add3A_587, %add3A_588 : i32
      %dma_wait3A_590 = arith.constant 2 : i32
      %dma_wait3A_591 = arith.constant 0 : i32
      %dma_wait3A_592 = arith.constant 0 : i32
      %dma_wait3A_593 = tpu.memref_slice %arg10[%dma_wait3A_590, %dma_wait3A_591, %dma_wait3A_592] : memref<4x128x64xf32, #tpu.memory_space<vmem>> -> memref<1x128x64xf32, #tpu.memory_space<vmem>>
      %dma_wait3A_594 = tpu.memref_squeeze %dma_wait3A_593 : memref<1x128x64xf32, #tpu.memory_space<vmem>> -> memref<128x64xf32, #tpu.memory_space<vmem>>
      %dma_wait3A_595 = arith.constant 0 : i32
      %dma_wait3A_596 = tpu.memref_slice %arg9[%add3A_589, %dma_wait3A_595] : memref<80x128xi32, #tpu.memory_space<vmem>> -> memref<1x128xi32, #tpu.memory_space<vmem>>
      %dma_wait3A_597 = tpu.memref_squeeze %dma_wait3A_596 : memref<1x128xi32, #tpu.memory_space<vmem>> -> memref<128xi32, #tpu.memory_space<vmem>>
      %dma_wait3A_598 = arith.constant 0 : i32
      %dma_wait3A_599 = arith.constant 0 : i32
      %dma_wait3A_600 = tpu.memref_slice %arg12[%dma_wait3A_598, %dma_wait3A_599] : memref<10240x64xf32, #tpu.memory_space<vmem_shared>> -> memref<10240x64xf32, #tpu.memory_space<vmem_shared>>
      tpu.wait_indirect_dma semaphore(%arg19 : memref<!tpu.dma_semaphore, #tpu.memory_space<semaphore_mem>>) src(%dma_wait3A_594 : memref<128x64xf32, #tpu.memory_space<vmem>>) dst(%dma_wait3A_600 : memref<10240x64xf32, #tpu.memory_space<vmem_shared>>)
      %add3A_601 = arith.constant 4 : i32
      %add3A_602 = arith.addi %mul3A_417, %add3A_601 : i32
      %add3A_603 = arith.constant 2 : i32
      %add3A_604 = arith.addi %add3A_602, %add3A_603 : i32
      %add3A_605 = arith.constant 0 : i32
      %add3A_606 = arith.addi %add3A_604, %add3A_605 : i32
      %dma_start3A_607 = arith.constant 2 : i32
      %dma_start3A_608 = arith.constant 0 : i32
      %dma_start3A_609 = arith.constant 0 : i32
      %dma_start3A_610 = tpu.memref_slice %arg10[%dma_start3A_607, %dma_start3A_608, %dma_start3A_609] : memref<4x128x64xf32, #tpu.memory_space<vmem>> -> memref<1x128x64xf32, #tpu.memory_space<vmem>>
      %dma_start3A_611 = tpu.memref_squeeze %dma_start3A_610 : memref<1x128x64xf32, #tpu.memory_space<vmem>> -> memref<128x64xf32, #tpu.memory_space<vmem>>
      %dma_start3A_612 = arith.constant 0 : i32
      %dma_start3A_613 = tpu.memref_slice %arg8[%add3A_606, %dma_start3A_612] : memref<80x128xi32, #tpu.memory_space<vmem>> -> memref<1x128xi32, #tpu.memory_space<vmem>>
      %dma_start3A_614 = tpu.memref_squeeze %dma_start3A_613 : memref<1x128xi32, #tpu.memory_space<vmem>> -> memref<128xi32, #tpu.memory_space<vmem>>
      %dma_start3A_615 = arith.constant 0 : i32
      %dma_start3A_616 = arith.constant 0 : i32
      %dma_start3A_617 = tpu.memref_slice %arg2[%dma_start3A_615, %dma_start3A_616] : memref<20000x64xf32, #tpu.memory_space<hbm>> -> memref<20000x64xf32, #tpu.memory_space<hbm>>
      tpu.enqueue_indirect_dma source(%dma_start3A_617 : memref<20000x64xf32, #tpu.memory_space<hbm>>) target(%dma_start3A_611 : memref<128x64xf32, #tpu.memory_space<vmem>>) offsets(%dma_start3A_614 : memref<128xi32, #tpu.memory_space<vmem>>) semaphore(%arg15 : memref<!tpu.dma_semaphore, #tpu.memory_space<semaphore_mem>>)
      %add3A_618 = arith.constant 2 : i32
      %add3A_619 = arith.addi %mul3A_417, %add3A_618 : i32
      %add3A_620 = arith.constant 1 : i32
      %add3A_621 = arith.addi %add3A_619, %add3A_620 : i32
      %dma_wait3A_622 = arith.constant 3 : i32
      %dma_wait3A_623 = arith.constant 0 : i32
      %dma_wait3A_624 = arith.constant 0 : i32
      %dma_wait3A_625 = tpu.memref_slice %arg10[%dma_wait3A_622, %dma_wait3A_623, %dma_wait3A_624] : memref<4x128x64xf32, #tpu.memory_space<vmem>> -> memref<1x128x64xf32, #tpu.memory_space<vmem>>
      %dma_wait3A_626 = tpu.memref_squeeze %dma_wait3A_625 : memref<1x128x64xf32, #tpu.memory_space<vmem>> -> memref<128x64xf32, #tpu.memory_space<vmem>>
      %dma_wait3A_627 = arith.constant 0 : i32
      %dma_wait3A_628 = tpu.memref_slice %arg9[%add3A_621, %dma_wait3A_627] : memref<80x128xi32, #tpu.memory_space<vmem>> -> memref<1x128xi32, #tpu.memory_space<vmem>>
      %dma_wait3A_629 = tpu.memref_squeeze %dma_wait3A_628 : memref<1x128xi32, #tpu.memory_space<vmem>> -> memref<128xi32, #tpu.memory_space<vmem>>
      %dma_wait3A_630 = arith.constant 0 : i32
      %dma_wait3A_631 = arith.constant 0 : i32
      %dma_wait3A_632 = tpu.memref_slice %arg12[%dma_wait3A_630, %dma_wait3A_631] : memref<10240x64xf32, #tpu.memory_space<vmem_shared>> -> memref<10240x64xf32, #tpu.memory_space<vmem_shared>>
      tpu.wait_indirect_dma semaphore(%arg20 : memref<!tpu.dma_semaphore, #tpu.memory_space<semaphore_mem>>) src(%dma_wait3A_626 : memref<128x64xf32, #tpu.memory_space<vmem>>) dst(%dma_wait3A_632 : memref<10240x64xf32, #tpu.memory_space<vmem_shared>>)
      %add3A_633 = arith.constant 4 : i32
      %add3A_634 = arith.addi %mul3A_417, %add3A_633 : i32
      %add3A_635 = arith.constant 2 : i32
      %add3A_636 = arith.addi %add3A_634, %add3A_635 : i32
      %add3A_637 = arith.constant 1 : i32
      %add3A_638 = arith.addi %add3A_636, %add3A_637 : i32
      %dma_start3A_639 = arith.constant 3 : i32
      %dma_start3A_640 = arith.constant 0 : i32
      %dma_start3A_641 = arith.constant 0 : i32
      %dma_start3A_642 = tpu.memref_slice %arg10[%dma_start3A_639, %dma_start3A_640, %dma_start3A_641] : memref<4x128x64xf32, #tpu.memory_space<vmem>> -> memref<1x128x64xf32, #tpu.memory_space<vmem>>
      %dma_start3A_643 = tpu.memref_squeeze %dma_start3A_642 : memref<1x128x64xf32, #tpu.memory_space<vmem>> -> memref<128x64xf32, #tpu.memory_space<vmem>>
      %dma_start3A_644 = arith.constant 0 : i32
      %dma_start3A_645 = tpu.memref_slice %arg8[%add3A_638, %dma_start3A_644] : memref<80x128xi32, #tpu.memory_space<vmem>> -> memref<1x128xi32, #tpu.memory_space<vmem>>
      %dma_start3A_646 = tpu.memref_squeeze %dma_start3A_645 : memref<1x128xi32, #tpu.memory_space<vmem>> -> memref<128xi32, #tpu.memory_space<vmem>>
      %dma_start3A_647 = arith.constant 0 : i32
      %dma_start3A_648 = arith.constant 0 : i32
      %dma_start3A_649 = tpu.memref_slice %arg2[%dma_start3A_647, %dma_start3A_648] : memref<20000x64xf32, #tpu.memory_space<hbm>> -> memref<20000x64xf32, #tpu.memory_space<hbm>>
      tpu.enqueue_indirect_dma source(%dma_start3A_649 : memref<20000x64xf32, #tpu.memory_space<hbm>>) target(%dma_start3A_643 : memref<128x64xf32, #tpu.memory_space<vmem>>) offsets(%dma_start3A_646 : memref<128xi32, #tpu.memory_space<vmem>>) semaphore(%arg16 : memref<!tpu.dma_semaphore, #tpu.memory_space<semaphore_mem>>)
      %scan3A_650 = arith.constant 0 : i32
      scf.yield %scan3A_650 : i32
    }
    %scan3A_84 = arith.constant 19 : i32
    %dma_wait3A = arith.constant 76 : i32
    %dma_wait3A_85 = arith.constant 0 : i32
    %dma_wait3A_86 = arith.constant 0 : i32
    %dma_wait3A_87 = arith.constant 0 : i32
    %dma_wait3A_88 = tpu.memref_slice %arg10[%dma_wait3A_85, %dma_wait3A_86, %dma_wait3A_87] : memref<4x128x64xf32, #tpu.memory_space<vmem>> -> memref<1x128x64xf32, #tpu.memory_space<vmem>>
    %dma_wait3A_89 = tpu.memref_squeeze %dma_wait3A_88 : memref<1x128x64xf32, #tpu.memory_space<vmem>> -> memref<128x64xf32, #tpu.memory_space<vmem>>
    %dma_wait3A_90 = arith.constant 0 : i32
    %dma_wait3A_91 = tpu.memref_slice %arg8[%dma_wait3A, %dma_wait3A_90] : memref<80x128xi32, #tpu.memory_space<vmem>> -> memref<1x128xi32, #tpu.memory_space<vmem>>
    %dma_wait3A_92 = tpu.memref_squeeze %dma_wait3A_91 : memref<1x128xi32, #tpu.memory_space<vmem>> -> memref<128xi32, #tpu.memory_space<vmem>>
    %dma_wait3A_93 = arith.constant 0 : i32
    %dma_wait3A_94 = arith.constant 0 : i32
    %dma_wait3A_95 = tpu.memref_slice %arg2[%dma_wait3A_93, %dma_wait3A_94] : memref<20000x64xf32, #tpu.memory_space<hbm>> -> memref<20000x64xf32, #tpu.memory_space<hbm>>
    tpu.wait_indirect_dma semaphore(%arg13 : memref<!tpu.dma_semaphore, #tpu.memory_space<semaphore_mem>>) src(%dma_wait3A_95 : memref<20000x64xf32, #tpu.memory_space<hbm>>) dst(%dma_wait3A_89 : memref<128x64xf32, #tpu.memory_space<vmem>>)
    %dma_start3A_96 = arith.constant 0 : i32
    %dma_start3A_97 = arith.constant 76 : i32
    %dma_start3A_98 = arith.constant 0 : i32
    %dma_start3A_99 = arith.constant 0 : i32
    %dma_start3A_100 = tpu.memref_slice %arg10[%dma_start3A_96, %dma_start3A_98, %dma_start3A_99] : memref<4x128x64xf32, #tpu.memory_space<vmem>> -> memref<1x128x64xf32, #tpu.memory_space<vmem>>
    %dma_start3A_101 = tpu.memref_squeeze %dma_start3A_100 : memref<1x128x64xf32, #tpu.memory_space<vmem>> -> memref<128x64xf32, #tpu.memory_space<vmem>>
    %dma_start3A_102 = arith.constant 0 : i32
    %dma_start3A_103 = tpu.memref_slice %arg9[%dma_start3A_97, %dma_start3A_102] : memref<80x128xi32, #tpu.memory_space<vmem>> -> memref<1x128xi32, #tpu.memory_space<vmem>>
    %dma_start3A_104 = tpu.memref_squeeze %dma_start3A_103 : memref<1x128xi32, #tpu.memory_space<vmem>> -> memref<128xi32, #tpu.memory_space<vmem>>
    %dma_start3A_105 = arith.constant 0 : i32
    %dma_start3A_106 = arith.constant 0 : i32
    %dma_start3A_107 = tpu.memref_slice %arg12[%dma_start3A_105, %dma_start3A_106] : memref<10240x64xf32, #tpu.memory_space<vmem_shared>> -> memref<10240x64xf32, #tpu.memory_space<vmem_shared>>
    tpu.enqueue_indirect_dma source(%dma_start3A_101 : memref<128x64xf32, #tpu.memory_space<vmem>>) target(%dma_start3A_107 : memref<10240x64xf32, #tpu.memory_space<vmem_shared>>) offsets(%dma_start3A_104 : memref<128xi32, #tpu.memory_space<vmem>>) semaphore(%arg17 : memref<!tpu.dma_semaphore, #tpu.memory_space<semaphore_mem>>) {add = true}
    %dma_wait3A_108 = arith.constant 77 : i32
    %dma_wait3A_109 = arith.constant 1 : i32
    %dma_wait3A_110 = arith.constant 0 : i32
    %dma_wait3A_111 = arith.constant 0 : i32
    %dma_wait3A_112 = tpu.memref_slice %arg10[%dma_wait3A_109, %dma_wait3A_110, %dma_wait3A_111] : memref<4x128x64xf32, #tpu.memory_space<vmem>> -> memref<1x128x64xf32, #tpu.memory_space<vmem>>
    %dma_wait3A_113 = tpu.memref_squeeze %dma_wait3A_112 : memref<1x128x64xf32, #tpu.memory_space<vmem>> -> memref<128x64xf32, #tpu.memory_space<vmem>>
    %dma_wait3A_114 = arith.constant 0 : i32
    %dma_wait3A_115 = tpu.memref_slice %arg8[%dma_wait3A_108, %dma_wait3A_114] : memref<80x128xi32, #tpu.memory_space<vmem>> -> memref<1x128xi32, #tpu.memory_space<vmem>>
    %dma_wait3A_116 = tpu.memref_squeeze %dma_wait3A_115 : memref<1x128xi32, #tpu.memory_space<vmem>> -> memref<128xi32, #tpu.memory_space<vmem>>
    %dma_wait3A_117 = arith.constant 0 : i32
    %dma_wait3A_118 = arith.constant 0 : i32
    %dma_wait3A_119 = tpu.memref_slice %arg2[%dma_wait3A_117, %dma_wait3A_118] : memref<20000x64xf32, #tpu.memory_space<hbm>> -> memref<20000x64xf32, #tpu.memory_space<hbm>>
    tpu.wait_indirect_dma semaphore(%arg14 : memref<!tpu.dma_semaphore, #tpu.memory_space<semaphore_mem>>) src(%dma_wait3A_119 : memref<20000x64xf32, #tpu.memory_space<hbm>>) dst(%dma_wait3A_113 : memref<128x64xf32, #tpu.memory_space<vmem>>)
    %dma_start3A_120 = arith.constant 1 : i32
    %dma_start3A_121 = arith.constant 77 : i32
    %dma_start3A_122 = arith.constant 0 : i32
    %dma_start3A_123 = arith.constant 0 : i32
    %dma_start3A_124 = tpu.memref_slice %arg10[%dma_start3A_120, %dma_start3A_122, %dma_start3A_123] : memref<4x128x64xf32, #tpu.memory_space<vmem>> -> memref<1x128x64xf32, #tpu.memory_space<vmem>>
    %dma_start3A_125 = tpu.memref_squeeze %dma_start3A_124 : memref<1x128x64xf32, #tpu.memory_space<vmem>> -> memref<128x64xf32, #tpu.memory_space<vmem>>
    %dma_start3A_126 = arith.constant 0 : i32
    %dma_start3A_127 = tpu.memref_slice %arg9[%dma_start3A_121, %dma_start3A_126] : memref<80x128xi32, #tpu.memory_space<vmem>> -> memref<1x128xi32, #tpu.memory_space<vmem>>
    %dma_start3A_128 = tpu.memref_squeeze %dma_start3A_127 : memref<1x128xi32, #tpu.memory_space<vmem>> -> memref<128xi32, #tpu.memory_space<vmem>>
    %dma_start3A_129 = arith.constant 0 : i32
    %dma_start3A_130 = arith.constant 0 : i32
    %dma_start3A_131 = tpu.memref_slice %arg12[%dma_start3A_129, %dma_start3A_130] : memref<10240x64xf32, #tpu.memory_space<vmem_shared>> -> memref<10240x64xf32, #tpu.memory_space<vmem_shared>>
    tpu.enqueue_indirect_dma source(%dma_start3A_125 : memref<128x64xf32, #tpu.memory_space<vmem>>) target(%dma_start3A_131 : memref<10240x64xf32, #tpu.memory_space<vmem_shared>>) offsets(%dma_start3A_128 : memref<128xi32, #tpu.memory_space<vmem>>) semaphore(%arg18 : memref<!tpu.dma_semaphore, #tpu.memory_space<semaphore_mem>>) {add = true}
    %dma_wait3A_132 = arith.constant 78 : i32
    %dma_wait3A_133 = arith.constant 2 : i32
    %dma_wait3A_134 = arith.constant 0 : i32
    %dma_wait3A_135 = arith.constant 0 : i32
    %dma_wait3A_136 = tpu.memref_slice %arg10[%dma_wait3A_133, %dma_wait3A_134, %dma_wait3A_135] : memref<4x128x64xf32, #tpu.memory_space<vmem>> -> memref<1x128x64xf32, #tpu.memory_space<vmem>>
    %dma_wait3A_137 = tpu.memref_squeeze %dma_wait3A_136 : memref<1x128x64xf32, #tpu.memory_space<vmem>> -> memref<128x64xf32, #tpu.memory_space<vmem>>
    %dma_wait3A_138 = arith.constant 0 : i32
    %dma_wait3A_139 = tpu.memref_slice %arg8[%dma_wait3A_132, %dma_wait3A_138] : memref<80x128xi32, #tpu.memory_space<vmem>> -> memref<1x128xi32, #tpu.memory_space<vmem>>
    %dma_wait3A_140 = tpu.memref_squeeze %dma_wait3A_139 : memref<1x128xi32, #tpu.memory_space<vmem>> -> memref<128xi32, #tpu.memory_space<vmem>>
    %dma_wait3A_141 = arith.constant 0 : i32
    %dma_wait3A_142 = arith.constant 0 : i32
    %dma_wait3A_143 = tpu.memref_slice %arg2[%dma_wait3A_141, %dma_wait3A_142] : memref<20000x64xf32, #tpu.memory_space<hbm>> -> memref<20000x64xf32, #tpu.memory_space<hbm>>
    tpu.wait_indirect_dma semaphore(%arg15 : memref<!tpu.dma_semaphore, #tpu.memory_space<semaphore_mem>>) src(%dma_wait3A_143 : memref<20000x64xf32, #tpu.memory_space<hbm>>) dst(%dma_wait3A_137 : memref<128x64xf32, #tpu.memory_space<vmem>>)
    %dma_start3A_144 = arith.constant 2 : i32
    %dma_start3A_145 = arith.constant 78 : i32
    %dma_start3A_146 = arith.constant 0 : i32
    %dma_start3A_147 = arith.constant 0 : i32
    %dma_start3A_148 = tpu.memref_slice %arg10[%dma_start3A_144, %dma_start3A_146, %dma_start3A_147] : memref<4x128x64xf32, #tpu.memory_space<vmem>> -> memref<1x128x64xf32, #tpu.memory_space<vmem>>
    %dma_start3A_149 = tpu.memref_squeeze %dma_start3A_148 : memref<1x128x64xf32, #tpu.memory_space<vmem>> -> memref<128x64xf32, #tpu.memory_space<vmem>>
    %dma_start3A_150 = arith.constant 0 : i32
    %dma_start3A_151 = tpu.memref_slice %arg9[%dma_start3A_145, %dma_start3A_150] : memref<80x128xi32, #tpu.memory_space<vmem>> -> memref<1x128xi32, #tpu.memory_space<vmem>>
    %dma_start3A_152 = tpu.memref_squeeze %dma_start3A_151 : memref<1x128xi32, #tpu.memory_space<vmem>> -> memref<128xi32, #tpu.memory_space<vmem>>
    %dma_start3A_153 = arith.constant 0 : i32
    %dma_start3A_154 = arith.constant 0 : i32
    %dma_start3A_155 = tpu.memref_slice %arg12[%dma_start3A_153, %dma_start3A_154] : memref<10240x64xf32, #tpu.memory_space<vmem_shared>> -> memref<10240x64xf32, #tpu.memory_space<vmem_shared>>
    tpu.enqueue_indirect_dma source(%dma_start3A_149 : memref<128x64xf32, #tpu.memory_space<vmem>>) target(%dma_start3A_155 : memref<10240x64xf32, #tpu.memory_space<vmem_shared>>) offsets(%dma_start3A_152 : memref<128xi32, #tpu.memory_space<vmem>>) semaphore(%arg19 : memref<!tpu.dma_semaphore, #tpu.memory_space<semaphore_mem>>) {add = true}
    %dma_wait3A_156 = arith.constant 79 : i32
    %dma_wait3A_157 = arith.constant 3 : i32
    %dma_wait3A_158 = arith.constant 0 : i32
    %dma_wait3A_159 = arith.constant 0 : i32
    %dma_wait3A_160 = tpu.memref_slice %arg10[%dma_wait3A_157, %dma_wait3A_158, %dma_wait3A_159] : memref<4x128x64xf32, #tpu.memory_space<vmem>> -> memref<1x128x64xf32, #tpu.memory_space<vmem>>
    %dma_wait3A_161 = tpu.memref_squeeze %dma_wait3A_160 : memref<1x128x64xf32, #tpu.memory_space<vmem>> -> memref<128x64xf32, #tpu.memory_space<vmem>>
    %dma_wait3A_162 = arith.constant 0 : i32
    %dma_wait3A_163 = tpu.memref_slice %arg8[%dma_wait3A_156, %dma_wait3A_162] : memref<80x128xi32, #tpu.memory_space<vmem>> -> memref<1x128xi32, #tpu.memory_space<vmem>>
    %dma_wait3A_164 = tpu.memref_squeeze %dma_wait3A_163 : memref<1x128xi32, #tpu.memory_space<vmem>> -> memref<128xi32, #tpu.memory_space<vmem>>
    %dma_wait3A_165 = arith.constant 0 : i32
    %dma_wait3A_166 = arith.constant 0 : i32
    %dma_wait3A_167 = tpu.memref_slice %arg2[%dma_wait3A_165, %dma_wait3A_166] : memref<20000x64xf32, #tpu.memory_space<hbm>> -> memref<20000x64xf32, #tpu.memory_space<hbm>>
    tpu.wait_indirect_dma semaphore(%arg16 : memref<!tpu.dma_semaphore, #tpu.memory_space<semaphore_mem>>) src(%dma_wait3A_167 : memref<20000x64xf32, #tpu.memory_space<hbm>>) dst(%dma_wait3A_161 : memref<128x64xf32, #tpu.memory_space<vmem>>)
    %dma_start3A_168 = arith.constant 3 : i32
    %dma_start3A_169 = arith.constant 79 : i32
    %dma_start3A_170 = arith.constant 0 : i32
    %dma_start3A_171 = arith.constant 0 : i32
    %dma_start3A_172 = tpu.memref_slice %arg10[%dma_start3A_168, %dma_start3A_170, %dma_start3A_171] : memref<4x128x64xf32, #tpu.memory_space<vmem>> -> memref<1x128x64xf32, #tpu.memory_space<vmem>>
    %dma_start3A_173 = tpu.memref_squeeze %dma_start3A_172 : memref<1x128x64xf32, #tpu.memory_space<vmem>> -> memref<128x64xf32, #tpu.memory_space<vmem>>
    %dma_start3A_174 = arith.constant 0 : i32
    %dma_start3A_175 = tpu.memref_slice %arg9[%dma_start3A_169, %dma_start3A_174] : memref<80x128xi32, #tpu.memory_space<vmem>> -> memref<1x128xi32, #tpu.memory_space<vmem>>
    %dma_start3A_176 = tpu.memref_squeeze %dma_start3A_175 : memref<1x128xi32, #tpu.memory_space<vmem>> -> memref<128xi32, #tpu.memory_space<vmem>>
    %dma_start3A_177 = arith.constant 0 : i32
    %dma_start3A_178 = arith.constant 0 : i32
    %dma_start3A_179 = tpu.memref_slice %arg12[%dma_start3A_177, %dma_start3A_178] : memref<10240x64xf32, #tpu.memory_space<vmem_shared>> -> memref<10240x64xf32, #tpu.memory_space<vmem_shared>>
    tpu.enqueue_indirect_dma source(%dma_start3A_173 : memref<128x64xf32, #tpu.memory_space<vmem>>) target(%dma_start3A_179 : memref<10240x64xf32, #tpu.memory_space<vmem_shared>>) offsets(%dma_start3A_176 : memref<128xi32, #tpu.memory_space<vmem>>) semaphore(%arg20 : memref<!tpu.dma_semaphore, #tpu.memory_space<semaphore_mem>>) {add = true}
    %dma_wait3A_180 = arith.constant 0 : i32
    %dma_wait3A_181 = arith.constant 76 : i32
    %dma_wait3A_182 = arith.constant 0 : i32
    %dma_wait3A_183 = arith.constant 0 : i32
    %dma_wait3A_184 = tpu.memref_slice %arg10[%dma_wait3A_180, %dma_wait3A_182, %dma_wait3A_183] : memref<4x128x64xf32, #tpu.memory_space<vmem>> -> memref<1x128x64xf32, #tpu.memory_space<vmem>>
    %dma_wait3A_185 = tpu.memref_squeeze %dma_wait3A_184 : memref<1x128x64xf32, #tpu.memory_space<vmem>> -> memref<128x64xf32, #tpu.memory_space<vmem>>
    %dma_wait3A_186 = arith.constant 0 : i32
    %dma_wait3A_187 = tpu.memref_slice %arg9[%dma_wait3A_181, %dma_wait3A_186] : memref<80x128xi32, #tpu.memory_space<vmem>> -> memref<1x128xi32, #tpu.memory_space<vmem>>
    %dma_wait3A_188 = tpu.memref_squeeze %dma_wait3A_187 : memref<1x128xi32, #tpu.memory_space<vmem>> -> memref<128xi32, #tpu.memory_space<vmem>>
    %dma_wait3A_189 = arith.constant 0 : i32
    %dma_wait3A_190 = arith.constant 0 : i32
    %dma_wait3A_191 = tpu.memref_slice %arg12[%dma_wait3A_189, %dma_wait3A_190] : memref<10240x64xf32, #tpu.memory_space<vmem_shared>> -> memref<10240x64xf32, #tpu.memory_space<vmem_shared>>
    tpu.wait_indirect_dma semaphore(%arg17 : memref<!tpu.dma_semaphore, #tpu.memory_space<semaphore_mem>>) src(%dma_wait3A_185 : memref<128x64xf32, #tpu.memory_space<vmem>>) dst(%dma_wait3A_191 : memref<10240x64xf32, #tpu.memory_space<vmem_shared>>)
    %dma_wait3A_192 = arith.constant 1 : i32
    %dma_wait3A_193 = arith.constant 77 : i32
    %dma_wait3A_194 = arith.constant 0 : i32
    %dma_wait3A_195 = arith.constant 0 : i32
    %dma_wait3A_196 = tpu.memref_slice %arg10[%dma_wait3A_192, %dma_wait3A_194, %dma_wait3A_195] : memref<4x128x64xf32, #tpu.memory_space<vmem>> -> memref<1x128x64xf32, #tpu.memory_space<vmem>>
    %dma_wait3A_197 = tpu.memref_squeeze %dma_wait3A_196 : memref<1x128x64xf32, #tpu.memory_space<vmem>> -> memref<128x64xf32, #tpu.memory_space<vmem>>
    %dma_wait3A_198 = arith.constant 0 : i32
    %dma_wait3A_199 = tpu.memref_slice %arg9[%dma_wait3A_193, %dma_wait3A_198] : memref<80x128xi32, #tpu.memory_space<vmem>> -> memref<1x128xi32, #tpu.memory_space<vmem>>
    %dma_wait3A_200 = tpu.memref_squeeze %dma_wait3A_199 : memref<1x128xi32, #tpu.memory_space<vmem>> -> memref<128xi32, #tpu.memory_space<vmem>>
    %dma_wait3A_201 = arith.constant 0 : i32
    %dma_wait3A_202 = arith.constant 0 : i32
    %dma_wait3A_203 = tpu.memref_slice %arg12[%dma_wait3A_201, %dma_wait3A_202] : memref<10240x64xf32, #tpu.memory_space<vmem_shared>> -> memref<10240x64xf32, #tpu.memory_space<vmem_shared>>
    tpu.wait_indirect_dma semaphore(%arg18 : memref<!tpu.dma_semaphore, #tpu.memory_space<semaphore_mem>>) src(%dma_wait3A_197 : memref<128x64xf32, #tpu.memory_space<vmem>>) dst(%dma_wait3A_203 : memref<10240x64xf32, #tpu.memory_space<vmem_shared>>)
    %dma_wait3A_204 = arith.constant 2 : i32
    %dma_wait3A_205 = arith.constant 78 : i32
    %dma_wait3A_206 = arith.constant 0 : i32
    %dma_wait3A_207 = arith.constant 0 : i32
    %dma_wait3A_208 = tpu.memref_slice %arg10[%dma_wait3A_204, %dma_wait3A_206, %dma_wait3A_207] : memref<4x128x64xf32, #tpu.memory_space<vmem>> -> memref<1x128x64xf32, #tpu.memory_space<vmem>>
    %dma_wait3A_209 = tpu.memref_squeeze %dma_wait3A_208 : memref<1x128x64xf32, #tpu.memory_space<vmem>> -> memref<128x64xf32, #tpu.memory_space<vmem>>
    %dma_wait3A_210 = arith.constant 0 : i32
    %dma_wait3A_211 = tpu.memref_slice %arg9[%dma_wait3A_205, %dma_wait3A_210] : memref<80x128xi32, #tpu.memory_space<vmem>> -> memref<1x128xi32, #tpu.memory_space<vmem>>
    %dma_wait3A_212 = tpu.memref_squeeze %dma_wait3A_211 : memref<1x128xi32, #tpu.memory_space<vmem>> -> memref<128xi32, #tpu.memory_space<vmem>>
    %dma_wait3A_213 = arith.constant 0 : i32
    %dma_wait3A_214 = arith.constant 0 : i32
    %dma_wait3A_215 = tpu.memref_slice %arg12[%dma_wait3A_213, %dma_wait3A_214] : memref<10240x64xf32, #tpu.memory_space<vmem_shared>> -> memref<10240x64xf32, #tpu.memory_space<vmem_shared>>
    tpu.wait_indirect_dma semaphore(%arg19 : memref<!tpu.dma_semaphore, #tpu.memory_space<semaphore_mem>>) src(%dma_wait3A_209 : memref<128x64xf32, #tpu.memory_space<vmem>>) dst(%dma_wait3A_215 : memref<10240x64xf32, #tpu.memory_space<vmem_shared>>)
    %dma_wait3A_216 = arith.constant 3 : i32
    %dma_wait3A_217 = arith.constant 79 : i32
    %dma_wait3A_218 = arith.constant 0 : i32
    %dma_wait3A_219 = arith.constant 0 : i32
    %dma_wait3A_220 = tpu.memref_slice %arg10[%dma_wait3A_216, %dma_wait3A_218, %dma_wait3A_219] : memref<4x128x64xf32, #tpu.memory_space<vmem>> -> memref<1x128x64xf32, #tpu.memory_space<vmem>>
    %dma_wait3A_221 = tpu.memref_squeeze %dma_wait3A_220 : memref<1x128x64xf32, #tpu.memory_space<vmem>> -> memref<128x64xf32, #tpu.memory_space<vmem>>
    %dma_wait3A_222 = arith.constant 0 : i32
    %dma_wait3A_223 = tpu.memref_slice %arg9[%dma_wait3A_217, %dma_wait3A_222] : memref<80x128xi32, #tpu.memory_space<vmem>> -> memref<1x128xi32, #tpu.memory_space<vmem>>
    %dma_wait3A_224 = tpu.memref_squeeze %dma_wait3A_223 : memref<1x128xi32, #tpu.memory_space<vmem>> -> memref<128xi32, #tpu.memory_space<vmem>>
    %dma_wait3A_225 = arith.constant 0 : i32
    %dma_wait3A_226 = arith.constant 0 : i32
    %dma_wait3A_227 = tpu.memref_slice %arg12[%dma_wait3A_225, %dma_wait3A_226] : memref<10240x64xf32, #tpu.memory_space<vmem_shared>> -> memref<10240x64xf32, #tpu.memory_space<vmem_shared>>
    tpu.wait_indirect_dma semaphore(%arg20 : memref<!tpu.dma_semaphore, #tpu.memory_space<semaphore_mem>>) src(%dma_wait3A_221 : memref<128x64xf32, #tpu.memory_space<vmem>>) dst(%dma_wait3A_227 : memref<10240x64xf32, #tpu.memory_space<vmem_shared>>)
    %barrier3A_228 = arith.constant 0 : index
    tpu.barrier barrier_id(%barrier3A_228)
    %add3A_229 = arith.constant 0 : i32
    %add3A_230 = arith.addi %mul3A_0, %add3A_229 : i32
    %run_scoped3A_231 = arith.constant 0 : i32
    "tpu.region"() ({
      %run_scoped3A_414 = tpu.sem_alloc : memref<!tpu.dma_semaphore, #tpu.memory_space<semaphore_mem>>
      %dma_start3A_415 = arith.constant 0 : i32
      %dma_start3A_416 = arith.constant 0 : i32
      %dma_start3A_417 = tpu.memref_slice %arg10[%run_scoped3A_231, %dma_start3A_415, %dma_start3A_416] : memref<4x128x64xf32, #tpu.memory_space<vmem>> -> memref<1x128x64xf32, #tpu.memory_space<vmem>>
      %dma_start3A_418 = tpu.memref_squeeze %dma_start3A_417 : memref<1x128x64xf32, #tpu.memory_space<vmem>> -> memref<128x64xf32, #tpu.memory_space<vmem>>
      %dma_start3A_419 = arith.constant 0 : i32
      %dma_start3A_420 = tpu.memref_slice %arg12[%add3A_230, %dma_start3A_419] : memref<10240x64xf32, #tpu.memory_space<vmem_shared>> -> memref<128x64xf32, #tpu.memory_space<vmem_shared>>
      %dma_start3A_421 = arith.constant 0 : i32
      %dma_start3A_422 = arith.constant 0 : i32
      %dma_start3A_423 = tpu.memref_slice %arg10[%run_scoped3A_231, %dma_start3A_421, %dma_start3A_422] : memref<4x128x64xf32, #tpu.memory_space<vmem>> -> memref<1x128x64xf32, #tpu.memory_space<vmem>>
      %dma_start3A_424 = tpu.memref_squeeze %dma_start3A_423 : memref<1x128x64xf32, #tpu.memory_space<vmem>> -> memref<128x64xf32, #tpu.memory_space<vmem>>
      %dma_start3A_425 = arith.constant 0 : i32
      %dma_start3A_426 = tpu.memref_slice %arg12[%add3A_230, %dma_start3A_425] : memref<10240x64xf32, #tpu.memory_space<vmem_shared>> -> memref<128x64xf32, #tpu.memory_space<vmem_shared>>
      tpu.enqueue_dma source(%dma_start3A_426 : memref<128x64xf32, #tpu.memory_space<vmem_shared>>) target(%dma_start3A_424 : memref<128x64xf32, #tpu.memory_space<vmem>>) target_semaphore(%run_scoped3A_414 : memref<!tpu.dma_semaphore, #tpu.memory_space<semaphore_mem>>)
      %dma_wait3A_427 = arith.constant 0 : i32
      %dma_wait3A_428 = arith.constant 0 : i32
      %dma_wait3A_429 = tpu.memref_slice %arg10[%run_scoped3A_231, %dma_wait3A_427, %dma_wait3A_428] : memref<4x128x64xf32, #tpu.memory_space<vmem>> -> memref<1x128x64xf32, #tpu.memory_space<vmem>>
      %dma_wait3A_430 = tpu.memref_squeeze %dma_wait3A_429 : memref<1x128x64xf32, #tpu.memory_space<vmem>> -> memref<128x64xf32, #tpu.memory_space<vmem>>
      %dma_wait3A_431 = arith.constant 0 : i32
      %dma_wait3A_432 = tpu.memref_slice %arg12[%add3A_230, %dma_wait3A_431] : memref<10240x64xf32, #tpu.memory_space<vmem_shared>> -> memref<128x64xf32, #tpu.memory_space<vmem_shared>>
      %dma_wait3A_433 = arith.constant 0 : i32
      %dma_wait3A_434 = arith.constant 0 : i32
      %dma_wait3A_435 = tpu.memref_slice %arg10[%run_scoped3A_231, %dma_wait3A_433, %dma_wait3A_434] : memref<4x128x64xf32, #tpu.memory_space<vmem>> -> memref<1x128x64xf32, #tpu.memory_space<vmem>>
      %dma_wait3A_436 = tpu.memref_squeeze %dma_wait3A_435 : memref<1x128x64xf32, #tpu.memory_space<vmem>> -> memref<128x64xf32, #tpu.memory_space<vmem>>
      %dma_wait3A_437 = arith.constant 0 : i32
      %dma_wait3A_438 = tpu.memref_slice %arg12[%add3A_230, %dma_wait3A_437] : memref<10240x64xf32, #tpu.memory_space<vmem_shared>> -> memref<128x64xf32, #tpu.memory_space<vmem_shared>>
      tpu.wait_dma2 semaphore(%run_scoped3A_414 : memref<!tpu.dma_semaphore, #tpu.memory_space<semaphore_mem>>) src(%dma_wait3A_438 : memref<128x64xf32, #tpu.memory_space<vmem_shared>>) dst(%dma_wait3A_436 : memref<128x64xf32, #tpu.memory_space<vmem>>)
      tpu.yield
    }) : () -> ()
    %add3A_232 = arith.constant 0 : i32
    %add3A_233 = arith.addi %mul3A_0, %add3A_232 : i32
    %dma_start3A_234 = arith.constant 0 : i32
    %dma_start3A_235 = arith.constant 0 : i32
    %dma_start3A_236 = arith.constant 0 : i32
    %dma_start3A_237 = tpu.memref_slice %arg10[%dma_start3A_234, %dma_start3A_235, %dma_start3A_236] : memref<4x128x64xf32, #tpu.memory_space<vmem>> -> memref<1x128x64xf32, #tpu.memory_space<vmem>>
    %dma_start3A_238 = tpu.memref_squeeze %dma_start3A_237 : memref<1x128x64xf32, #tpu.memory_space<vmem>> -> memref<128x64xf32, #tpu.memory_space<vmem>>
    %dma_start3A_239 = arith.constant 0 : i32
    %dma_start3A_240 = tpu.memref_slice %arg6[%arg0, %add3A_233, %dma_start3A_239] : memref<2x10240x64xf32, #tpu.memory_space<hbm>> -> memref<1x128x64xf32, #tpu.memory_space<hbm>>
    %dma_start3A_241 = tpu.memref_squeeze %dma_start3A_240 : memref<1x128x64xf32, #tpu.memory_space<hbm>> -> memref<128x64xf32, #tpu.memory_space<hbm>>
    %dma_start3A_242 = arith.constant 0 : i32
    %dma_start3A_243 = tpu.memref_slice %arg6[%arg0, %add3A_233, %dma_start3A_242] : memref<2x10240x64xf32, #tpu.memory_space<hbm>> -> memref<1x128x64xf32, #tpu.memory_space<hbm>>
    %dma_start3A_244 = tpu.memref_squeeze %dma_start3A_243 : memref<1x128x64xf32, #tpu.memory_space<hbm>> -> memref<128x64xf32, #tpu.memory_space<hbm>>
    %dma_start3A_245 = arith.constant 0 : i32
    %dma_start3A_246 = arith.constant 0 : i32
    %dma_start3A_247 = tpu.memref_slice %arg10[%dma_start3A_234, %dma_start3A_245, %dma_start3A_246] : memref<4x128x64xf32, #tpu.memory_space<vmem>> -> memref<1x128x64xf32, #tpu.memory_space<vmem>>
    %dma_start3A_248 = tpu.memref_squeeze %dma_start3A_247 : memref<1x128x64xf32, #tpu.memory_space<vmem>> -> memref<128x64xf32, #tpu.memory_space<vmem>>
    tpu.enqueue_dma source(%dma_start3A_248 : memref<128x64xf32, #tpu.memory_space<vmem>>) target(%dma_start3A_244 : memref<128x64xf32, #tpu.memory_space<hbm>>) target_semaphore(%arg17 : memref<!tpu.dma_semaphore, #tpu.memory_space<semaphore_mem>>)
    %add3A_249 = arith.constant 128 : i32
    %add3A_250 = arith.addi %mul3A_0, %add3A_249 : i32
    %run_scoped3A_251 = arith.constant 1 : i32
    "tpu.region"() ({
      %run_scoped3A_414 = tpu.sem_alloc : memref<!tpu.dma_semaphore, #tpu.memory_space<semaphore_mem>>
      %dma_start3A_415 = arith.constant 0 : i32
      %dma_start3A_416 = arith.constant 0 : i32
      %dma_start3A_417 = tpu.memref_slice %arg10[%run_scoped3A_251, %dma_start3A_415, %dma_start3A_416] : memref<4x128x64xf32, #tpu.memory_space<vmem>> -> memref<1x128x64xf32, #tpu.memory_space<vmem>>
      %dma_start3A_418 = tpu.memref_squeeze %dma_start3A_417 : memref<1x128x64xf32, #tpu.memory_space<vmem>> -> memref<128x64xf32, #tpu.memory_space<vmem>>
      %dma_start3A_419 = arith.constant 0 : i32
      %dma_start3A_420 = tpu.memref_slice %arg12[%add3A_250, %dma_start3A_419] : memref<10240x64xf32, #tpu.memory_space<vmem_shared>> -> memref<128x64xf32, #tpu.memory_space<vmem_shared>>
      %dma_start3A_421 = arith.constant 0 : i32
      %dma_start3A_422 = arith.constant 0 : i32
      %dma_start3A_423 = tpu.memref_slice %arg10[%run_scoped3A_251, %dma_start3A_421, %dma_start3A_422] : memref<4x128x64xf32, #tpu.memory_space<vmem>> -> memref<1x128x64xf32, #tpu.memory_space<vmem>>
      %dma_start3A_424 = tpu.memref_squeeze %dma_start3A_423 : memref<1x128x64xf32, #tpu.memory_space<vmem>> -> memref<128x64xf32, #tpu.memory_space<vmem>>
      %dma_start3A_425 = arith.constant 0 : i32
      %dma_start3A_426 = tpu.memref_slice %arg12[%add3A_250, %dma_start3A_425] : memref<10240x64xf32, #tpu.memory_space<vmem_shared>> -> memref<128x64xf32, #tpu.memory_space<vmem_shared>>
      tpu.enqueue_dma source(%dma_start3A_426 : memref<128x64xf32, #tpu.memory_space<vmem_shared>>) target(%dma_start3A_424 : memref<128x64xf32, #tpu.memory_space<vmem>>) target_semaphore(%run_scoped3A_414 : memref<!tpu.dma_semaphore, #tpu.memory_space<semaphore_mem>>)
      %dma_wait3A_427 = arith.constant 0 : i32
      %dma_wait3A_428 = arith.constant 0 : i32
      %dma_wait3A_429 = tpu.memref_slice %arg10[%run_scoped3A_251, %dma_wait3A_427, %dma_wait3A_428] : memref<4x128x64xf32, #tpu.memory_space<vmem>> -> memref<1x128x64xf32, #tpu.memory_space<vmem>>
      %dma_wait3A_430 = tpu.memref_squeeze %dma_wait3A_429 : memref<1x128x64xf32, #tpu.memory_space<vmem>> -> memref<128x64xf32, #tpu.memory_space<vmem>>
      %dma_wait3A_431 = arith.constant 0 : i32
      %dma_wait3A_432 = tpu.memref_slice %arg12[%add3A_250, %dma_wait3A_431] : memref<10240x64xf32, #tpu.memory_space<vmem_shared>> -> memref<128x64xf32, #tpu.memory_space<vmem_shared>>
      %dma_wait3A_433 = arith.constant 0 : i32
      %dma_wait3A_434 = arith.constant 0 : i32
      %dma_wait3A_435 = tpu.memref_slice %arg10[%run_scoped3A_251, %dma_wait3A_433, %dma_wait3A_434] : memref<4x128x64xf32, #tpu.memory_space<vmem>> -> memref<1x128x64xf32, #tpu.memory_space<vmem>>
      %dma_wait3A_436 = tpu.memref_squeeze %dma_wait3A_435 : memref<1x128x64xf32, #tpu.memory_space<vmem>> -> memref<128x64xf32, #tpu.memory_space<vmem>>
      %dma_wait3A_437 = arith.constant 0 : i32
      %dma_wait3A_438 = tpu.memref_slice %arg12[%add3A_250, %dma_wait3A_437] : memref<10240x64xf32, #tpu.memory_space<vmem_shared>> -> memref<128x64xf32, #tpu.memory_space<vmem_shared>>
      tpu.wait_dma2 semaphore(%run_scoped3A_414 : memref<!tpu.dma_semaphore, #tpu.memory_space<semaphore_mem>>) src(%dma_wait3A_438 : memref<128x64xf32, #tpu.memory_space<vmem_shared>>) dst(%dma_wait3A_436 : memref<128x64xf32, #tpu.memory_space<vmem>>)
      tpu.yield
    }) : () -> ()
    %add3A_252 = arith.constant 128 : i32
    %add3A_253 = arith.addi %mul3A_0, %add3A_252 : i32
    %dma_start3A_254 = arith.constant 1 : i32
    %dma_start3A_255 = arith.constant 0 : i32
    %dma_start3A_256 = arith.constant 0 : i32
    %dma_start3A_257 = tpu.memref_slice %arg10[%dma_start3A_254, %dma_start3A_255, %dma_start3A_256] : memref<4x128x64xf32, #tpu.memory_space<vmem>> -> memref<1x128x64xf32, #tpu.memory_space<vmem>>
    %dma_start3A_258 = tpu.memref_squeeze %dma_start3A_257 : memref<1x128x64xf32, #tpu.memory_space<vmem>> -> memref<128x64xf32, #tpu.memory_space<vmem>>
    %dma_start3A_259 = arith.constant 0 : i32
    %dma_start3A_260 = tpu.memref_slice %arg6[%arg0, %add3A_253, %dma_start3A_259] : memref<2x10240x64xf32, #tpu.memory_space<hbm>> -> memref<1x128x64xf32, #tpu.memory_space<hbm>>
    %dma_start3A_261 = tpu.memref_squeeze %dma_start3A_260 : memref<1x128x64xf32, #tpu.memory_space<hbm>> -> memref<128x64xf32, #tpu.memory_space<hbm>>
    %dma_start3A_262 = arith.constant 0 : i32
    %dma_start3A_263 = tpu.memref_slice %arg6[%arg0, %add3A_253, %dma_start3A_262] : memref<2x10240x64xf32, #tpu.memory_space<hbm>> -> memref<1x128x64xf32, #tpu.memory_space<hbm>>
    %dma_start3A_264 = tpu.memref_squeeze %dma_start3A_263 : memref<1x128x64xf32, #tpu.memory_space<hbm>> -> memref<128x64xf32, #tpu.memory_space<hbm>>
    %dma_start3A_265 = arith.constant 0 : i32
    %dma_start3A_266 = arith.constant 0 : i32
    %dma_start3A_267 = tpu.memref_slice %arg10[%dma_start3A_254, %dma_start3A_265, %dma_start3A_266] : memref<4x128x64xf32, #tpu.memory_space<vmem>> -> memref<1x128x64xf32, #tpu.memory_space<vmem>>
    %dma_start3A_268 = tpu.memref_squeeze %dma_start3A_267 : memref<1x128x64xf32, #tpu.memory_space<vmem>> -> memref<128x64xf32, #tpu.memory_space<vmem>>
    tpu.enqueue_dma source(%dma_start3A_268 : memref<128x64xf32, #tpu.memory_space<vmem>>) target(%dma_start3A_264 : memref<128x64xf32, #tpu.memory_space<hbm>>) target_semaphore(%arg18 : memref<!tpu.dma_semaphore, #tpu.memory_space<semaphore_mem>>)
    %add3A_269 = arith.constant 256 : i32
    %add3A_270 = arith.addi %mul3A_0, %add3A_269 : i32
    %run_scoped3A_271 = arith.constant 2 : i32
    "tpu.region"() ({
      %run_scoped3A_414 = tpu.sem_alloc : memref<!tpu.dma_semaphore, #tpu.memory_space<semaphore_mem>>
      %dma_start3A_415 = arith.constant 0 : i32
      %dma_start3A_416 = arith.constant 0 : i32
      %dma_start3A_417 = tpu.memref_slice %arg10[%run_scoped3A_271, %dma_start3A_415, %dma_start3A_416] : memref<4x128x64xf32, #tpu.memory_space<vmem>> -> memref<1x128x64xf32, #tpu.memory_space<vmem>>
      %dma_start3A_418 = tpu.memref_squeeze %dma_start3A_417 : memref<1x128x64xf32, #tpu.memory_space<vmem>> -> memref<128x64xf32, #tpu.memory_space<vmem>>
      %dma_start3A_419 = arith.constant 0 : i32
      %dma_start3A_420 = tpu.memref_slice %arg12[%add3A_270, %dma_start3A_419] : memref<10240x64xf32, #tpu.memory_space<vmem_shared>> -> memref<128x64xf32, #tpu.memory_space<vmem_shared>>
      %dma_start3A_421 = arith.constant 0 : i32
      %dma_start3A_422 = arith.constant 0 : i32
      %dma_start3A_423 = tpu.memref_slice %arg10[%run_scoped3A_271, %dma_start3A_421, %dma_start3A_422] : memref<4x128x64xf32, #tpu.memory_space<vmem>> -> memref<1x128x64xf32, #tpu.memory_space<vmem>>
      %dma_start3A_424 = tpu.memref_squeeze %dma_start3A_423 : memref<1x128x64xf32, #tpu.memory_space<vmem>> -> memref<128x64xf32, #tpu.memory_space<vmem>>
      %dma_start3A_425 = arith.constant 0 : i32
      %dma_start3A_426 = tpu.memref_slice %arg12[%add3A_270, %dma_start3A_425] : memref<10240x64xf32, #tpu.memory_space<vmem_shared>> -> memref<128x64xf32, #tpu.memory_space<vmem_shared>>
      tpu.enqueue_dma source(%dma_start3A_426 : memref<128x64xf32, #tpu.memory_space<vmem_shared>>) target(%dma_start3A_424 : memref<128x64xf32, #tpu.memory_space<vmem>>) target_semaphore(%run_scoped3A_414 : memref<!tpu.dma_semaphore, #tpu.memory_space<semaphore_mem>>)
      %dma_wait3A_427 = arith.constant 0 : i32
      %dma_wait3A_428 = arith.constant 0 : i32
      %dma_wait3A_429 = tpu.memref_slice %arg10[%run_scoped3A_271, %dma_wait3A_427, %dma_wait3A_428] : memref<4x128x64xf32, #tpu.memory_space<vmem>> -> memref<1x128x64xf32, #tpu.memory_space<vmem>>
      %dma_wait3A_430 = tpu.memref_squeeze %dma_wait3A_429 : memref<1x128x64xf32, #tpu.memory_space<vmem>> -> memref<128x64xf32, #tpu.memory_space<vmem>>
      %dma_wait3A_431 = arith.constant 0 : i32
      %dma_wait3A_432 = tpu.memref_slice %arg12[%add3A_270, %dma_wait3A_431] : memref<10240x64xf32, #tpu.memory_space<vmem_shared>> -> memref<128x64xf32, #tpu.memory_space<vmem_shared>>
      %dma_wait3A_433 = arith.constant 0 : i32
      %dma_wait3A_434 = arith.constant 0 : i32
      %dma_wait3A_435 = tpu.memref_slice %arg10[%run_scoped3A_271, %dma_wait3A_433, %dma_wait3A_434] : memref<4x128x64xf32, #tpu.memory_space<vmem>> -> memref<1x128x64xf32, #tpu.memory_space<vmem>>
      %dma_wait3A_436 = tpu.memref_squeeze %dma_wait3A_435 : memref<1x128x64xf32, #tpu.memory_space<vmem>> -> memref<128x64xf32, #tpu.memory_space<vmem>>
      %dma_wait3A_437 = arith.constant 0 : i32
      %dma_wait3A_438 = tpu.memref_slice %arg12[%add3A_270, %dma_wait3A_437] : memref<10240x64xf32, #tpu.memory_space<vmem_shared>> -> memref<128x64xf32, #tpu.memory_space<vmem_shared>>
      tpu.wait_dma2 semaphore(%run_scoped3A_414 : memref<!tpu.dma_semaphore, #tpu.memory_space<semaphore_mem>>) src(%dma_wait3A_438 : memref<128x64xf32, #tpu.memory_space<vmem_shared>>) dst(%dma_wait3A_436 : memref<128x64xf32, #tpu.memory_space<vmem>>)
      tpu.yield
    }) : () -> ()
    %add3A_272 = arith.constant 256 : i32
    %add3A_273 = arith.addi %mul3A_0, %add3A_272 : i32
    %dma_start3A_274 = arith.constant 2 : i32
    %dma_start3A_275 = arith.constant 0 : i32
    %dma_start3A_276 = arith.constant 0 : i32
    %dma_start3A_277 = tpu.memref_slice %arg10[%dma_start3A_274, %dma_start3A_275, %dma_start3A_276] : memref<4x128x64xf32, #tpu.memory_space<vmem>> -> memref<1x128x64xf32, #tpu.memory_space<vmem>>
    %dma_start3A_278 = tpu.memref_squeeze %dma_start3A_277 : memref<1x128x64xf32, #tpu.memory_space<vmem>> -> memref<128x64xf32, #tpu.memory_space<vmem>>
    %dma_start3A_279 = arith.constant 0 : i32
    %dma_start3A_280 = tpu.memref_slice %arg6[%arg0, %add3A_273, %dma_start3A_279] : memref<2x10240x64xf32, #tpu.memory_space<hbm>> -> memref<1x128x64xf32, #tpu.memory_space<hbm>>
    %dma_start3A_281 = tpu.memref_squeeze %dma_start3A_280 : memref<1x128x64xf32, #tpu.memory_space<hbm>> -> memref<128x64xf32, #tpu.memory_space<hbm>>
    %dma_start3A_282 = arith.constant 0 : i32
    %dma_start3A_283 = tpu.memref_slice %arg6[%arg0, %add3A_273, %dma_start3A_282] : memref<2x10240x64xf32, #tpu.memory_space<hbm>> -> memref<1x128x64xf32, #tpu.memory_space<hbm>>
    %dma_start3A_284 = tpu.memref_squeeze %dma_start3A_283 : memref<1x128x64xf32, #tpu.memory_space<hbm>> -> memref<128x64xf32, #tpu.memory_space<hbm>>
    %dma_start3A_285 = arith.constant 0 : i32
    %dma_start3A_286 = arith.constant 0 : i32
    %dma_start3A_287 = tpu.memref_slice %arg10[%dma_start3A_274, %dma_start3A_285, %dma_start3A_286] : memref<4x128x64xf32, #tpu.memory_space<vmem>> -> memref<1x128x64xf32, #tpu.memory_space<vmem>>
    %dma_start3A_288 = tpu.memref_squeeze %dma_start3A_287 : memref<1x128x64xf32, #tpu.memory_space<vmem>> -> memref<128x64xf32, #tpu.memory_space<vmem>>
    tpu.enqueue_dma source(%dma_start3A_288 : memref<128x64xf32, #tpu.memory_space<vmem>>) target(%dma_start3A_284 : memref<128x64xf32, #tpu.memory_space<hbm>>) target_semaphore(%arg19 : memref<!tpu.dma_semaphore, #tpu.memory_space<semaphore_mem>>)
    %add3A_289 = arith.constant 384 : i32
    %add3A_290 = arith.addi %mul3A_0, %add3A_289 : i32
    %run_scoped3A_291 = arith.constant 3 : i32
    "tpu.region"() ({
      %run_scoped3A_414 = tpu.sem_alloc : memref<!tpu.dma_semaphore, #tpu.memory_space<semaphore_mem>>
      %dma_start3A_415 = arith.constant 0 : i32
      %dma_start3A_416 = arith.constant 0 : i32
      %dma_start3A_417 = tpu.memref_slice %arg10[%run_scoped3A_291, %dma_start3A_415, %dma_start3A_416] : memref<4x128x64xf32, #tpu.memory_space<vmem>> -> memref<1x128x64xf32, #tpu.memory_space<vmem>>
      %dma_start3A_418 = tpu.memref_squeeze %dma_start3A_417 : memref<1x128x64xf32, #tpu.memory_space<vmem>> -> memref<128x64xf32, #tpu.memory_space<vmem>>
      %dma_start3A_419 = arith.constant 0 : i32
      %dma_start3A_420 = tpu.memref_slice %arg12[%add3A_290, %dma_start3A_419] : memref<10240x64xf32, #tpu.memory_space<vmem_shared>> -> memref<128x64xf32, #tpu.memory_space<vmem_shared>>
      %dma_start3A_421 = arith.constant 0 : i32
      %dma_start3A_422 = arith.constant 0 : i32
      %dma_start3A_423 = tpu.memref_slice %arg10[%run_scoped3A_291, %dma_start3A_421, %dma_start3A_422] : memref<4x128x64xf32, #tpu.memory_space<vmem>> -> memref<1x128x64xf32, #tpu.memory_space<vmem>>
      %dma_start3A_424 = tpu.memref_squeeze %dma_start3A_423 : memref<1x128x64xf32, #tpu.memory_space<vmem>> -> memref<128x64xf32, #tpu.memory_space<vmem>>
      %dma_start3A_425 = arith.constant 0 : i32
      %dma_start3A_426 = tpu.memref_slice %arg12[%add3A_290, %dma_start3A_425] : memref<10240x64xf32, #tpu.memory_space<vmem_shared>> -> memref<128x64xf32, #tpu.memory_space<vmem_shared>>
      tpu.enqueue_dma source(%dma_start3A_426 : memref<128x64xf32, #tpu.memory_space<vmem_shared>>) target(%dma_start3A_424 : memref<128x64xf32, #tpu.memory_space<vmem>>) target_semaphore(%run_scoped3A_414 : memref<!tpu.dma_semaphore, #tpu.memory_space<semaphore_mem>>)
      %dma_wait3A_427 = arith.constant 0 : i32
      %dma_wait3A_428 = arith.constant 0 : i32
      %dma_wait3A_429 = tpu.memref_slice %arg10[%run_scoped3A_291, %dma_wait3A_427, %dma_wait3A_428] : memref<4x128x64xf32, #tpu.memory_space<vmem>> -> memref<1x128x64xf32, #tpu.memory_space<vmem>>
      %dma_wait3A_430 = tpu.memref_squeeze %dma_wait3A_429 : memref<1x128x64xf32, #tpu.memory_space<vmem>> -> memref<128x64xf32, #tpu.memory_space<vmem>>
      %dma_wait3A_431 = arith.constant 0 : i32
      %dma_wait3A_432 = tpu.memref_slice %arg12[%add3A_290, %dma_wait3A_431] : memref<10240x64xf32, #tpu.memory_space<vmem_shared>> -> memref<128x64xf32, #tpu.memory_space<vmem_shared>>
      %dma_wait3A_433 = arith.constant 0 : i32
      %dma_wait3A_434 = arith.constant 0 : i32
      %dma_wait3A_435 = tpu.memref_slice %arg10[%run_scoped3A_291, %dma_wait3A_433, %dma_wait3A_434] : memref<4x128x64xf32, #tpu.memory_space<vmem>> -> memref<1x128x64xf32, #tpu.memory_space<vmem>>
      %dma_wait3A_436 = tpu.memref_squeeze %dma_wait3A_435 : memref<1x128x64xf32, #tpu.memory_space<vmem>> -> memref<128x64xf32, #tpu.memory_space<vmem>>
      %dma_wait3A_437 = arith.constant 0 : i32
      %dma_wait3A_438 = tpu.memref_slice %arg12[%add3A_290, %dma_wait3A_437] : memref<10240x64xf32, #tpu.memory_space<vmem_shared>> -> memref<128x64xf32, #tpu.memory_space<vmem_shared>>
      tpu.wait_dma2 semaphore(%run_scoped3A_414 : memref<!tpu.dma_semaphore, #tpu.memory_space<semaphore_mem>>) src(%dma_wait3A_438 : memref<128x64xf32, #tpu.memory_space<vmem_shared>>) dst(%dma_wait3A_436 : memref<128x64xf32, #tpu.memory_space<vmem>>)
      tpu.yield
    }) : () -> ()
    %add3A_292 = arith.constant 384 : i32
    %add3A_293 = arith.addi %mul3A_0, %add3A_292 : i32
    %dma_start3A_294 = arith.constant 3 : i32
    %dma_start3A_295 = arith.constant 0 : i32
    %dma_start3A_296 = arith.constant 0 : i32
    %dma_start3A_297 = tpu.memref_slice %arg10[%dma_start3A_294, %dma_start3A_295, %dma_start3A_296] : memref<4x128x64xf32, #tpu.memory_space<vmem>> -> memref<1x128x64xf32, #tpu.memory_space<vmem>>
    %dma_start3A_298 = tpu.memref_squeeze %dma_start3A_297 : memref<1x128x64xf32, #tpu.memory_space<vmem>> -> memref<128x64xf32, #tpu.memory_space<vmem>>
    %dma_start3A_299 = arith.constant 0 : i32
    %dma_start3A_300 = tpu.memref_slice %arg6[%arg0, %add3A_293, %dma_start3A_299] : memref<2x10240x64xf32, #tpu.memory_space<hbm>> -> memref<1x128x64xf32, #tpu.memory_space<hbm>>
    %dma_start3A_301 = tpu.memref_squeeze %dma_start3A_300 : memref<1x128x64xf32, #tpu.memory_space<hbm>> -> memref<128x64xf32, #tpu.memory_space<hbm>>
    %dma_start3A_302 = arith.constant 0 : i32
    %dma_start3A_303 = tpu.memref_slice %arg6[%arg0, %add3A_293, %dma_start3A_302] : memref<2x10240x64xf32, #tpu.memory_space<hbm>> -> memref<1x128x64xf32, #tpu.memory_space<hbm>>
    %dma_start3A_304 = tpu.memref_squeeze %dma_start3A_303 : memref<1x128x64xf32, #tpu.memory_space<hbm>> -> memref<128x64xf32, #tpu.memory_space<hbm>>
    %dma_start3A_305 = arith.constant 0 : i32
    %dma_start3A_306 = arith.constant 0 : i32
    %dma_start3A_307 = tpu.memref_slice %arg10[%dma_start3A_294, %dma_start3A_305, %dma_start3A_306] : memref<4x128x64xf32, #tpu.memory_space<vmem>> -> memref<1x128x64xf32, #tpu.memory_space<vmem>>
    %dma_start3A_308 = tpu.memref_squeeze %dma_start3A_307 : memref<1x128x64xf32, #tpu.memory_space<vmem>> -> memref<128x64xf32, #tpu.memory_space<vmem>>
    tpu.enqueue_dma source(%dma_start3A_308 : memref<128x64xf32, #tpu.memory_space<vmem>>) target(%dma_start3A_304 : memref<128x64xf32, #tpu.memory_space<hbm>>) target_semaphore(%arg20 : memref<!tpu.dma_semaphore, #tpu.memory_space<semaphore_mem>>)
    %add3A_309 = arith.constant 0 : i32
    %add3A_310 = arith.addi %mul3A_0, %add3A_309 : i32
    %dma_wait3A_311 = arith.constant 0 : i32
    %dma_wait3A_312 = arith.constant 0 : i32
    %dma_wait3A_313 = arith.constant 0 : i32
    %dma_wait3A_314 = tpu.memref_slice %arg10[%dma_wait3A_311, %dma_wait3A_312, %dma_wait3A_313] : memref<4x128x64xf32, #tpu.memory_space<vmem>> -> memref<1x128x64xf32, #tpu.memory_space<vmem>>
    %dma_wait3A_315 = tpu.memref_squeeze %dma_wait3A_314 : memref<1x128x64xf32, #tpu.memory_space<vmem>> -> memref<128x64xf32, #tpu.memory_space<vmem>>
    %dma_wait3A_316 = arith.constant 0 : i32
    %dma_wait3A_317 = tpu.memref_slice %arg6[%arg0, %add3A_310, %dma_wait3A_316] : memref<2x10240x64xf32, #tpu.memory_space<hbm>> -> memref<1x128x64xf32, #tpu.memory_space<hbm>>
    %dma_wait3A_318 = tpu.memref_squeeze %dma_wait3A_317 : memref<1x128x64xf32, #tpu.memory_space<hbm>> -> memref<128x64xf32, #tpu.memory_space<hbm>>
    %dma_wait3A_319 = arith.constant 0 : i32
    %dma_wait3A_320 = tpu.memref_slice %arg6[%arg0, %add3A_310, %dma_wait3A_319] : memref<2x10240x64xf32, #tpu.memory_space<hbm>> -> memref<1x128x64xf32, #tpu.memory_space<hbm>>
    %dma_wait3A_321 = tpu.memref_squeeze %dma_wait3A_320 : memref<1x128x64xf32, #tpu.memory_space<hbm>> -> memref<128x64xf32, #tpu.memory_space<hbm>>
    %dma_wait3A_322 = arith.constant 0 : i32
    %dma_wait3A_323 = arith.constant 0 : i32
    %dma_wait3A_324 = tpu.memref_slice %arg10[%dma_wait3A_311, %dma_wait3A_322, %dma_wait3A_323] : memref<4x128x64xf32, #tpu.memory_space<vmem>> -> memref<1x128x64xf32, #tpu.memory_space<vmem>>
    %dma_wait3A_325 = tpu.memref_squeeze %dma_wait3A_324 : memref<1x128x64xf32, #tpu.memory_space<vmem>> -> memref<128x64xf32, #tpu.memory_space<vmem>>
    tpu.wait_dma2 semaphore(%arg17 : memref<!tpu.dma_semaphore, #tpu.memory_space<semaphore_mem>>) src(%dma_wait3A_325 : memref<128x64xf32, #tpu.memory_space<vmem>>) dst(%dma_wait3A_321 : memref<128x64xf32, #tpu.memory_space<hbm>>)
    %add3A_326 = arith.constant 512 : i32
    %add3A_327 = arith.addi %mul3A_0, %add3A_326 : i32
    %run_scoped3A_328 = arith.constant 0 : i32
    "tpu.region"() ({
      %run_scoped3A_414 = tpu.sem_alloc : memref<!tpu.dma_semaphore, #tpu.memory_space<semaphore_mem>>
      %dma_start3A_415 = arith.constant 0 : i32
      %dma_start3A_416 = arith.constant 0 : i32
      %dma_start3A_417 = tpu.memref_slice %arg10[%run_scoped3A_328, %dma_start3A_415, %dma_start3A_416] : memref<4x128x64xf32, #tpu.memory_space<vmem>> -> memref<1x128x64xf32, #tpu.memory_space<vmem>>
      %dma_start3A_418 = tpu.memref_squeeze %dma_start3A_417 : memref<1x128x64xf32, #tpu.memory_space<vmem>> -> memref<128x64xf32, #tpu.memory_space<vmem>>
      %dma_start3A_419 = arith.constant 0 : i32
      %dma_start3A_420 = tpu.memref_slice %arg12[%add3A_327, %dma_start3A_419] : memref<10240x64xf32, #tpu.memory_space<vmem_shared>> -> memref<128x64xf32, #tpu.memory_space<vmem_shared>>
      %dma_start3A_421 = arith.constant 0 : i32
      %dma_start3A_422 = arith.constant 0 : i32
      %dma_start3A_423 = tpu.memref_slice %arg10[%run_scoped3A_328, %dma_start3A_421, %dma_start3A_422] : memref<4x128x64xf32, #tpu.memory_space<vmem>> -> memref<1x128x64xf32, #tpu.memory_space<vmem>>
      %dma_start3A_424 = tpu.memref_squeeze %dma_start3A_423 : memref<1x128x64xf32, #tpu.memory_space<vmem>> -> memref<128x64xf32, #tpu.memory_space<vmem>>
      %dma_start3A_425 = arith.constant 0 : i32
      %dma_start3A_426 = tpu.memref_slice %arg12[%add3A_327, %dma_start3A_425] : memref<10240x64xf32, #tpu.memory_space<vmem_shared>> -> memref<128x64xf32, #tpu.memory_space<vmem_shared>>
      tpu.enqueue_dma source(%dma_start3A_426 : memref<128x64xf32, #tpu.memory_space<vmem_shared>>) target(%dma_start3A_424 : memref<128x64xf32, #tpu.memory_space<vmem>>) target_semaphore(%run_scoped3A_414 : memref<!tpu.dma_semaphore, #tpu.memory_space<semaphore_mem>>)
      %dma_wait3A_427 = arith.constant 0 : i32
      %dma_wait3A_428 = arith.constant 0 : i32
      %dma_wait3A_429 = tpu.memref_slice %arg10[%run_scoped3A_328, %dma_wait3A_427, %dma_wait3A_428] : memref<4x128x64xf32, #tpu.memory_space<vmem>> -> memref<1x128x64xf32, #tpu.memory_space<vmem>>
      %dma_wait3A_430 = tpu.memref_squeeze %dma_wait3A_429 : memref<1x128x64xf32, #tpu.memory_space<vmem>> -> memref<128x64xf32, #tpu.memory_space<vmem>>
      %dma_wait3A_431 = arith.constant 0 : i32
      %dma_wait3A_432 = tpu.memref_slice %arg12[%add3A_327, %dma_wait3A_431] : memref<10240x64xf32, #tpu.memory_space<vmem_shared>> -> memref<128x64xf32, #tpu.memory_space<vmem_shared>>
      %dma_wait3A_433 = arith.constant 0 : i32
      %dma_wait3A_434 = arith.constant 0 : i32
      %dma_wait3A_435 = tpu.memref_slice %arg10[%run_scoped3A_328, %dma_wait3A_433, %dma_wait3A_434] : memref<4x128x64xf32, #tpu.memory_space<vmem>> -> memref<1x128x64xf32, #tpu.memory_space<vmem>>
      %dma_wait3A_436 = tpu.memref_squeeze %dma_wait3A_435 : memref<1x128x64xf32, #tpu.memory_space<vmem>> -> memref<128x64xf32, #tpu.memory_space<vmem>>
      %dma_wait3A_437 = arith.constant 0 : i32
      %dma_wait3A_438 = tpu.memref_slice %arg12[%add3A_327, %dma_wait3A_437] : memref<10240x64xf32, #tpu.memory_space<vmem_shared>> -> memref<128x64xf32, #tpu.memory_space<vmem_shared>>
      tpu.wait_dma2 semaphore(%run_scoped3A_414 : memref<!tpu.dma_semaphore, #tpu.memory_space<semaphore_mem>>) src(%dma_wait3A_438 : memref<128x64xf32, #tpu.memory_space<vmem_shared>>) dst(%dma_wait3A_436 : memref<128x64xf32, #tpu.memory_space<vmem>>)
      tpu.yield
    }) : () -> ()
    %add3A_329 = arith.constant 512 : i32
    %add3A_330 = arith.addi %mul3A_0, %add3A_329 : i32
    %dma_start3A_331 = arith.constant 0 : i32
    %dma_start3A_332 = arith.constant 0 : i32
    %dma_start3A_333 = arith.constant 0 : i32
    %dma_start3A_334 = tpu.memref_slice %arg10[%dma_start3A_331, %dma_start3A_332, %dma_start3A_333] : memref<4x128x64xf32, #tpu.memory_space<vmem>> -> memref<1x128x64xf32, #tpu.memory_space<vmem>>
    %dma_start3A_335 = tpu.memref_squeeze %dma_start3A_334 : memref<1x128x64xf32, #tpu.memory_space<vmem>> -> memref<128x64xf32, #tpu.memory_space<vmem>>
    %dma_start3A_336 = arith.constant 0 : i32
    %dma_start3A_337 = tpu.memref_slice %arg6[%arg0, %add3A_330, %dma_start3A_336] : memref<2x10240x64xf32, #tpu.memory_space<hbm>> -> memref<1x128x64xf32, #tpu.memory_space<hbm>>
    %dma_start3A_338 = tpu.memref_squeeze %dma_start3A_337 : memref<1x128x64xf32, #tpu.memory_space<hbm>> -> memref<128x64xf32, #tpu.memory_space<hbm>>
    %dma_start3A_339 = arith.constant 0 : i32
    %dma_start3A_340 = tpu.memref_slice %arg6[%arg0, %add3A_330, %dma_start3A_339] : memref<2x10240x64xf32, #tpu.memory_space<hbm>> -> memref<1x128x64xf32, #tpu.memory_space<hbm>>
    %dma_start3A_341 = tpu.memref_squeeze %dma_start3A_340 : memref<1x128x64xf32, #tpu.memory_space<hbm>> -> memref<128x64xf32, #tpu.memory_space<hbm>>
    %dma_start3A_342 = arith.constant 0 : i32
    %dma_start3A_343 = arith.constant 0 : i32
    %dma_start3A_344 = tpu.memref_slice %arg10[%dma_start3A_331, %dma_start3A_342, %dma_start3A_343] : memref<4x128x64xf32, #tpu.memory_space<vmem>> -> memref<1x128x64xf32, #tpu.memory_space<vmem>>
    %dma_start3A_345 = tpu.memref_squeeze %dma_start3A_344 : memref<1x128x64xf32, #tpu.memory_space<vmem>> -> memref<128x64xf32, #tpu.memory_space<vmem>>
    tpu.enqueue_dma source(%dma_start3A_345 : memref<128x64xf32, #tpu.memory_space<vmem>>) target(%dma_start3A_341 : memref<128x64xf32, #tpu.memory_space<hbm>>) target_semaphore(%arg17 : memref<!tpu.dma_semaphore, #tpu.memory_space<semaphore_mem>>)
    %add3A_346 = arith.constant 128 : i32
    %add3A_347 = arith.addi %mul3A_0, %add3A_346 : i32
    %dma_wait3A_348 = arith.constant 1 : i32
    %dma_wait3A_349 = arith.constant 0 : i32
    %dma_wait3A_350 = arith.constant 0 : i32
    %dma_wait3A_351 = tpu.memref_slice %arg10[%dma_wait3A_348, %dma_wait3A_349, %dma_wait3A_350] : memref<4x128x64xf32, #tpu.memory_space<vmem>> -> memref<1x128x64xf32, #tpu.memory_space<vmem>>
    %dma_wait3A_352 = tpu.memref_squeeze %dma_wait3A_351 : memref<1x128x64xf32, #tpu.memory_space<vmem>> -> memref<128x64xf32, #tpu.memory_space<vmem>>
    %dma_wait3A_353 = arith.constant 0 : i32
    %dma_wait3A_354 = tpu.memref_slice %arg6[%arg0, %add3A_347, %dma_wait3A_353] : memref<2x10240x64xf32, #tpu.memory_space<hbm>> -> memref<1x128x64xf32, #tpu.memory_space<hbm>>
    %dma_wait3A_355 = tpu.memref_squeeze %dma_wait3A_354 : memref<1x128x64xf32, #tpu.memory_space<hbm>> -> memref<128x64xf32, #tpu.memory_space<hbm>>
    %dma_wait3A_356 = arith.constant 0 : i32
    %dma_wait3A_357 = tpu.memref_slice %arg6[%arg0, %add3A_347, %dma_wait3A_356] : memref<2x10240x64xf32, #tpu.memory_space<hbm>> -> memref<1x128x64xf32, #tpu.memory_space<hbm>>
    %dma_wait3A_358 = tpu.memref_squeeze %dma_wait3A_357 : memref<1x128x64xf32, #tpu.memory_space<hbm>> -> memref<128x64xf32, #tpu.memory_space<hbm>>
    %dma_wait3A_359 = arith.constant 0 : i32
    %dma_wait3A_360 = arith.constant 0 : i32
    %dma_wait3A_361 = tpu.memref_slice %arg10[%dma_wait3A_348, %dma_wait3A_359, %dma_wait3A_360] : memref<4x128x64xf32, #tpu.memory_space<vmem>> -> memref<1x128x64xf32, #tpu.memory_space<vmem>>
    %dma_wait3A_362 = tpu.memref_squeeze %dma_wait3A_361 : memref<1x128x64xf32, #tpu.memory_space<vmem>> -> memref<128x64xf32, #tpu.memory_space<vmem>>
    tpu.wait_dma2 semaphore(%arg18 : memref<!tpu.dma_semaphore, #tpu.memory_space<semaphore_mem>>) src(%dma_wait3A_362 : memref<128x64xf32, #tpu.memory_space<vmem>>) dst(%dma_wait3A_358 : memref<128x64xf32, #tpu.memory_space<hbm>>)
    %add3A_363 = arith.constant 256 : i32
    %add3A_364 = arith.addi %mul3A_0, %add3A_363 : i32
    %dma_wait3A_365 = arith.constant 2 : i32
    %dma_wait3A_366 = arith.constant 0 : i32
    %dma_wait3A_367 = arith.constant 0 : i32
    %dma_wait3A_368 = tpu.memref_slice %arg10[%dma_wait3A_365, %dma_wait3A_366, %dma_wait3A_367] : memref<4x128x64xf32, #tpu.memory_space<vmem>> -> memref<1x128x64xf32, #tpu.memory_space<vmem>>
    %dma_wait3A_369 = tpu.memref_squeeze %dma_wait3A_368 : memref<1x128x64xf32, #tpu.memory_space<vmem>> -> memref<128x64xf32, #tpu.memory_space<vmem>>
    %dma_wait3A_370 = arith.constant 0 : i32
    %dma_wait3A_371 = tpu.memref_slice %arg6[%arg0, %add3A_364, %dma_wait3A_370] : memref<2x10240x64xf32, #tpu.memory_space<hbm>> -> memref<1x128x64xf32, #tpu.memory_space<hbm>>
    %dma_wait3A_372 = tpu.memref_squeeze %dma_wait3A_371 : memref<1x128x64xf32, #tpu.memory_space<hbm>> -> memref<128x64xf32, #tpu.memory_space<hbm>>
    %dma_wait3A_373 = arith.constant 0 : i32
    %dma_wait3A_374 = tpu.memref_slice %arg6[%arg0, %add3A_364, %dma_wait3A_373] : memref<2x10240x64xf32, #tpu.memory_space<hbm>> -> memref<1x128x64xf32, #tpu.memory_space<hbm>>
    %dma_wait3A_375 = tpu.memref_squeeze %dma_wait3A_374 : memref<1x128x64xf32, #tpu.memory_space<hbm>> -> memref<128x64xf32, #tpu.memory_space<hbm>>
    %dma_wait3A_376 = arith.constant 0 : i32
    %dma_wait3A_377 = arith.constant 0 : i32
    %dma_wait3A_378 = tpu.memref_slice %arg10[%dma_wait3A_365, %dma_wait3A_376, %dma_wait3A_377] : memref<4x128x64xf32, #tpu.memory_space<vmem>> -> memref<1x128x64xf32, #tpu.memory_space<vmem>>
    %dma_wait3A_379 = tpu.memref_squeeze %dma_wait3A_378 : memref<1x128x64xf32, #tpu.memory_space<vmem>> -> memref<128x64xf32, #tpu.memory_space<vmem>>
    tpu.wait_dma2 semaphore(%arg19 : memref<!tpu.dma_semaphore, #tpu.memory_space<semaphore_mem>>) src(%dma_wait3A_379 : memref<128x64xf32, #tpu.memory_space<vmem>>) dst(%dma_wait3A_375 : memref<128x64xf32, #tpu.memory_space<hbm>>)
    %add3A_380 = arith.constant 384 : i32
    %add3A_381 = arith.addi %mul3A_0, %add3A_380 : i32
    %dma_wait3A_382 = arith.constant 3 : i32
    %dma_wait3A_383 = arith.constant 0 : i32
    %dma_wait3A_384 = arith.constant 0 : i32
    %dma_wait3A_385 = tpu.memref_slice %arg10[%dma_wait3A_382, %dma_wait3A_383, %dma_wait3A_384] : memref<4x128x64xf32, #tpu.memory_space<vmem>> -> memref<1x128x64xf32, #tpu.memory_space<vmem>>
    %dma_wait3A_386 = tpu.memref_squeeze %dma_wait3A_385 : memref<1x128x64xf32, #tpu.memory_space<vmem>> -> memref<128x64xf32, #tpu.memory_space<vmem>>
    %dma_wait3A_387 = arith.constant 0 : i32
    %dma_wait3A_388 = tpu.memref_slice %arg6[%arg0, %add3A_381, %dma_wait3A_387] : memref<2x10240x64xf32, #tpu.memory_space<hbm>> -> memref<1x128x64xf32, #tpu.memory_space<hbm>>
    %dma_wait3A_389 = tpu.memref_squeeze %dma_wait3A_388 : memref<1x128x64xf32, #tpu.memory_space<hbm>> -> memref<128x64xf32, #tpu.memory_space<hbm>>
    %dma_wait3A_390 = arith.constant 0 : i32
    %dma_wait3A_391 = tpu.memref_slice %arg6[%arg0, %add3A_381, %dma_wait3A_390] : memref<2x10240x64xf32, #tpu.memory_space<hbm>> -> memref<1x128x64xf32, #tpu.memory_space<hbm>>
    %dma_wait3A_392 = tpu.memref_squeeze %dma_wait3A_391 : memref<1x128x64xf32, #tpu.memory_space<hbm>> -> memref<128x64xf32, #tpu.memory_space<hbm>>
    %dma_wait3A_393 = arith.constant 0 : i32
    %dma_wait3A_394 = arith.constant 0 : i32
    %dma_wait3A_395 = tpu.memref_slice %arg10[%dma_wait3A_382, %dma_wait3A_393, %dma_wait3A_394] : memref<4x128x64xf32, #tpu.memory_space<vmem>> -> memref<1x128x64xf32, #tpu.memory_space<vmem>>
    %dma_wait3A_396 = tpu.memref_squeeze %dma_wait3A_395 : memref<1x128x64xf32, #tpu.memory_space<vmem>> -> memref<128x64xf32, #tpu.memory_space<vmem>>
    tpu.wait_dma2 semaphore(%arg20 : memref<!tpu.dma_semaphore, #tpu.memory_space<semaphore_mem>>) src(%dma_wait3A_396 : memref<128x64xf32, #tpu.memory_space<vmem>>) dst(%dma_wait3A_392 : memref<128x64xf32, #tpu.memory_space<hbm>>)
    %add3A_397 = arith.constant 512 : i32
    %add3A_398 = arith.addi %mul3A_0, %add3A_397 : i32
    %dma_wait3A_399 = arith.constant 0 : i32
    %dma_wait3A_400 = arith.constant 0 : i32
    %dma_wait3A_401 = arith.constant 0 : i32
    %dma_wait3A_402 = tpu.memref_slice %arg10[%dma_wait3A_399, %dma_wait3A_400, %dma_wait3A_401] : memref<4x128x64xf32, #tpu.memory_space<vmem>> -> memref<1x128x64xf32, #tpu.memory_space<vmem>>
    %dma_wait3A_403 = tpu.memref_squeeze %dma_wait3A_402 : memref<1x128x64xf32, #tpu.memory_space<vmem>> -> memref<128x64xf32, #tpu.memory_space<vmem>>
    %dma_wait3A_404 = arith.constant 0 : i32
    %dma_wait3A_405 = tpu.memref_slice %arg6[%arg0, %add3A_398, %dma_wait3A_404] : memref<2x10240x64xf32, #tpu.memory_space<hbm>> -> memref<1x128x64xf32, #tpu.memory_space<hbm>>
    %dma_wait3A_406 = tpu.memref_squeeze %dma_wait3A_405 : memref<1x128x64xf32, #tpu.memory_space<hbm>> -> memref<128x64xf32, #tpu.memory_space<hbm>>
    %dma_wait3A_407 = arith.constant 0 : i32
    %dma_wait3A_408 = tpu.memref_slice %arg6[%arg0, %add3A_398, %dma_wait3A_407] : memref<2x10240x64xf32, #tpu.memory_space<hbm>> -> memref<1x128x64xf32, #tpu.memory_space<hbm>>
    %dma_wait3A_409 = tpu.memref_squeeze %dma_wait3A_408 : memref<1x128x64xf32, #tpu.memory_space<hbm>> -> memref<128x64xf32, #tpu.memory_space<hbm>>
    %dma_wait3A_410 = arith.constant 0 : i32
    %dma_wait3A_411 = arith.constant 0 : i32
    %dma_wait3A_412 = tpu.memref_slice %arg10[%dma_wait3A_399, %dma_wait3A_410, %dma_wait3A_411] : memref<4x128x64xf32, #tpu.memory_space<vmem>> -> memref<1x128x64xf32, #tpu.memory_space<vmem>>
    %dma_wait3A_413 = tpu.memref_squeeze %dma_wait3A_412 : memref<1x128x64xf32, #tpu.memory_space<vmem>> -> memref<128x64xf32, #tpu.memory_space<vmem>>
    tpu.wait_dma2 semaphore(%arg17 : memref<!tpu.dma_semaphore, #tpu.memory_space<semaphore_mem>>) src(%dma_wait3A_413 : memref<128x64xf32, #tpu.memory_space<vmem>>) dst(%dma_wait3A_409 : memref<128x64xf32, #tpu.memory_space<hbm>>)
    return
  }
}

#map = affine_map<(d0, d1) -> (0, 0)>
#map1 = affine_map<(d0, d1) -> (0, 0, 0, 0)>
#map2 = affine_map<(d0, d1) -> (0, 0, 0)>
module attributes {stable_mosaic.version = 14 : i64} {
  func.func @sc_pass(%arg0: i32, %arg1: i32, %arg2: memref<20000x64xf32, #tpu.memory_space<hbm>>, %arg3: memref<2x16x80x128xi32, #tpu.memory_space<hbm>>, %arg4: memref<2x16x80x128xi32, #tpu.memory_space<hbm>>, %arg5: memref<128x64xf32, #tpu.memory_space<hbm>>, %arg6: memref<2x10240x64xf32, #tpu.memory_space<hbm>>, %arg7: memref<80x128xi32, #tpu.memory_space<vmem>>, %arg8: memref<80x128xi32, #tpu.memory_space<vmem>>, %arg9: memref<4x128x64xf32, #tpu.memory_space<vmem>>, %arg10: memref<10240xf32, #tpu.memory_space<vmem>>, %arg11: memref<10240x64xf32, #tpu.memory_space<vmem_shared>>, %arg12: memref<!tpu.dma_semaphore, #tpu.memory_space<semaphore_mem>>, %arg13: memref<!tpu.dma_semaphore, #tpu.memory_space<semaphore_mem>>, %arg14: memref<!tpu.dma_semaphore, #tpu.memory_space<semaphore_mem>>, %arg15: memref<!tpu.dma_semaphore, #tpu.memory_space<semaphore_mem>>, %arg16: memref<!tpu.dma_semaphore, #tpu.memory_space<semaphore_mem>>, %arg17: memref<!tpu.dma_semaphore, #tpu.memory_space<semaphore_mem>>, %arg18: memref<!tpu.dma_semaphore, #tpu.memory_space<semaphore_mem>>, %arg19: memref<!tpu.dma_semaphore, #tpu.memory_space<semaphore_mem>>) attributes {dimension_semantics = [#tpu.dimension_semantics<core_parallel>, #tpu.dimension_semantics<subcore_parallel>], iteration_bounds = array<i64: 2, 16>, scalar_prefetch = 0 : i64, scratch_operands = 13 : i64, tpu.core_type = #tpu.core_type<sc_vector_subcore>, window_params = [{transform_indices = #map}, {transform_indices = #map1}, {transform_indices = #map1}, {transform_indices = #map}, {transform_indices = #map2}]} {
    %mul3A = arith.constant 640 : i32
    %mul3A_0 = arith.muli %arg1, %mul3A : i32
    "tpu.region"() ({
      %run_scoped3A_397 = tpu.sem_alloc : memref<!tpu.dma_semaphore, #tpu.memory_space<semaphore_mem>>
      %dma_start3A_398 = arith.constant 0 : i32
      %dma_start3A_399 = arith.constant 0 : i32
      %dma_start3A_400 = tpu.memref_slice %arg3[%arg0, %arg1, %dma_start3A_398, %dma_start3A_399] : memref<2x16x80x128xi32, #tpu.memory_space<hbm>> -> memref<1x1x80x128xi32, #tpu.memory_space<hbm>>
      %dma_start3A_401 = tpu.memref_squeeze %dma_start3A_400 : memref<1x1x80x128xi32, #tpu.memory_space<hbm>> -> memref<80x128xi32, #tpu.memory_space<hbm>>
      %dma_start3A_402 = arith.constant 0 : i32
      %dma_start3A_403 = arith.constant 0 : i32
      %dma_start3A_404 = tpu.memref_slice %arg3[%arg0, %arg1, %dma_start3A_402, %dma_start3A_403] : memref<2x16x80x128xi32, #tpu.memory_space<hbm>> -> memref<1x1x80x128xi32, #tpu.memory_space<hbm>>
      %dma_start3A_405 = tpu.memref_squeeze %dma_start3A_404 : memref<1x1x80x128xi32, #tpu.memory_space<hbm>> -> memref<80x128xi32, #tpu.memory_space<hbm>>
      tpu.enqueue_dma source(%dma_start3A_405 : memref<80x128xi32, #tpu.memory_space<hbm>>) target(%arg7 : memref<80x128xi32, #tpu.memory_space<vmem>>) target_semaphore(%run_scoped3A_397 : memref<!tpu.dma_semaphore, #tpu.memory_space<semaphore_mem>>)
      %dma_wait3A_406 = arith.constant 0 : i32
      %dma_wait3A_407 = arith.constant 0 : i32
      %dma_wait3A_408 = tpu.memref_slice %arg3[%arg0, %arg1, %dma_wait3A_406, %dma_wait3A_407] : memref<2x16x80x128xi32, #tpu.memory_space<hbm>> -> memref<1x1x80x128xi32, #tpu.memory_space<hbm>>
      %dma_wait3A_409 = tpu.memref_squeeze %dma_wait3A_408 : memref<1x1x80x128xi32, #tpu.memory_space<hbm>> -> memref<80x128xi32, #tpu.memory_space<hbm>>
      %dma_wait3A_410 = arith.constant 0 : i32
      %dma_wait3A_411 = arith.constant 0 : i32
      %dma_wait3A_412 = tpu.memref_slice %arg3[%arg0, %arg1, %dma_wait3A_410, %dma_wait3A_411] : memref<2x16x80x128xi32, #tpu.memory_space<hbm>> -> memref<1x1x80x128xi32, #tpu.memory_space<hbm>>
      %dma_wait3A_413 = tpu.memref_squeeze %dma_wait3A_412 : memref<1x1x80x128xi32, #tpu.memory_space<hbm>> -> memref<80x128xi32, #tpu.memory_space<hbm>>
      tpu.wait_dma2 semaphore(%run_scoped3A_397 : memref<!tpu.dma_semaphore, #tpu.memory_space<semaphore_mem>>) src(%dma_wait3A_413 : memref<80x128xi32, #tpu.memory_space<hbm>>) dst(%arg7 : memref<80x128xi32, #tpu.memory_space<vmem>>)
      tpu.yield
    }) : () -> ()
    "tpu.region"() ({
      %run_scoped3A_397 = tpu.sem_alloc : memref<!tpu.dma_semaphore, #tpu.memory_space<semaphore_mem>>
      %dma_start3A_398 = arith.constant 0 : i32
      %dma_start3A_399 = arith.constant 0 : i32
      %dma_start3A_400 = tpu.memref_slice %arg4[%arg0, %arg1, %dma_start3A_398, %dma_start3A_399] : memref<2x16x80x128xi32, #tpu.memory_space<hbm>> -> memref<1x1x80x128xi32, #tpu.memory_space<hbm>>
      %dma_start3A_401 = tpu.memref_squeeze %dma_start3A_400 : memref<1x1x80x128xi32, #tpu.memory_space<hbm>> -> memref<80x128xi32, #tpu.memory_space<hbm>>
      %dma_start3A_402 = arith.constant 0 : i32
      %dma_start3A_403 = arith.constant 0 : i32
      %dma_start3A_404 = tpu.memref_slice %arg4[%arg0, %arg1, %dma_start3A_402, %dma_start3A_403] : memref<2x16x80x128xi32, #tpu.memory_space<hbm>> -> memref<1x1x80x128xi32, #tpu.memory_space<hbm>>
      %dma_start3A_405 = tpu.memref_squeeze %dma_start3A_404 : memref<1x1x80x128xi32, #tpu.memory_space<hbm>> -> memref<80x128xi32, #tpu.memory_space<hbm>>
      tpu.enqueue_dma source(%dma_start3A_405 : memref<80x128xi32, #tpu.memory_space<hbm>>) target(%arg8 : memref<80x128xi32, #tpu.memory_space<vmem>>) target_semaphore(%run_scoped3A_397 : memref<!tpu.dma_semaphore, #tpu.memory_space<semaphore_mem>>)
      %dma_wait3A_406 = arith.constant 0 : i32
      %dma_wait3A_407 = arith.constant 0 : i32
      %dma_wait3A_408 = tpu.memref_slice %arg4[%arg0, %arg1, %dma_wait3A_406, %dma_wait3A_407] : memref<2x16x80x128xi32, #tpu.memory_space<hbm>> -> memref<1x1x80x128xi32, #tpu.memory_space<hbm>>
      %dma_wait3A_409 = tpu.memref_squeeze %dma_wait3A_408 : memref<1x1x80x128xi32, #tpu.memory_space<hbm>> -> memref<80x128xi32, #tpu.memory_space<hbm>>
      %dma_wait3A_410 = arith.constant 0 : i32
      %dma_wait3A_411 = arith.constant 0 : i32
      %dma_wait3A_412 = tpu.memref_slice %arg4[%arg0, %arg1, %dma_wait3A_410, %dma_wait3A_411] : memref<2x16x80x128xi32, #tpu.memory_space<hbm>> -> memref<1x1x80x128xi32, #tpu.memory_space<hbm>>
      %dma_wait3A_413 = tpu.memref_squeeze %dma_wait3A_412 : memref<1x1x80x128xi32, #tpu.memory_space<hbm>> -> memref<80x128xi32, #tpu.memory_space<hbm>>
      tpu.wait_dma2 semaphore(%run_scoped3A_397 : memref<!tpu.dma_semaphore, #tpu.memory_space<semaphore_mem>>) src(%dma_wait3A_413 : memref<80x128xi32, #tpu.memory_space<hbm>>) dst(%arg8 : memref<80x128xi32, #tpu.memory_space<vmem>>)
      tpu.yield
    }) : () -> ()
    %run_scoped3A = arith.constant 0 : i32
    "tpu.region"() ({
      %run_scoped3A_397 = tpu.sem_alloc : memref<!tpu.dma_semaphore, #tpu.memory_space<semaphore_mem>>
      %dma_start3A_398 = arith.constant 0 : i32
      %dma_start3A_399 = arith.constant 0 : i32
      %dma_start3A_400 = tpu.memref_slice %arg9[%run_scoped3A, %dma_start3A_398, %dma_start3A_399] : memref<4x128x64xf32, #tpu.memory_space<vmem>> -> memref<1x128x64xf32, #tpu.memory_space<vmem>>
      %dma_start3A_401 = tpu.memref_squeeze %dma_start3A_400 : memref<1x128x64xf32, #tpu.memory_space<vmem>> -> memref<128x64xf32, #tpu.memory_space<vmem>>
      %dma_start3A_402 = arith.constant 0 : i32
      %dma_start3A_403 = arith.constant 0 : i32
      %dma_start3A_404 = tpu.memref_slice %arg9[%run_scoped3A, %dma_start3A_402, %dma_start3A_403] : memref<4x128x64xf32, #tpu.memory_space<vmem>> -> memref<1x128x64xf32, #tpu.memory_space<vmem>>
      %dma_start3A_405 = tpu.memref_squeeze %dma_start3A_404 : memref<1x128x64xf32, #tpu.memory_space<vmem>> -> memref<128x64xf32, #tpu.memory_space<vmem>>
      tpu.enqueue_dma source(%arg5 : memref<128x64xf32, #tpu.memory_space<hbm>>) target(%dma_start3A_405 : memref<128x64xf32, #tpu.memory_space<vmem>>) target_semaphore(%run_scoped3A_397 : memref<!tpu.dma_semaphore, #tpu.memory_space<semaphore_mem>>)
      %dma_wait3A_406 = arith.constant 0 : i32
      %dma_wait3A_407 = arith.constant 0 : i32
      %dma_wait3A_408 = tpu.memref_slice %arg9[%run_scoped3A, %dma_wait3A_406, %dma_wait3A_407] : memref<4x128x64xf32, #tpu.memory_space<vmem>> -> memref<1x128x64xf32, #tpu.memory_space<vmem>>
      %dma_wait3A_409 = tpu.memref_squeeze %dma_wait3A_408 : memref<1x128x64xf32, #tpu.memory_space<vmem>> -> memref<128x64xf32, #tpu.memory_space<vmem>>
      %dma_wait3A_410 = arith.constant 0 : i32
      %dma_wait3A_411 = arith.constant 0 : i32
      %dma_wait3A_412 = tpu.memref_slice %arg9[%run_scoped3A, %dma_wait3A_410, %dma_wait3A_411] : memref<4x128x64xf32, #tpu.memory_space<vmem>> -> memref<1x128x64xf32, #tpu.memory_space<vmem>>
      %dma_wait3A_413 = tpu.memref_squeeze %dma_wait3A_412 : memref<1x128x64xf32, #tpu.memory_space<vmem>> -> memref<128x64xf32, #tpu.memory_space<vmem>>
      tpu.wait_dma2 semaphore(%run_scoped3A_397 : memref<!tpu.dma_semaphore, #tpu.memory_space<semaphore_mem>>) src(%arg5 : memref<128x64xf32, #tpu.memory_space<hbm>>) dst(%dma_wait3A_413 : memref<128x64xf32, #tpu.memory_space<vmem>>)
      tpu.yield
    }) : () -> ()
    %add3A = arith.constant 0 : i32
    %add3A_1 = arith.addi %mul3A_0, %add3A : i32
    %run_scoped3A_2 = arith.constant 0 : i32
    "tpu.region"() ({
      %run_scoped3A_397 = tpu.sem_alloc : memref<!tpu.dma_semaphore, #tpu.memory_space<semaphore_mem>>
      %dma_start3A_398 = arith.constant 0 : i32
      %dma_start3A_399 = arith.constant 0 : i32
      %dma_start3A_400 = tpu.memref_slice %arg9[%run_scoped3A_2, %dma_start3A_398, %dma_start3A_399] : memref<4x128x64xf32, #tpu.memory_space<vmem>> -> memref<1x128x64xf32, #tpu.memory_space<vmem>>
      %dma_start3A_401 = tpu.memref_squeeze %dma_start3A_400 : memref<1x128x64xf32, #tpu.memory_space<vmem>> -> memref<128x64xf32, #tpu.memory_space<vmem>>
      %dma_start3A_402 = arith.constant 0 : i32
      %dma_start3A_403 = tpu.memref_slice %arg11[%add3A_1, %dma_start3A_402] : memref<10240x64xf32, #tpu.memory_space<vmem_shared>> -> memref<128x64xf32, #tpu.memory_space<vmem_shared>>
      %dma_start3A_404 = arith.constant 0 : i32
      %dma_start3A_405 = tpu.memref_slice %arg11[%add3A_1, %dma_start3A_404] : memref<10240x64xf32, #tpu.memory_space<vmem_shared>> -> memref<128x64xf32, #tpu.memory_space<vmem_shared>>
      %dma_start3A_406 = arith.constant 0 : i32
      %dma_start3A_407 = arith.constant 0 : i32
      %dma_start3A_408 = tpu.memref_slice %arg9[%run_scoped3A_2, %dma_start3A_406, %dma_start3A_407] : memref<4x128x64xf32, #tpu.memory_space<vmem>> -> memref<1x128x64xf32, #tpu.memory_space<vmem>>
      %dma_start3A_409 = tpu.memref_squeeze %dma_start3A_408 : memref<1x128x64xf32, #tpu.memory_space<vmem>> -> memref<128x64xf32, #tpu.memory_space<vmem>>
      tpu.enqueue_dma source(%dma_start3A_409 : memref<128x64xf32, #tpu.memory_space<vmem>>) target(%dma_start3A_405 : memref<128x64xf32, #tpu.memory_space<vmem_shared>>) target_semaphore(%run_scoped3A_397 : memref<!tpu.dma_semaphore, #tpu.memory_space<semaphore_mem>>)
      %dma_wait3A_410 = arith.constant 0 : i32
      %dma_wait3A_411 = arith.constant 0 : i32
      %dma_wait3A_412 = tpu.memref_slice %arg9[%run_scoped3A_2, %dma_wait3A_410, %dma_wait3A_411] : memref<4x128x64xf32, #tpu.memory_space<vmem>> -> memref<1x128x64xf32, #tpu.memory_space<vmem>>
      %dma_wait3A_413 = tpu.memref_squeeze %dma_wait3A_412 : memref<1x128x64xf32, #tpu.memory_space<vmem>> -> memref<128x64xf32, #tpu.memory_space<vmem>>
      %dma_wait3A_414 = arith.constant 0 : i32
      %dma_wait3A_415 = tpu.memref_slice %arg11[%add3A_1, %dma_wait3A_414] : memref<10240x64xf32, #tpu.memory_space<vmem_shared>> -> memref<128x64xf32, #tpu.memory_space<vmem_shared>>
      %dma_wait3A_416 = arith.constant 0 : i32
      %dma_wait3A_417 = tpu.memref_slice %arg11[%add3A_1, %dma_wait3A_416] : memref<10240x64xf32, #tpu.memory_space<vmem_shared>> -> memref<128x64xf32, #tpu.memory_space<vmem_shared>>
      %dma_wait3A_418 = arith.constant 0 : i32
      %dma_wait3A_419 = arith.constant 0 : i32
      %dma_wait3A_420 = tpu.memref_slice %arg9[%run_scoped3A_2, %dma_wait3A_418, %dma_wait3A_419] : memref<4x128x64xf32, #tpu.memory_space<vmem>> -> memref<1x128x64xf32, #tpu.memory_space<vmem>>
      %dma_wait3A_421 = tpu.memref_squeeze %dma_wait3A_420 : memref<1x128x64xf32, #tpu.memory_space<vmem>> -> memref<128x64xf32, #tpu.memory_space<vmem>>
      tpu.wait_dma2 semaphore(%run_scoped3A_397 : memref<!tpu.dma_semaphore, #tpu.memory_space<semaphore_mem>>) src(%dma_wait3A_421 : memref<128x64xf32, #tpu.memory_space<vmem>>) dst(%dma_wait3A_417 : memref<128x64xf32, #tpu.memory_space<vmem_shared>>)
      tpu.yield
    }) : () -> ()
    %add3A_3 = arith.constant 128 : i32
    %add3A_4 = arith.addi %mul3A_0, %add3A_3 : i32
    %run_scoped3A_5 = arith.constant 0 : i32
    "tpu.region"() ({
      %run_scoped3A_397 = tpu.sem_alloc : memref<!tpu.dma_semaphore, #tpu.memory_space<semaphore_mem>>
      %dma_start3A_398 = arith.constant 0 : i32
      %dma_start3A_399 = arith.constant 0 : i32
      %dma_start3A_400 = tpu.memref_slice %arg9[%run_scoped3A_5, %dma_start3A_398, %dma_start3A_399] : memref<4x128x64xf32, #tpu.memory_space<vmem>> -> memref<1x128x64xf32, #tpu.memory_space<vmem>>
      %dma_start3A_401 = tpu.memref_squeeze %dma_start3A_400 : memref<1x128x64xf32, #tpu.memory_space<vmem>> -> memref<128x64xf32, #tpu.memory_space<vmem>>
      %dma_start3A_402 = arith.constant 0 : i32
      %dma_start3A_403 = tpu.memref_slice %arg11[%add3A_4, %dma_start3A_402] : memref<10240x64xf32, #tpu.memory_space<vmem_shared>> -> memref<128x64xf32, #tpu.memory_space<vmem_shared>>
      %dma_start3A_404 = arith.constant 0 : i32
      %dma_start3A_405 = tpu.memref_slice %arg11[%add3A_4, %dma_start3A_404] : memref<10240x64xf32, #tpu.memory_space<vmem_shared>> -> memref<128x64xf32, #tpu.memory_space<vmem_shared>>
      %dma_start3A_406 = arith.constant 0 : i32
      %dma_start3A_407 = arith.constant 0 : i32
      %dma_start3A_408 = tpu.memref_slice %arg9[%run_scoped3A_5, %dma_start3A_406, %dma_start3A_407] : memref<4x128x64xf32, #tpu.memory_space<vmem>> -> memref<1x128x64xf32, #tpu.memory_space<vmem>>
      %dma_start3A_409 = tpu.memref_squeeze %dma_start3A_408 : memref<1x128x64xf32, #tpu.memory_space<vmem>> -> memref<128x64xf32, #tpu.memory_space<vmem>>
      tpu.enqueue_dma source(%dma_start3A_409 : memref<128x64xf32, #tpu.memory_space<vmem>>) target(%dma_start3A_405 : memref<128x64xf32, #tpu.memory_space<vmem_shared>>) target_semaphore(%run_scoped3A_397 : memref<!tpu.dma_semaphore, #tpu.memory_space<semaphore_mem>>)
      %dma_wait3A_410 = arith.constant 0 : i32
      %dma_wait3A_411 = arith.constant 0 : i32
      %dma_wait3A_412 = tpu.memref_slice %arg9[%run_scoped3A_5, %dma_wait3A_410, %dma_wait3A_411] : memref<4x128x64xf32, #tpu.memory_space<vmem>> -> memref<1x128x64xf32, #tpu.memory_space<vmem>>
      %dma_wait3A_413 = tpu.memref_squeeze %dma_wait3A_412 : memref<1x128x64xf32, #tpu.memory_space<vmem>> -> memref<128x64xf32, #tpu.memory_space<vmem>>
      %dma_wait3A_414 = arith.constant 0 : i32
      %dma_wait3A_415 = tpu.memref_slice %arg11[%add3A_4, %dma_wait3A_414] : memref<10240x64xf32, #tpu.memory_space<vmem_shared>> -> memref<128x64xf32, #tpu.memory_space<vmem_shared>>
      %dma_wait3A_416 = arith.constant 0 : i32
      %dma_wait3A_417 = tpu.memref_slice %arg11[%add3A_4, %dma_wait3A_416] : memref<10240x64xf32, #tpu.memory_space<vmem_shared>> -> memref<128x64xf32, #tpu.memory_space<vmem_shared>>
      %dma_wait3A_418 = arith.constant 0 : i32
      %dma_wait3A_419 = arith.constant 0 : i32
      %dma_wait3A_420 = tpu.memref_slice %arg9[%run_scoped3A_5, %dma_wait3A_418, %dma_wait3A_419] : memref<4x128x64xf32, #tpu.memory_space<vmem>> -> memref<1x128x64xf32, #tpu.memory_space<vmem>>
      %dma_wait3A_421 = tpu.memref_squeeze %dma_wait3A_420 : memref<1x128x64xf32, #tpu.memory_space<vmem>> -> memref<128x64xf32, #tpu.memory_space<vmem>>
      tpu.wait_dma2 semaphore(%run_scoped3A_397 : memref<!tpu.dma_semaphore, #tpu.memory_space<semaphore_mem>>) src(%dma_wait3A_421 : memref<128x64xf32, #tpu.memory_space<vmem>>) dst(%dma_wait3A_417 : memref<128x64xf32, #tpu.memory_space<vmem_shared>>)
      tpu.yield
    }) : () -> ()
    %add3A_6 = arith.constant 256 : i32
    %add3A_7 = arith.addi %mul3A_0, %add3A_6 : i32
    %run_scoped3A_8 = arith.constant 0 : i32
    "tpu.region"() ({
      %run_scoped3A_397 = tpu.sem_alloc : memref<!tpu.dma_semaphore, #tpu.memory_space<semaphore_mem>>
      %dma_start3A_398 = arith.constant 0 : i32
      %dma_start3A_399 = arith.constant 0 : i32
      %dma_start3A_400 = tpu.memref_slice %arg9[%run_scoped3A_8, %dma_start3A_398, %dma_start3A_399] : memref<4x128x64xf32, #tpu.memory_space<vmem>> -> memref<1x128x64xf32, #tpu.memory_space<vmem>>
      %dma_start3A_401 = tpu.memref_squeeze %dma_start3A_400 : memref<1x128x64xf32, #tpu.memory_space<vmem>> -> memref<128x64xf32, #tpu.memory_space<vmem>>
      %dma_start3A_402 = arith.constant 0 : i32
      %dma_start3A_403 = tpu.memref_slice %arg11[%add3A_7, %dma_start3A_402] : memref<10240x64xf32, #tpu.memory_space<vmem_shared>> -> memref<128x64xf32, #tpu.memory_space<vmem_shared>>
      %dma_start3A_404 = arith.constant 0 : i32
      %dma_start3A_405 = tpu.memref_slice %arg11[%add3A_7, %dma_start3A_404] : memref<10240x64xf32, #tpu.memory_space<vmem_shared>> -> memref<128x64xf32, #tpu.memory_space<vmem_shared>>
      %dma_start3A_406 = arith.constant 0 : i32
      %dma_start3A_407 = arith.constant 0 : i32
      %dma_start3A_408 = tpu.memref_slice %arg9[%run_scoped3A_8, %dma_start3A_406, %dma_start3A_407] : memref<4x128x64xf32, #tpu.memory_space<vmem>> -> memref<1x128x64xf32, #tpu.memory_space<vmem>>
      %dma_start3A_409 = tpu.memref_squeeze %dma_start3A_408 : memref<1x128x64xf32, #tpu.memory_space<vmem>> -> memref<128x64xf32, #tpu.memory_space<vmem>>
      tpu.enqueue_dma source(%dma_start3A_409 : memref<128x64xf32, #tpu.memory_space<vmem>>) target(%dma_start3A_405 : memref<128x64xf32, #tpu.memory_space<vmem_shared>>) target_semaphore(%run_scoped3A_397 : memref<!tpu.dma_semaphore, #tpu.memory_space<semaphore_mem>>)
      %dma_wait3A_410 = arith.constant 0 : i32
      %dma_wait3A_411 = arith.constant 0 : i32
      %dma_wait3A_412 = tpu.memref_slice %arg9[%run_scoped3A_8, %dma_wait3A_410, %dma_wait3A_411] : memref<4x128x64xf32, #tpu.memory_space<vmem>> -> memref<1x128x64xf32, #tpu.memory_space<vmem>>
      %dma_wait3A_413 = tpu.memref_squeeze %dma_wait3A_412 : memref<1x128x64xf32, #tpu.memory_space<vmem>> -> memref<128x64xf32, #tpu.memory_space<vmem>>
      %dma_wait3A_414 = arith.constant 0 : i32
      %dma_wait3A_415 = tpu.memref_slice %arg11[%add3A_7, %dma_wait3A_414] : memref<10240x64xf32, #tpu.memory_space<vmem_shared>> -> memref<128x64xf32, #tpu.memory_space<vmem_shared>>
      %dma_wait3A_416 = arith.constant 0 : i32
      %dma_wait3A_417 = tpu.memref_slice %arg11[%add3A_7, %dma_wait3A_416] : memref<10240x64xf32, #tpu.memory_space<vmem_shared>> -> memref<128x64xf32, #tpu.memory_space<vmem_shared>>
      %dma_wait3A_418 = arith.constant 0 : i32
      %dma_wait3A_419 = arith.constant 0 : i32
      %dma_wait3A_420 = tpu.memref_slice %arg9[%run_scoped3A_8, %dma_wait3A_418, %dma_wait3A_419] : memref<4x128x64xf32, #tpu.memory_space<vmem>> -> memref<1x128x64xf32, #tpu.memory_space<vmem>>
      %dma_wait3A_421 = tpu.memref_squeeze %dma_wait3A_420 : memref<1x128x64xf32, #tpu.memory_space<vmem>> -> memref<128x64xf32, #tpu.memory_space<vmem>>
      tpu.wait_dma2 semaphore(%run_scoped3A_397 : memref<!tpu.dma_semaphore, #tpu.memory_space<semaphore_mem>>) src(%dma_wait3A_421 : memref<128x64xf32, #tpu.memory_space<vmem>>) dst(%dma_wait3A_417 : memref<128x64xf32, #tpu.memory_space<vmem_shared>>)
      tpu.yield
    }) : () -> ()
    %add3A_9 = arith.constant 384 : i32
    %add3A_10 = arith.addi %mul3A_0, %add3A_9 : i32
    %run_scoped3A_11 = arith.constant 0 : i32
    "tpu.region"() ({
      %run_scoped3A_397 = tpu.sem_alloc : memref<!tpu.dma_semaphore, #tpu.memory_space<semaphore_mem>>
      %dma_start3A_398 = arith.constant 0 : i32
      %dma_start3A_399 = arith.constant 0 : i32
      %dma_start3A_400 = tpu.memref_slice %arg9[%run_scoped3A_11, %dma_start3A_398, %dma_start3A_399] : memref<4x128x64xf32, #tpu.memory_space<vmem>> -> memref<1x128x64xf32, #tpu.memory_space<vmem>>
      %dma_start3A_401 = tpu.memref_squeeze %dma_start3A_400 : memref<1x128x64xf32, #tpu.memory_space<vmem>> -> memref<128x64xf32, #tpu.memory_space<vmem>>
      %dma_start3A_402 = arith.constant 0 : i32
      %dma_start3A_403 = tpu.memref_slice %arg11[%add3A_10, %dma_start3A_402] : memref<10240x64xf32, #tpu.memory_space<vmem_shared>> -> memref<128x64xf32, #tpu.memory_space<vmem_shared>>
      %dma_start3A_404 = arith.constant 0 : i32
      %dma_start3A_405 = tpu.memref_slice %arg11[%add3A_10, %dma_start3A_404] : memref<10240x64xf32, #tpu.memory_space<vmem_shared>> -> memref<128x64xf32, #tpu.memory_space<vmem_shared>>
      %dma_start3A_406 = arith.constant 0 : i32
      %dma_start3A_407 = arith.constant 0 : i32
      %dma_start3A_408 = tpu.memref_slice %arg9[%run_scoped3A_11, %dma_start3A_406, %dma_start3A_407] : memref<4x128x64xf32, #tpu.memory_space<vmem>> -> memref<1x128x64xf32, #tpu.memory_space<vmem>>
      %dma_start3A_409 = tpu.memref_squeeze %dma_start3A_408 : memref<1x128x64xf32, #tpu.memory_space<vmem>> -> memref<128x64xf32, #tpu.memory_space<vmem>>
      tpu.enqueue_dma source(%dma_start3A_409 : memref<128x64xf32, #tpu.memory_space<vmem>>) target(%dma_start3A_405 : memref<128x64xf32, #tpu.memory_space<vmem_shared>>) target_semaphore(%run_scoped3A_397 : memref<!tpu.dma_semaphore, #tpu.memory_space<semaphore_mem>>)
      %dma_wait3A_410 = arith.constant 0 : i32
      %dma_wait3A_411 = arith.constant 0 : i32
      %dma_wait3A_412 = tpu.memref_slice %arg9[%run_scoped3A_11, %dma_wait3A_410, %dma_wait3A_411] : memref<4x128x64xf32, #tpu.memory_space<vmem>> -> memref<1x128x64xf32, #tpu.memory_space<vmem>>
      %dma_wait3A_413 = tpu.memref_squeeze %dma_wait3A_412 : memref<1x128x64xf32, #tpu.memory_space<vmem>> -> memref<128x64xf32, #tpu.memory_space<vmem>>
      %dma_wait3A_414 = arith.constant 0 : i32
      %dma_wait3A_415 = tpu.memref_slice %arg11[%add3A_10, %dma_wait3A_414] : memref<10240x64xf32, #tpu.memory_space<vmem_shared>> -> memref<128x64xf32, #tpu.memory_space<vmem_shared>>
      %dma_wait3A_416 = arith.constant 0 : i32
      %dma_wait3A_417 = tpu.memref_slice %arg11[%add3A_10, %dma_wait3A_416] : memref<10240x64xf32, #tpu.memory_space<vmem_shared>> -> memref<128x64xf32, #tpu.memory_space<vmem_shared>>
      %dma_wait3A_418 = arith.constant 0 : i32
      %dma_wait3A_419 = arith.constant 0 : i32
      %dma_wait3A_420 = tpu.memref_slice %arg9[%run_scoped3A_11, %dma_wait3A_418, %dma_wait3A_419] : memref<4x128x64xf32, #tpu.memory_space<vmem>> -> memref<1x128x64xf32, #tpu.memory_space<vmem>>
      %dma_wait3A_421 = tpu.memref_squeeze %dma_wait3A_420 : memref<1x128x64xf32, #tpu.memory_space<vmem>> -> memref<128x64xf32, #tpu.memory_space<vmem>>
      tpu.wait_dma2 semaphore(%run_scoped3A_397 : memref<!tpu.dma_semaphore, #tpu.memory_space<semaphore_mem>>) src(%dma_wait3A_421 : memref<128x64xf32, #tpu.memory_space<vmem>>) dst(%dma_wait3A_417 : memref<128x64xf32, #tpu.memory_space<vmem_shared>>)
      tpu.yield
    }) : () -> ()
    %add3A_12 = arith.constant 512 : i32
    %add3A_13 = arith.addi %mul3A_0, %add3A_12 : i32
    %run_scoped3A_14 = arith.constant 0 : i32
    "tpu.region"() ({
      %run_scoped3A_397 = tpu.sem_alloc : memref<!tpu.dma_semaphore, #tpu.memory_space<semaphore_mem>>
      %dma_start3A_398 = arith.constant 0 : i32
      %dma_start3A_399 = arith.constant 0 : i32
      %dma_start3A_400 = tpu.memref_slice %arg9[%run_scoped3A_14, %dma_start3A_398, %dma_start3A_399] : memref<4x128x64xf32, #tpu.memory_space<vmem>> -> memref<1x128x64xf32, #tpu.memory_space<vmem>>
      %dma_start3A_401 = tpu.memref_squeeze %dma_start3A_400 : memref<1x128x64xf32, #tpu.memory_space<vmem>> -> memref<128x64xf32, #tpu.memory_space<vmem>>
      %dma_start3A_402 = arith.constant 0 : i32
      %dma_start3A_403 = tpu.memref_slice %arg11[%add3A_13, %dma_start3A_402] : memref<10240x64xf32, #tpu.memory_space<vmem_shared>> -> memref<128x64xf32, #tpu.memory_space<vmem_shared>>
      %dma_start3A_404 = arith.constant 0 : i32
      %dma_start3A_405 = tpu.memref_slice %arg11[%add3A_13, %dma_start3A_404] : memref<10240x64xf32, #tpu.memory_space<vmem_shared>> -> memref<128x64xf32, #tpu.memory_space<vmem_shared>>
      %dma_start3A_406 = arith.constant 0 : i32
      %dma_start3A_407 = arith.constant 0 : i32
      %dma_start3A_408 = tpu.memref_slice %arg9[%run_scoped3A_14, %dma_start3A_406, %dma_start3A_407] : memref<4x128x64xf32, #tpu.memory_space<vmem>> -> memref<1x128x64xf32, #tpu.memory_space<vmem>>
      %dma_start3A_409 = tpu.memref_squeeze %dma_start3A_408 : memref<1x128x64xf32, #tpu.memory_space<vmem>> -> memref<128x64xf32, #tpu.memory_space<vmem>>
      tpu.enqueue_dma source(%dma_start3A_409 : memref<128x64xf32, #tpu.memory_space<vmem>>) target(%dma_start3A_405 : memref<128x64xf32, #tpu.memory_space<vmem_shared>>) target_semaphore(%run_scoped3A_397 : memref<!tpu.dma_semaphore, #tpu.memory_space<semaphore_mem>>)
      %dma_wait3A_410 = arith.constant 0 : i32
      %dma_wait3A_411 = arith.constant 0 : i32
      %dma_wait3A_412 = tpu.memref_slice %arg9[%run_scoped3A_14, %dma_wait3A_410, %dma_wait3A_411] : memref<4x128x64xf32, #tpu.memory_space<vmem>> -> memref<1x128x64xf32, #tpu.memory_space<vmem>>
      %dma_wait3A_413 = tpu.memref_squeeze %dma_wait3A_412 : memref<1x128x64xf32, #tpu.memory_space<vmem>> -> memref<128x64xf32, #tpu.memory_space<vmem>>
      %dma_wait3A_414 = arith.constant 0 : i32
      %dma_wait3A_415 = tpu.memref_slice %arg11[%add3A_13, %dma_wait3A_414] : memref<10240x64xf32, #tpu.memory_space<vmem_shared>> -> memref<128x64xf32, #tpu.memory_space<vmem_shared>>
      %dma_wait3A_416 = arith.constant 0 : i32
      %dma_wait3A_417 = tpu.memref_slice %arg11[%add3A_13, %dma_wait3A_416] : memref<10240x64xf32, #tpu.memory_space<vmem_shared>> -> memref<128x64xf32, #tpu.memory_space<vmem_shared>>
      %dma_wait3A_418 = arith.constant 0 : i32
      %dma_wait3A_419 = arith.constant 0 : i32
      %dma_wait3A_420 = tpu.memref_slice %arg9[%run_scoped3A_14, %dma_wait3A_418, %dma_wait3A_419] : memref<4x128x64xf32, #tpu.memory_space<vmem>> -> memref<1x128x64xf32, #tpu.memory_space<vmem>>
      %dma_wait3A_421 = tpu.memref_squeeze %dma_wait3A_420 : memref<1x128x64xf32, #tpu.memory_space<vmem>> -> memref<128x64xf32, #tpu.memory_space<vmem>>
      tpu.wait_dma2 semaphore(%run_scoped3A_397 : memref<!tpu.dma_semaphore, #tpu.memory_space<semaphore_mem>>) src(%dma_wait3A_421 : memref<128x64xf32, #tpu.memory_space<vmem>>) dst(%dma_wait3A_417 : memref<128x64xf32, #tpu.memory_space<vmem_shared>>)
      tpu.yield
    }) : () -> ()
    %barrier3A = arith.constant 0 : index
    tpu.barrier barrier_id(%barrier3A)
    %dma_start3A = arith.constant 0 : i32
    %dma_start3A_15 = arith.constant 0 : i32
    %dma_start3A_16 = arith.constant 0 : i32
    %dma_start3A_17 = arith.constant 0 : i32
    %dma_start3A_18 = tpu.memref_slice %arg9[%dma_start3A_15, %dma_start3A_16, %dma_start3A_17] : memref<4x128x64xf32, #tpu.memory_space<vmem>> -> memref<1x128x64xf32, #tpu.memory_space<vmem>>
    %dma_start3A_19 = tpu.memref_squeeze %dma_start3A_18 : memref<1x128x64xf32, #tpu.memory_space<vmem>> -> memref<128x64xf32, #tpu.memory_space<vmem>>
    %dma_start3A_20 = arith.constant 0 : i32
    %dma_start3A_21 = tpu.memref_slice %arg7[%dma_start3A, %dma_start3A_20] : memref<80x128xi32, #tpu.memory_space<vmem>> -> memref<1x128xi32, #tpu.memory_space<vmem>>
    %dma_start3A_22 = tpu.memref_squeeze %dma_start3A_21 : memref<1x128xi32, #tpu.memory_space<vmem>> -> memref<128xi32, #tpu.memory_space<vmem>>
    %dma_start3A_23 = arith.constant 0 : i32
    %dma_start3A_24 = arith.constant 0 : i32
    %dma_start3A_25 = tpu.memref_slice %arg2[%dma_start3A_23, %dma_start3A_24] : memref<20000x64xf32, #tpu.memory_space<hbm>> -> memref<20000x64xf32, #tpu.memory_space<hbm>>
    tpu.enqueue_indirect_dma source(%dma_start3A_25 : memref<20000x64xf32, #tpu.memory_space<hbm>>) target(%dma_start3A_19 : memref<128x64xf32, #tpu.memory_space<vmem>>) offsets(%dma_start3A_22 : memref<128xi32, #tpu.memory_space<vmem>>) semaphore(%arg12 : memref<!tpu.dma_semaphore, #tpu.memory_space<semaphore_mem>>)
    %dma_start3A_26 = arith.constant 1 : i32
    %dma_start3A_27 = arith.constant 1 : i32
    %dma_start3A_28 = arith.constant 0 : i32
    %dma_start3A_29 = arith.constant 0 : i32
    %dma_start3A_30 = tpu.memref_slice %arg9[%dma_start3A_27, %dma_start3A_28, %dma_start3A_29] : memref<4x128x64xf32, #tpu.memory_space<vmem>> -> memref<1x128x64xf32, #tpu.memory_space<vmem>>
    %dma_start3A_31 = tpu.memref_squeeze %dma_start3A_30 : memref<1x128x64xf32, #tpu.memory_space<vmem>> -> memref<128x64xf32, #tpu.memory_space<vmem>>
    %dma_start3A_32 = arith.constant 0 : i32
    %dma_start3A_33 = tpu.memref_slice %arg7[%dma_start3A_26, %dma_start3A_32] : memref<80x128xi32, #tpu.memory_space<vmem>> -> memref<1x128xi32, #tpu.memory_space<vmem>>
    %dma_start3A_34 = tpu.memref_squeeze %dma_start3A_33 : memref<1x128xi32, #tpu.memory_space<vmem>> -> memref<128xi32, #tpu.memory_space<vmem>>
    %dma_start3A_35 = arith.constant 0 : i32
    %dma_start3A_36 = arith.constant 0 : i32
    %dma_start3A_37 = tpu.memref_slice %arg2[%dma_start3A_35, %dma_start3A_36] : memref<20000x64xf32, #tpu.memory_space<hbm>> -> memref<20000x64xf32, #tpu.memory_space<hbm>>
    tpu.enqueue_indirect_dma source(%dma_start3A_37 : memref<20000x64xf32, #tpu.memory_space<hbm>>) target(%dma_start3A_31 : memref<128x64xf32, #tpu.memory_space<vmem>>) offsets(%dma_start3A_34 : memref<128xi32, #tpu.memory_space<vmem>>) semaphore(%arg13 : memref<!tpu.dma_semaphore, #tpu.memory_space<semaphore_mem>>)
    %dma_start3A_38 = arith.constant 2 : i32
    %dma_start3A_39 = arith.constant 2 : i32
    %dma_start3A_40 = arith.constant 0 : i32
    %dma_start3A_41 = arith.constant 0 : i32
    %dma_start3A_42 = tpu.memref_slice %arg9[%dma_start3A_39, %dma_start3A_40, %dma_start3A_41] : memref<4x128x64xf32, #tpu.memory_space<vmem>> -> memref<1x128x64xf32, #tpu.memory_space<vmem>>
    %dma_start3A_43 = tpu.memref_squeeze %dma_start3A_42 : memref<1x128x64xf32, #tpu.memory_space<vmem>> -> memref<128x64xf32, #tpu.memory_space<vmem>>
    %dma_start3A_44 = arith.constant 0 : i32
    %dma_start3A_45 = tpu.memref_slice %arg7[%dma_start3A_38, %dma_start3A_44] : memref<80x128xi32, #tpu.memory_space<vmem>> -> memref<1x128xi32, #tpu.memory_space<vmem>>
    %dma_start3A_46 = tpu.memref_squeeze %dma_start3A_45 : memref<1x128xi32, #tpu.memory_space<vmem>> -> memref<128xi32, #tpu.memory_space<vmem>>
    %dma_start3A_47 = arith.constant 0 : i32
    %dma_start3A_48 = arith.constant 0 : i32
    %dma_start3A_49 = tpu.memref_slice %arg2[%dma_start3A_47, %dma_start3A_48] : memref<20000x64xf32, #tpu.memory_space<hbm>> -> memref<20000x64xf32, #tpu.memory_space<hbm>>
    tpu.enqueue_indirect_dma source(%dma_start3A_49 : memref<20000x64xf32, #tpu.memory_space<hbm>>) target(%dma_start3A_43 : memref<128x64xf32, #tpu.memory_space<vmem>>) offsets(%dma_start3A_46 : memref<128xi32, #tpu.memory_space<vmem>>) semaphore(%arg14 : memref<!tpu.dma_semaphore, #tpu.memory_space<semaphore_mem>>)
    %dma_start3A_50 = arith.constant 3 : i32
    %dma_start3A_51 = arith.constant 3 : i32
    %dma_start3A_52 = arith.constant 0 : i32
    %dma_start3A_53 = arith.constant 0 : i32
    %dma_start3A_54 = tpu.memref_slice %arg9[%dma_start3A_51, %dma_start3A_52, %dma_start3A_53] : memref<4x128x64xf32, #tpu.memory_space<vmem>> -> memref<1x128x64xf32, #tpu.memory_space<vmem>>
    %dma_start3A_55 = tpu.memref_squeeze %dma_start3A_54 : memref<1x128x64xf32, #tpu.memory_space<vmem>> -> memref<128x64xf32, #tpu.memory_space<vmem>>
    %dma_start3A_56 = arith.constant 0 : i32
    %dma_start3A_57 = tpu.memref_slice %arg7[%dma_start3A_50, %dma_start3A_56] : memref<80x128xi32, #tpu.memory_space<vmem>> -> memref<1x128xi32, #tpu.memory_space<vmem>>
    %dma_start3A_58 = tpu.memref_squeeze %dma_start3A_57 : memref<1x128xi32, #tpu.memory_space<vmem>> -> memref<128xi32, #tpu.memory_space<vmem>>
    %dma_start3A_59 = arith.constant 0 : i32
    %dma_start3A_60 = arith.constant 0 : i32
    %dma_start3A_61 = tpu.memref_slice %arg2[%dma_start3A_59, %dma_start3A_60] : memref<20000x64xf32, #tpu.memory_space<hbm>> -> memref<20000x64xf32, #tpu.memory_space<hbm>>
    tpu.enqueue_indirect_dma source(%dma_start3A_61 : memref<20000x64xf32, #tpu.memory_space<hbm>>) target(%dma_start3A_55 : memref<128x64xf32, #tpu.memory_space<vmem>>) offsets(%dma_start3A_58 : memref<128xi32, #tpu.memory_space<vmem>>) semaphore(%arg15 : memref<!tpu.dma_semaphore, #tpu.memory_space<semaphore_mem>>)
    %scan3A = arith.constant 0 : i32
    %scan3A_62 = arith.constant 0 : i32
    %scan3A_63 = arith.constant 19 : i32
    %scan3A_64 = arith.addi %scan3A_62, %scan3A_63 : i32
    %scan3A_65 = arith.constant 1 : i32
    %scan3A_66 = scf.for %scan3A_397 = %scan3A_62 to %scan3A_64 step %scan3A_65 iter_args(%scan3A_398 = %scan3A) -> (i32)  : i32 {
      %mul3A_399 = arith.constant 4 : i32
      %mul3A_400 = arith.muli %scan3A_397, %mul3A_399 : i32
      %add3A_401 = arith.constant 0 : i32
      %add3A_402 = arith.addi %mul3A_400, %add3A_401 : i32
      %dma_wait3A_403 = arith.constant 0 : i32
      %dma_wait3A_404 = arith.constant 0 : i32
      %dma_wait3A_405 = arith.constant 0 : i32
      %dma_wait3A_406 = tpu.memref_slice %arg9[%dma_wait3A_403, %dma_wait3A_404, %dma_wait3A_405] : memref<4x128x64xf32, #tpu.memory_space<vmem>> -> memref<1x128x64xf32, #tpu.memory_space<vmem>>
      %dma_wait3A_407 = tpu.memref_squeeze %dma_wait3A_406 : memref<1x128x64xf32, #tpu.memory_space<vmem>> -> memref<128x64xf32, #tpu.memory_space<vmem>>
      %dma_wait3A_408 = arith.constant 0 : i32
      %dma_wait3A_409 = tpu.memref_slice %arg7[%add3A_402, %dma_wait3A_408] : memref<80x128xi32, #tpu.memory_space<vmem>> -> memref<1x128xi32, #tpu.memory_space<vmem>>
      %dma_wait3A_410 = tpu.memref_squeeze %dma_wait3A_409 : memref<1x128xi32, #tpu.memory_space<vmem>> -> memref<128xi32, #tpu.memory_space<vmem>>
      %dma_wait3A_411 = arith.constant 0 : i32
      %dma_wait3A_412 = arith.constant 0 : i32
      %dma_wait3A_413 = tpu.memref_slice %arg2[%dma_wait3A_411, %dma_wait3A_412] : memref<20000x64xf32, #tpu.memory_space<hbm>> -> memref<20000x64xf32, #tpu.memory_space<hbm>>
      tpu.wait_indirect_dma semaphore(%arg12 : memref<!tpu.dma_semaphore, #tpu.memory_space<semaphore_mem>>) src(%dma_wait3A_413 : memref<20000x64xf32, #tpu.memory_space<hbm>>) dst(%dma_wait3A_407 : memref<128x64xf32, #tpu.memory_space<vmem>>)
      %add3A_414 = arith.constant 0 : i32
      %add3A_415 = arith.addi %mul3A_400, %add3A_414 : i32
      %dma_start3A_416 = arith.constant 0 : i32
      %dma_start3A_417 = arith.constant 0 : i32
      %dma_start3A_418 = arith.constant 0 : i32
      %dma_start3A_419 = tpu.memref_slice %arg9[%dma_start3A_416, %dma_start3A_417, %dma_start3A_418] : memref<4x128x64xf32, #tpu.memory_space<vmem>> -> memref<1x128x64xf32, #tpu.memory_space<vmem>>
      %dma_start3A_420 = tpu.memref_squeeze %dma_start3A_419 : memref<1x128x64xf32, #tpu.memory_space<vmem>> -> memref<128x64xf32, #tpu.memory_space<vmem>>
      %dma_start3A_421 = arith.constant 0 : i32
      %dma_start3A_422 = tpu.memref_slice %arg8[%add3A_415, %dma_start3A_421] : memref<80x128xi32, #tpu.memory_space<vmem>> -> memref<1x128xi32, #tpu.memory_space<vmem>>
      %dma_start3A_423 = tpu.memref_squeeze %dma_start3A_422 : memref<1x128xi32, #tpu.memory_space<vmem>> -> memref<128xi32, #tpu.memory_space<vmem>>
      %dma_start3A_424 = arith.constant 0 : i32
      %dma_start3A_425 = arith.constant 0 : i32
      %dma_start3A_426 = tpu.memref_slice %arg11[%dma_start3A_424, %dma_start3A_425] : memref<10240x64xf32, #tpu.memory_space<vmem_shared>> -> memref<10240x64xf32, #tpu.memory_space<vmem_shared>>
      tpu.enqueue_indirect_dma source(%dma_start3A_420 : memref<128x64xf32, #tpu.memory_space<vmem>>) target(%dma_start3A_426 : memref<10240x64xf32, #tpu.memory_space<vmem_shared>>) offsets(%dma_start3A_423 : memref<128xi32, #tpu.memory_space<vmem>>) semaphore(%arg16 : memref<!tpu.dma_semaphore, #tpu.memory_space<semaphore_mem>>) {add = true}
      %add3A_427 = arith.constant 1 : i32
      %add3A_428 = arith.addi %mul3A_400, %add3A_427 : i32
      %dma_wait3A_429 = arith.constant 1 : i32
      %dma_wait3A_430 = arith.constant 0 : i32
      %dma_wait3A_431 = arith.constant 0 : i32
      %dma_wait3A_432 = tpu.memref_slice %arg9[%dma_wait3A_429, %dma_wait3A_430, %dma_wait3A_431] : memref<4x128x64xf32, #tpu.memory_space<vmem>> -> memref<1x128x64xf32, #tpu.memory_space<vmem>>
      %dma_wait3A_433 = tpu.memref_squeeze %dma_wait3A_432 : memref<1x128x64xf32, #tpu.memory_space<vmem>> -> memref<128x64xf32, #tpu.memory_space<vmem>>
      %dma_wait3A_434 = arith.constant 0 : i32
      %dma_wait3A_435 = tpu.memref_slice %arg7[%add3A_428, %dma_wait3A_434] : memref<80x128xi32, #tpu.memory_space<vmem>> -> memref<1x128xi32, #tpu.memory_space<vmem>>
      %dma_wait3A_436 = tpu.memref_squeeze %dma_wait3A_435 : memref<1x128xi32, #tpu.memory_space<vmem>> -> memref<128xi32, #tpu.memory_space<vmem>>
      %dma_wait3A_437 = arith.constant 0 : i32
      %dma_wait3A_438 = arith.constant 0 : i32
      %dma_wait3A_439 = tpu.memref_slice %arg2[%dma_wait3A_437, %dma_wait3A_438] : memref<20000x64xf32, #tpu.memory_space<hbm>> -> memref<20000x64xf32, #tpu.memory_space<hbm>>
      tpu.wait_indirect_dma semaphore(%arg13 : memref<!tpu.dma_semaphore, #tpu.memory_space<semaphore_mem>>) src(%dma_wait3A_439 : memref<20000x64xf32, #tpu.memory_space<hbm>>) dst(%dma_wait3A_433 : memref<128x64xf32, #tpu.memory_space<vmem>>)
      %add3A_440 = arith.constant 1 : i32
      %add3A_441 = arith.addi %mul3A_400, %add3A_440 : i32
      %dma_start3A_442 = arith.constant 1 : i32
      %dma_start3A_443 = arith.constant 0 : i32
      %dma_start3A_444 = arith.constant 0 : i32
      %dma_start3A_445 = tpu.memref_slice %arg9[%dma_start3A_442, %dma_start3A_443, %dma_start3A_444] : memref<4x128x64xf32, #tpu.memory_space<vmem>> -> memref<1x128x64xf32, #tpu.memory_space<vmem>>
      %dma_start3A_446 = tpu.memref_squeeze %dma_start3A_445 : memref<1x128x64xf32, #tpu.memory_space<vmem>> -> memref<128x64xf32, #tpu.memory_space<vmem>>
      %dma_start3A_447 = arith.constant 0 : i32
      %dma_start3A_448 = tpu.memref_slice %arg8[%add3A_441, %dma_start3A_447] : memref<80x128xi32, #tpu.memory_space<vmem>> -> memref<1x128xi32, #tpu.memory_space<vmem>>
      %dma_start3A_449 = tpu.memref_squeeze %dma_start3A_448 : memref<1x128xi32, #tpu.memory_space<vmem>> -> memref<128xi32, #tpu.memory_space<vmem>>
      %dma_start3A_450 = arith.constant 0 : i32
      %dma_start3A_451 = arith.constant 0 : i32
      %dma_start3A_452 = tpu.memref_slice %arg11[%dma_start3A_450, %dma_start3A_451] : memref<10240x64xf32, #tpu.memory_space<vmem_shared>> -> memref<10240x64xf32, #tpu.memory_space<vmem_shared>>
      tpu.enqueue_indirect_dma source(%dma_start3A_446 : memref<128x64xf32, #tpu.memory_space<vmem>>) target(%dma_start3A_452 : memref<10240x64xf32, #tpu.memory_space<vmem_shared>>) offsets(%dma_start3A_449 : memref<128xi32, #tpu.memory_space<vmem>>) semaphore(%arg17 : memref<!tpu.dma_semaphore, #tpu.memory_space<semaphore_mem>>) {add = true}
      %add3A_453 = arith.constant 2 : i32
      %add3A_454 = arith.addi %mul3A_400, %add3A_453 : i32
      %add3A_455 = arith.constant 0 : i32
      %add3A_456 = arith.addi %add3A_454, %add3A_455 : i32
      %dma_wait3A_457 = arith.constant 2 : i32
      %dma_wait3A_458 = arith.constant 0 : i32
      %dma_wait3A_459 = arith.constant 0 : i32
      %dma_wait3A_460 = tpu.memref_slice %arg9[%dma_wait3A_457, %dma_wait3A_458, %dma_wait3A_459] : memref<4x128x64xf32, #tpu.memory_space<vmem>> -> memref<1x128x64xf32, #tpu.memory_space<vmem>>
      %dma_wait3A_461 = tpu.memref_squeeze %dma_wait3A_460 : memref<1x128x64xf32, #tpu.memory_space<vmem>> -> memref<128x64xf32, #tpu.memory_space<vmem>>
      %dma_wait3A_462 = arith.constant 0 : i32
      %dma_wait3A_463 = tpu.memref_slice %arg7[%add3A_456, %dma_wait3A_462] : memref<80x128xi32, #tpu.memory_space<vmem>> -> memref<1x128xi32, #tpu.memory_space<vmem>>
      %dma_wait3A_464 = tpu.memref_squeeze %dma_wait3A_463 : memref<1x128xi32, #tpu.memory_space<vmem>> -> memref<128xi32, #tpu.memory_space<vmem>>
      %dma_wait3A_465 = arith.constant 0 : i32
      %dma_wait3A_466 = arith.constant 0 : i32
      %dma_wait3A_467 = tpu.memref_slice %arg2[%dma_wait3A_465, %dma_wait3A_466] : memref<20000x64xf32, #tpu.memory_space<hbm>> -> memref<20000x64xf32, #tpu.memory_space<hbm>>
      tpu.wait_indirect_dma semaphore(%arg14 : memref<!tpu.dma_semaphore, #tpu.memory_space<semaphore_mem>>) src(%dma_wait3A_467 : memref<20000x64xf32, #tpu.memory_space<hbm>>) dst(%dma_wait3A_461 : memref<128x64xf32, #tpu.memory_space<vmem>>)
      %add3A_468 = arith.constant 2 : i32
      %add3A_469 = arith.addi %mul3A_400, %add3A_468 : i32
      %add3A_470 = arith.constant 0 : i32
      %add3A_471 = arith.addi %add3A_469, %add3A_470 : i32
      %dma_start3A_472 = arith.constant 2 : i32
      %dma_start3A_473 = arith.constant 0 : i32
      %dma_start3A_474 = arith.constant 0 : i32
      %dma_start3A_475 = tpu.memref_slice %arg9[%dma_start3A_472, %dma_start3A_473, %dma_start3A_474] : memref<4x128x64xf32, #tpu.memory_space<vmem>> -> memref<1x128x64xf32, #tpu.memory_space<vmem>>
      %dma_start3A_476 = tpu.memref_squeeze %dma_start3A_475 : memref<1x128x64xf32, #tpu.memory_space<vmem>> -> memref<128x64xf32, #tpu.memory_space<vmem>>
      %dma_start3A_477 = arith.constant 0 : i32
      %dma_start3A_478 = tpu.memref_slice %arg8[%add3A_471, %dma_start3A_477] : memref<80x128xi32, #tpu.memory_space<vmem>> -> memref<1x128xi32, #tpu.memory_space<vmem>>
      %dma_start3A_479 = tpu.memref_squeeze %dma_start3A_478 : memref<1x128xi32, #tpu.memory_space<vmem>> -> memref<128xi32, #tpu.memory_space<vmem>>
      %dma_start3A_480 = arith.constant 0 : i32
      %dma_start3A_481 = arith.constant 0 : i32
      %dma_start3A_482 = tpu.memref_slice %arg11[%dma_start3A_480, %dma_start3A_481] : memref<10240x64xf32, #tpu.memory_space<vmem_shared>> -> memref<10240x64xf32, #tpu.memory_space<vmem_shared>>
      tpu.enqueue_indirect_dma source(%dma_start3A_476 : memref<128x64xf32, #tpu.memory_space<vmem>>) target(%dma_start3A_482 : memref<10240x64xf32, #tpu.memory_space<vmem_shared>>) offsets(%dma_start3A_479 : memref<128xi32, #tpu.memory_space<vmem>>) semaphore(%arg18 : memref<!tpu.dma_semaphore, #tpu.memory_space<semaphore_mem>>) {add = true}
      %add3A_483 = arith.constant 2 : i32
      %add3A_484 = arith.addi %mul3A_400, %add3A_483 : i32
      %add3A_485 = arith.constant 1 : i32
      %add3A_486 = arith.addi %add3A_484, %add3A_485 : i32
      %dma_wait3A_487 = arith.constant 3 : i32
      %dma_wait3A_488 = arith.constant 0 : i32
      %dma_wait3A_489 = arith.constant 0 : i32
      %dma_wait3A_490 = tpu.memref_slice %arg9[%dma_wait3A_487, %dma_wait3A_488, %dma_wait3A_489] : memref<4x128x64xf32, #tpu.memory_space<vmem>> -> memref<1x128x64xf32, #tpu.memory_space<vmem>>
      %dma_wait3A_491 = tpu.memref_squeeze %dma_wait3A_490 : memref<1x128x64xf32, #tpu.memory_space<vmem>> -> memref<128x64xf32, #tpu.memory_space<vmem>>
      %dma_wait3A_492 = arith.constant 0 : i32
      %dma_wait3A_493 = tpu.memref_slice %arg7[%add3A_486, %dma_wait3A_492] : memref<80x128xi32, #tpu.memory_space<vmem>> -> memref<1x128xi32, #tpu.memory_space<vmem>>
      %dma_wait3A_494 = tpu.memref_squeeze %dma_wait3A_493 : memref<1x128xi32, #tpu.memory_space<vmem>> -> memref<128xi32, #tpu.memory_space<vmem>>
      %dma_wait3A_495 = arith.constant 0 : i32
      %dma_wait3A_496 = arith.constant 0 : i32
      %dma_wait3A_497 = tpu.memref_slice %arg2[%dma_wait3A_495, %dma_wait3A_496] : memref<20000x64xf32, #tpu.memory_space<hbm>> -> memref<20000x64xf32, #tpu.memory_space<hbm>>
      tpu.wait_indirect_dma semaphore(%arg15 : memref<!tpu.dma_semaphore, #tpu.memory_space<semaphore_mem>>) src(%dma_wait3A_497 : memref<20000x64xf32, #tpu.memory_space<hbm>>) dst(%dma_wait3A_491 : memref<128x64xf32, #tpu.memory_space<vmem>>)
      %add3A_498 = arith.constant 2 : i32
      %add3A_499 = arith.addi %mul3A_400, %add3A_498 : i32
      %add3A_500 = arith.constant 1 : i32
      %add3A_501 = arith.addi %add3A_499, %add3A_500 : i32
      %dma_start3A_502 = arith.constant 3 : i32
      %dma_start3A_503 = arith.constant 0 : i32
      %dma_start3A_504 = arith.constant 0 : i32
      %dma_start3A_505 = tpu.memref_slice %arg9[%dma_start3A_502, %dma_start3A_503, %dma_start3A_504] : memref<4x128x64xf32, #tpu.memory_space<vmem>> -> memref<1x128x64xf32, #tpu.memory_space<vmem>>
      %dma_start3A_506 = tpu.memref_squeeze %dma_start3A_505 : memref<1x128x64xf32, #tpu.memory_space<vmem>> -> memref<128x64xf32, #tpu.memory_space<vmem>>
      %dma_start3A_507 = arith.constant 0 : i32
      %dma_start3A_508 = tpu.memref_slice %arg8[%add3A_501, %dma_start3A_507] : memref<80x128xi32, #tpu.memory_space<vmem>> -> memref<1x128xi32, #tpu.memory_space<vmem>>
      %dma_start3A_509 = tpu.memref_squeeze %dma_start3A_508 : memref<1x128xi32, #tpu.memory_space<vmem>> -> memref<128xi32, #tpu.memory_space<vmem>>
      %dma_start3A_510 = arith.constant 0 : i32
      %dma_start3A_511 = arith.constant 0 : i32
      %dma_start3A_512 = tpu.memref_slice %arg11[%dma_start3A_510, %dma_start3A_511] : memref<10240x64xf32, #tpu.memory_space<vmem_shared>> -> memref<10240x64xf32, #tpu.memory_space<vmem_shared>>
      tpu.enqueue_indirect_dma source(%dma_start3A_506 : memref<128x64xf32, #tpu.memory_space<vmem>>) target(%dma_start3A_512 : memref<10240x64xf32, #tpu.memory_space<vmem_shared>>) offsets(%dma_start3A_509 : memref<128xi32, #tpu.memory_space<vmem>>) semaphore(%arg19 : memref<!tpu.dma_semaphore, #tpu.memory_space<semaphore_mem>>) {add = true}
      %add3A_513 = arith.constant 0 : i32
      %add3A_514 = arith.addi %mul3A_400, %add3A_513 : i32
      %dma_wait3A_515 = arith.constant 0 : i32
      %dma_wait3A_516 = arith.constant 0 : i32
      %dma_wait3A_517 = arith.constant 0 : i32
      %dma_wait3A_518 = tpu.memref_slice %arg9[%dma_wait3A_515, %dma_wait3A_516, %dma_wait3A_517] : memref<4x128x64xf32, #tpu.memory_space<vmem>> -> memref<1x128x64xf32, #tpu.memory_space<vmem>>
      %dma_wait3A_519 = tpu.memref_squeeze %dma_wait3A_518 : memref<1x128x64xf32, #tpu.memory_space<vmem>> -> memref<128x64xf32, #tpu.memory_space<vmem>>
      %dma_wait3A_520 = arith.constant 0 : i32
      %dma_wait3A_521 = tpu.memref_slice %arg8[%add3A_514, %dma_wait3A_520] : memref<80x128xi32, #tpu.memory_space<vmem>> -> memref<1x128xi32, #tpu.memory_space<vmem>>
      %dma_wait3A_522 = tpu.memref_squeeze %dma_wait3A_521 : memref<1x128xi32, #tpu.memory_space<vmem>> -> memref<128xi32, #tpu.memory_space<vmem>>
      %dma_wait3A_523 = arith.constant 0 : i32
      %dma_wait3A_524 = arith.constant 0 : i32
      %dma_wait3A_525 = tpu.memref_slice %arg11[%dma_wait3A_523, %dma_wait3A_524] : memref<10240x64xf32, #tpu.memory_space<vmem_shared>> -> memref<10240x64xf32, #tpu.memory_space<vmem_shared>>
      tpu.wait_indirect_dma semaphore(%arg16 : memref<!tpu.dma_semaphore, #tpu.memory_space<semaphore_mem>>) src(%dma_wait3A_519 : memref<128x64xf32, #tpu.memory_space<vmem>>) dst(%dma_wait3A_525 : memref<10240x64xf32, #tpu.memory_space<vmem_shared>>)
      %add3A_526 = arith.constant 4 : i32
      %add3A_527 = arith.addi %mul3A_400, %add3A_526 : i32
      %add3A_528 = arith.constant 0 : i32
      %add3A_529 = arith.addi %add3A_527, %add3A_528 : i32
      %dma_start3A_530 = arith.constant 0 : i32
      %dma_start3A_531 = arith.constant 0 : i32
      %dma_start3A_532 = arith.constant 0 : i32
      %dma_start3A_533 = tpu.memref_slice %arg9[%dma_start3A_530, %dma_start3A_531, %dma_start3A_532] : memref<4x128x64xf32, #tpu.memory_space<vmem>> -> memref<1x128x64xf32, #tpu.memory_space<vmem>>
      %dma_start3A_534 = tpu.memref_squeeze %dma_start3A_533 : memref<1x128x64xf32, #tpu.memory_space<vmem>> -> memref<128x64xf32, #tpu.memory_space<vmem>>
      %dma_start3A_535 = arith.constant 0 : i32
      %dma_start3A_536 = tpu.memref_slice %arg7[%add3A_529, %dma_start3A_535] : memref<80x128xi32, #tpu.memory_space<vmem>> -> memref<1x128xi32, #tpu.memory_space<vmem>>
      %dma_start3A_537 = tpu.memref_squeeze %dma_start3A_536 : memref<1x128xi32, #tpu.memory_space<vmem>> -> memref<128xi32, #tpu.memory_space<vmem>>
      %dma_start3A_538 = arith.constant 0 : i32
      %dma_start3A_539 = arith.constant 0 : i32
      %dma_start3A_540 = tpu.memref_slice %arg2[%dma_start3A_538, %dma_start3A_539] : memref<20000x64xf32, #tpu.memory_space<hbm>> -> memref<20000x64xf32, #tpu.memory_space<hbm>>
      tpu.enqueue_indirect_dma source(%dma_start3A_540 : memref<20000x64xf32, #tpu.memory_space<hbm>>) target(%dma_start3A_534 : memref<128x64xf32, #tpu.memory_space<vmem>>) offsets(%dma_start3A_537 : memref<128xi32, #tpu.memory_space<vmem>>) semaphore(%arg12 : memref<!tpu.dma_semaphore, #tpu.memory_space<semaphore_mem>>)
      %add3A_541 = arith.constant 1 : i32
      %add3A_542 = arith.addi %mul3A_400, %add3A_541 : i32
      %dma_wait3A_543 = arith.constant 1 : i32
      %dma_wait3A_544 = arith.constant 0 : i32
      %dma_wait3A_545 = arith.constant 0 : i32
      %dma_wait3A_546 = tpu.memref_slice %arg9[%dma_wait3A_543, %dma_wait3A_544, %dma_wait3A_545] : memref<4x128x64xf32, #tpu.memory_space<vmem>> -> memref<1x128x64xf32, #tpu.memory_space<vmem>>
      %dma_wait3A_547 = tpu.memref_squeeze %dma_wait3A_546 : memref<1x128x64xf32, #tpu.memory_space<vmem>> -> memref<128x64xf32, #tpu.memory_space<vmem>>
      %dma_wait3A_548 = arith.constant 0 : i32
      %dma_wait3A_549 = tpu.memref_slice %arg8[%add3A_542, %dma_wait3A_548] : memref<80x128xi32, #tpu.memory_space<vmem>> -> memref<1x128xi32, #tpu.memory_space<vmem>>
      %dma_wait3A_550 = tpu.memref_squeeze %dma_wait3A_549 : memref<1x128xi32, #tpu.memory_space<vmem>> -> memref<128xi32, #tpu.memory_space<vmem>>
      %dma_wait3A_551 = arith.constant 0 : i32
      %dma_wait3A_552 = arith.constant 0 : i32
      %dma_wait3A_553 = tpu.memref_slice %arg11[%dma_wait3A_551, %dma_wait3A_552] : memref<10240x64xf32, #tpu.memory_space<vmem_shared>> -> memref<10240x64xf32, #tpu.memory_space<vmem_shared>>
      tpu.wait_indirect_dma semaphore(%arg17 : memref<!tpu.dma_semaphore, #tpu.memory_space<semaphore_mem>>) src(%dma_wait3A_547 : memref<128x64xf32, #tpu.memory_space<vmem>>) dst(%dma_wait3A_553 : memref<10240x64xf32, #tpu.memory_space<vmem_shared>>)
      %add3A_554 = arith.constant 4 : i32
      %add3A_555 = arith.addi %mul3A_400, %add3A_554 : i32
      %add3A_556 = arith.constant 1 : i32
      %add3A_557 = arith.addi %add3A_555, %add3A_556 : i32
      %dma_start3A_558 = arith.constant 1 : i32
      %dma_start3A_559 = arith.constant 0 : i32
      %dma_start3A_560 = arith.constant 0 : i32
      %dma_start3A_561 = tpu.memref_slice %arg9[%dma_start3A_558, %dma_start3A_559, %dma_start3A_560] : memref<4x128x64xf32, #tpu.memory_space<vmem>> -> memref<1x128x64xf32, #tpu.memory_space<vmem>>
      %dma_start3A_562 = tpu.memref_squeeze %dma_start3A_561 : memref<1x128x64xf32, #tpu.memory_space<vmem>> -> memref<128x64xf32, #tpu.memory_space<vmem>>
      %dma_start3A_563 = arith.constant 0 : i32
      %dma_start3A_564 = tpu.memref_slice %arg7[%add3A_557, %dma_start3A_563] : memref<80x128xi32, #tpu.memory_space<vmem>> -> memref<1x128xi32, #tpu.memory_space<vmem>>
      %dma_start3A_565 = tpu.memref_squeeze %dma_start3A_564 : memref<1x128xi32, #tpu.memory_space<vmem>> -> memref<128xi32, #tpu.memory_space<vmem>>
      %dma_start3A_566 = arith.constant 0 : i32
      %dma_start3A_567 = arith.constant 0 : i32
      %dma_start3A_568 = tpu.memref_slice %arg2[%dma_start3A_566, %dma_start3A_567] : memref<20000x64xf32, #tpu.memory_space<hbm>> -> memref<20000x64xf32, #tpu.memory_space<hbm>>
      tpu.enqueue_indirect_dma source(%dma_start3A_568 : memref<20000x64xf32, #tpu.memory_space<hbm>>) target(%dma_start3A_562 : memref<128x64xf32, #tpu.memory_space<vmem>>) offsets(%dma_start3A_565 : memref<128xi32, #tpu.memory_space<vmem>>) semaphore(%arg13 : memref<!tpu.dma_semaphore, #tpu.memory_space<semaphore_mem>>)
      %add3A_569 = arith.constant 2 : i32
      %add3A_570 = arith.addi %mul3A_400, %add3A_569 : i32
      %add3A_571 = arith.constant 0 : i32
      %add3A_572 = arith.addi %add3A_570, %add3A_571 : i32
      %dma_wait3A_573 = arith.constant 2 : i32
      %dma_wait3A_574 = arith.constant 0 : i32
      %dma_wait3A_575 = arith.constant 0 : i32
      %dma_wait3A_576 = tpu.memref_slice %arg9[%dma_wait3A_573, %dma_wait3A_574, %dma_wait3A_575] : memref<4x128x64xf32, #tpu.memory_space<vmem>> -> memref<1x128x64xf32, #tpu.memory_space<vmem>>
      %dma_wait3A_577 = tpu.memref_squeeze %dma_wait3A_576 : memref<1x128x64xf32, #tpu.memory_space<vmem>> -> memref<128x64xf32, #tpu.memory_space<vmem>>
      %dma_wait3A_578 = arith.constant 0 : i32
      %dma_wait3A_579 = tpu.memref_slice %arg8[%add3A_572, %dma_wait3A_578] : memref<80x128xi32, #tpu.memory_space<vmem>> -> memref<1x128xi32, #tpu.memory_space<vmem>>
      %dma_wait3A_580 = tpu.memref_squeeze %dma_wait3A_579 : memref<1x128xi32, #tpu.memory_space<vmem>> -> memref<128xi32, #tpu.memory_space<vmem>>
      %dma_wait3A_581 = arith.constant 0 : i32
      %dma_wait3A_582 = arith.constant 0 : i32
      %dma_wait3A_583 = tpu.memref_slice %arg11[%dma_wait3A_581, %dma_wait3A_582] : memref<10240x64xf32, #tpu.memory_space<vmem_shared>> -> memref<10240x64xf32, #tpu.memory_space<vmem_shared>>
      tpu.wait_indirect_dma semaphore(%arg18 : memref<!tpu.dma_semaphore, #tpu.memory_space<semaphore_mem>>) src(%dma_wait3A_577 : memref<128x64xf32, #tpu.memory_space<vmem>>) dst(%dma_wait3A_583 : memref<10240x64xf32, #tpu.memory_space<vmem_shared>>)
      %add3A_584 = arith.constant 4 : i32
      %add3A_585 = arith.addi %mul3A_400, %add3A_584 : i32
      %add3A_586 = arith.constant 2 : i32
      %add3A_587 = arith.addi %add3A_585, %add3A_586 : i32
      %add3A_588 = arith.constant 0 : i32
      %add3A_589 = arith.addi %add3A_587, %add3A_588 : i32
      %dma_start3A_590 = arith.constant 2 : i32
      %dma_start3A_591 = arith.constant 0 : i32
      %dma_start3A_592 = arith.constant 0 : i32
      %dma_start3A_593 = tpu.memref_slice %arg9[%dma_start3A_590, %dma_start3A_591, %dma_start3A_592] : memref<4x128x64xf32, #tpu.memory_space<vmem>> -> memref<1x128x64xf32, #tpu.memory_space<vmem>>
      %dma_start3A_594 = tpu.memref_squeeze %dma_start3A_593 : memref<1x128x64xf32, #tpu.memory_space<vmem>> -> memref<128x64xf32, #tpu.memory_space<vmem>>
      %dma_start3A_595 = arith.constant 0 : i32
      %dma_start3A_596 = tpu.memref_slice %arg7[%add3A_589, %dma_start3A_595] : memref<80x128xi32, #tpu.memory_space<vmem>> -> memref<1x128xi32, #tpu.memory_space<vmem>>
      %dma_start3A_597 = tpu.memref_squeeze %dma_start3A_596 : memref<1x128xi32, #tpu.memory_space<vmem>> -> memref<128xi32, #tpu.memory_space<vmem>>
      %dma_start3A_598 = arith.constant 0 : i32
      %dma_start3A_599 = arith.constant 0 : i32
      %dma_start3A_600 = tpu.memref_slice %arg2[%dma_start3A_598, %dma_start3A_599] : memref<20000x64xf32, #tpu.memory_space<hbm>> -> memref<20000x64xf32, #tpu.memory_space<hbm>>
      tpu.enqueue_indirect_dma source(%dma_start3A_600 : memref<20000x64xf32, #tpu.memory_space<hbm>>) target(%dma_start3A_594 : memref<128x64xf32, #tpu.memory_space<vmem>>) offsets(%dma_start3A_597 : memref<128xi32, #tpu.memory_space<vmem>>) semaphore(%arg14 : memref<!tpu.dma_semaphore, #tpu.memory_space<semaphore_mem>>)
      %add3A_601 = arith.constant 2 : i32
      %add3A_602 = arith.addi %mul3A_400, %add3A_601 : i32
      %add3A_603 = arith.constant 1 : i32
      %add3A_604 = arith.addi %add3A_602, %add3A_603 : i32
      %dma_wait3A_605 = arith.constant 3 : i32
      %dma_wait3A_606 = arith.constant 0 : i32
      %dma_wait3A_607 = arith.constant 0 : i32
      %dma_wait3A_608 = tpu.memref_slice %arg9[%dma_wait3A_605, %dma_wait3A_606, %dma_wait3A_607] : memref<4x128x64xf32, #tpu.memory_space<vmem>> -> memref<1x128x64xf32, #tpu.memory_space<vmem>>
      %dma_wait3A_609 = tpu.memref_squeeze %dma_wait3A_608 : memref<1x128x64xf32, #tpu.memory_space<vmem>> -> memref<128x64xf32, #tpu.memory_space<vmem>>
      %dma_wait3A_610 = arith.constant 0 : i32
      %dma_wait3A_611 = tpu.memref_slice %arg8[%add3A_604, %dma_wait3A_610] : memref<80x128xi32, #tpu.memory_space<vmem>> -> memref<1x128xi32, #tpu.memory_space<vmem>>
      %dma_wait3A_612 = tpu.memref_squeeze %dma_wait3A_611 : memref<1x128xi32, #tpu.memory_space<vmem>> -> memref<128xi32, #tpu.memory_space<vmem>>
      %dma_wait3A_613 = arith.constant 0 : i32
      %dma_wait3A_614 = arith.constant 0 : i32
      %dma_wait3A_615 = tpu.memref_slice %arg11[%dma_wait3A_613, %dma_wait3A_614] : memref<10240x64xf32, #tpu.memory_space<vmem_shared>> -> memref<10240x64xf32, #tpu.memory_space<vmem_shared>>
      tpu.wait_indirect_dma semaphore(%arg19 : memref<!tpu.dma_semaphore, #tpu.memory_space<semaphore_mem>>) src(%dma_wait3A_609 : memref<128x64xf32, #tpu.memory_space<vmem>>) dst(%dma_wait3A_615 : memref<10240x64xf32, #tpu.memory_space<vmem_shared>>)
      %add3A_616 = arith.constant 4 : i32
      %add3A_617 = arith.addi %mul3A_400, %add3A_616 : i32
      %add3A_618 = arith.constant 2 : i32
      %add3A_619 = arith.addi %add3A_617, %add3A_618 : i32
      %add3A_620 = arith.constant 1 : i32
      %add3A_621 = arith.addi %add3A_619, %add3A_620 : i32
      %dma_start3A_622 = arith.constant 3 : i32
      %dma_start3A_623 = arith.constant 0 : i32
      %dma_start3A_624 = arith.constant 0 : i32
      %dma_start3A_625 = tpu.memref_slice %arg9[%dma_start3A_622, %dma_start3A_623, %dma_start3A_624] : memref<4x128x64xf32, #tpu.memory_space<vmem>> -> memref<1x128x64xf32, #tpu.memory_space<vmem>>
      %dma_start3A_626 = tpu.memref_squeeze %dma_start3A_625 : memref<1x128x64xf32, #tpu.memory_space<vmem>> -> memref<128x64xf32, #tpu.memory_space<vmem>>
      %dma_start3A_627 = arith.constant 0 : i32
      %dma_start3A_628 = tpu.memref_slice %arg7[%add3A_621, %dma_start3A_627] : memref<80x128xi32, #tpu.memory_space<vmem>> -> memref<1x128xi32, #tpu.memory_space<vmem>>
      %dma_start3A_629 = tpu.memref_squeeze %dma_start3A_628 : memref<1x128xi32, #tpu.memory_space<vmem>> -> memref<128xi32, #tpu.memory_space<vmem>>
      %dma_start3A_630 = arith.constant 0 : i32
      %dma_start3A_631 = arith.constant 0 : i32
      %dma_start3A_632 = tpu.memref_slice %arg2[%dma_start3A_630, %dma_start3A_631] : memref<20000x64xf32, #tpu.memory_space<hbm>> -> memref<20000x64xf32, #tpu.memory_space<hbm>>
      tpu.enqueue_indirect_dma source(%dma_start3A_632 : memref<20000x64xf32, #tpu.memory_space<hbm>>) target(%dma_start3A_626 : memref<128x64xf32, #tpu.memory_space<vmem>>) offsets(%dma_start3A_629 : memref<128xi32, #tpu.memory_space<vmem>>) semaphore(%arg15 : memref<!tpu.dma_semaphore, #tpu.memory_space<semaphore_mem>>)
      %scan3A_633 = arith.constant 0 : i32
      scf.yield %scan3A_633 : i32
    }
    %scan3A_67 = arith.constant 19 : i32
    %dma_wait3A = arith.constant 76 : i32
    %dma_wait3A_68 = arith.constant 0 : i32
    %dma_wait3A_69 = arith.constant 0 : i32
    %dma_wait3A_70 = arith.constant 0 : i32
    %dma_wait3A_71 = tpu.memref_slice %arg9[%dma_wait3A_68, %dma_wait3A_69, %dma_wait3A_70] : memref<4x128x64xf32, #tpu.memory_space<vmem>> -> memref<1x128x64xf32, #tpu.memory_space<vmem>>
    %dma_wait3A_72 = tpu.memref_squeeze %dma_wait3A_71 : memref<1x128x64xf32, #tpu.memory_space<vmem>> -> memref<128x64xf32, #tpu.memory_space<vmem>>
    %dma_wait3A_73 = arith.constant 0 : i32
    %dma_wait3A_74 = tpu.memref_slice %arg7[%dma_wait3A, %dma_wait3A_73] : memref<80x128xi32, #tpu.memory_space<vmem>> -> memref<1x128xi32, #tpu.memory_space<vmem>>
    %dma_wait3A_75 = tpu.memref_squeeze %dma_wait3A_74 : memref<1x128xi32, #tpu.memory_space<vmem>> -> memref<128xi32, #tpu.memory_space<vmem>>
    %dma_wait3A_76 = arith.constant 0 : i32
    %dma_wait3A_77 = arith.constant 0 : i32
    %dma_wait3A_78 = tpu.memref_slice %arg2[%dma_wait3A_76, %dma_wait3A_77] : memref<20000x64xf32, #tpu.memory_space<hbm>> -> memref<20000x64xf32, #tpu.memory_space<hbm>>
    tpu.wait_indirect_dma semaphore(%arg12 : memref<!tpu.dma_semaphore, #tpu.memory_space<semaphore_mem>>) src(%dma_wait3A_78 : memref<20000x64xf32, #tpu.memory_space<hbm>>) dst(%dma_wait3A_72 : memref<128x64xf32, #tpu.memory_space<vmem>>)
    %dma_start3A_79 = arith.constant 0 : i32
    %dma_start3A_80 = arith.constant 76 : i32
    %dma_start3A_81 = arith.constant 0 : i32
    %dma_start3A_82 = arith.constant 0 : i32
    %dma_start3A_83 = tpu.memref_slice %arg9[%dma_start3A_79, %dma_start3A_81, %dma_start3A_82] : memref<4x128x64xf32, #tpu.memory_space<vmem>> -> memref<1x128x64xf32, #tpu.memory_space<vmem>>
    %dma_start3A_84 = tpu.memref_squeeze %dma_start3A_83 : memref<1x128x64xf32, #tpu.memory_space<vmem>> -> memref<128x64xf32, #tpu.memory_space<vmem>>
    %dma_start3A_85 = arith.constant 0 : i32
    %dma_start3A_86 = tpu.memref_slice %arg8[%dma_start3A_80, %dma_start3A_85] : memref<80x128xi32, #tpu.memory_space<vmem>> -> memref<1x128xi32, #tpu.memory_space<vmem>>
    %dma_start3A_87 = tpu.memref_squeeze %dma_start3A_86 : memref<1x128xi32, #tpu.memory_space<vmem>> -> memref<128xi32, #tpu.memory_space<vmem>>
    %dma_start3A_88 = arith.constant 0 : i32
    %dma_start3A_89 = arith.constant 0 : i32
    %dma_start3A_90 = tpu.memref_slice %arg11[%dma_start3A_88, %dma_start3A_89] : memref<10240x64xf32, #tpu.memory_space<vmem_shared>> -> memref<10240x64xf32, #tpu.memory_space<vmem_shared>>
    tpu.enqueue_indirect_dma source(%dma_start3A_84 : memref<128x64xf32, #tpu.memory_space<vmem>>) target(%dma_start3A_90 : memref<10240x64xf32, #tpu.memory_space<vmem_shared>>) offsets(%dma_start3A_87 : memref<128xi32, #tpu.memory_space<vmem>>) semaphore(%arg16 : memref<!tpu.dma_semaphore, #tpu.memory_space<semaphore_mem>>) {add = true}
    %dma_wait3A_91 = arith.constant 77 : i32
    %dma_wait3A_92 = arith.constant 1 : i32
    %dma_wait3A_93 = arith.constant 0 : i32
    %dma_wait3A_94 = arith.constant 0 : i32
    %dma_wait3A_95 = tpu.memref_slice %arg9[%dma_wait3A_92, %dma_wait3A_93, %dma_wait3A_94] : memref<4x128x64xf32, #tpu.memory_space<vmem>> -> memref<1x128x64xf32, #tpu.memory_space<vmem>>
    %dma_wait3A_96 = tpu.memref_squeeze %dma_wait3A_95 : memref<1x128x64xf32, #tpu.memory_space<vmem>> -> memref<128x64xf32, #tpu.memory_space<vmem>>
    %dma_wait3A_97 = arith.constant 0 : i32
    %dma_wait3A_98 = tpu.memref_slice %arg7[%dma_wait3A_91, %dma_wait3A_97] : memref<80x128xi32, #tpu.memory_space<vmem>> -> memref<1x128xi32, #tpu.memory_space<vmem>>
    %dma_wait3A_99 = tpu.memref_squeeze %dma_wait3A_98 : memref<1x128xi32, #tpu.memory_space<vmem>> -> memref<128xi32, #tpu.memory_space<vmem>>
    %dma_wait3A_100 = arith.constant 0 : i32
    %dma_wait3A_101 = arith.constant 0 : i32
    %dma_wait3A_102 = tpu.memref_slice %arg2[%dma_wait3A_100, %dma_wait3A_101] : memref<20000x64xf32, #tpu.memory_space<hbm>> -> memref<20000x64xf32, #tpu.memory_space<hbm>>
    tpu.wait_indirect_dma semaphore(%arg13 : memref<!tpu.dma_semaphore, #tpu.memory_space<semaphore_mem>>) src(%dma_wait3A_102 : memref<20000x64xf32, #tpu.memory_space<hbm>>) dst(%dma_wait3A_96 : memref<128x64xf32, #tpu.memory_space<vmem>>)
    %dma_start3A_103 = arith.constant 1 : i32
    %dma_start3A_104 = arith.constant 77 : i32
    %dma_start3A_105 = arith.constant 0 : i32
    %dma_start3A_106 = arith.constant 0 : i32
    %dma_start3A_107 = tpu.memref_slice %arg9[%dma_start3A_103, %dma_start3A_105, %dma_start3A_106] : memref<4x128x64xf32, #tpu.memory_space<vmem>> -> memref<1x128x64xf32, #tpu.memory_space<vmem>>
    %dma_start3A_108 = tpu.memref_squeeze %dma_start3A_107 : memref<1x128x64xf32, #tpu.memory_space<vmem>> -> memref<128x64xf32, #tpu.memory_space<vmem>>
    %dma_start3A_109 = arith.constant 0 : i32
    %dma_start3A_110 = tpu.memref_slice %arg8[%dma_start3A_104, %dma_start3A_109] : memref<80x128xi32, #tpu.memory_space<vmem>> -> memref<1x128xi32, #tpu.memory_space<vmem>>
    %dma_start3A_111 = tpu.memref_squeeze %dma_start3A_110 : memref<1x128xi32, #tpu.memory_space<vmem>> -> memref<128xi32, #tpu.memory_space<vmem>>
    %dma_start3A_112 = arith.constant 0 : i32
    %dma_start3A_113 = arith.constant 0 : i32
    %dma_start3A_114 = tpu.memref_slice %arg11[%dma_start3A_112, %dma_start3A_113] : memref<10240x64xf32, #tpu.memory_space<vmem_shared>> -> memref<10240x64xf32, #tpu.memory_space<vmem_shared>>
    tpu.enqueue_indirect_dma source(%dma_start3A_108 : memref<128x64xf32, #tpu.memory_space<vmem>>) target(%dma_start3A_114 : memref<10240x64xf32, #tpu.memory_space<vmem_shared>>) offsets(%dma_start3A_111 : memref<128xi32, #tpu.memory_space<vmem>>) semaphore(%arg17 : memref<!tpu.dma_semaphore, #tpu.memory_space<semaphore_mem>>) {add = true}
    %dma_wait3A_115 = arith.constant 78 : i32
    %dma_wait3A_116 = arith.constant 2 : i32
    %dma_wait3A_117 = arith.constant 0 : i32
    %dma_wait3A_118 = arith.constant 0 : i32
    %dma_wait3A_119 = tpu.memref_slice %arg9[%dma_wait3A_116, %dma_wait3A_117, %dma_wait3A_118] : memref<4x128x64xf32, #tpu.memory_space<vmem>> -> memref<1x128x64xf32, #tpu.memory_space<vmem>>
    %dma_wait3A_120 = tpu.memref_squeeze %dma_wait3A_119 : memref<1x128x64xf32, #tpu.memory_space<vmem>> -> memref<128x64xf32, #tpu.memory_space<vmem>>
    %dma_wait3A_121 = arith.constant 0 : i32
    %dma_wait3A_122 = tpu.memref_slice %arg7[%dma_wait3A_115, %dma_wait3A_121] : memref<80x128xi32, #tpu.memory_space<vmem>> -> memref<1x128xi32, #tpu.memory_space<vmem>>
    %dma_wait3A_123 = tpu.memref_squeeze %dma_wait3A_122 : memref<1x128xi32, #tpu.memory_space<vmem>> -> memref<128xi32, #tpu.memory_space<vmem>>
    %dma_wait3A_124 = arith.constant 0 : i32
    %dma_wait3A_125 = arith.constant 0 : i32
    %dma_wait3A_126 = tpu.memref_slice %arg2[%dma_wait3A_124, %dma_wait3A_125] : memref<20000x64xf32, #tpu.memory_space<hbm>> -> memref<20000x64xf32, #tpu.memory_space<hbm>>
    tpu.wait_indirect_dma semaphore(%arg14 : memref<!tpu.dma_semaphore, #tpu.memory_space<semaphore_mem>>) src(%dma_wait3A_126 : memref<20000x64xf32, #tpu.memory_space<hbm>>) dst(%dma_wait3A_120 : memref<128x64xf32, #tpu.memory_space<vmem>>)
    %dma_start3A_127 = arith.constant 2 : i32
    %dma_start3A_128 = arith.constant 78 : i32
    %dma_start3A_129 = arith.constant 0 : i32
    %dma_start3A_130 = arith.constant 0 : i32
    %dma_start3A_131 = tpu.memref_slice %arg9[%dma_start3A_127, %dma_start3A_129, %dma_start3A_130] : memref<4x128x64xf32, #tpu.memory_space<vmem>> -> memref<1x128x64xf32, #tpu.memory_space<vmem>>
    %dma_start3A_132 = tpu.memref_squeeze %dma_start3A_131 : memref<1x128x64xf32, #tpu.memory_space<vmem>> -> memref<128x64xf32, #tpu.memory_space<vmem>>
    %dma_start3A_133 = arith.constant 0 : i32
    %dma_start3A_134 = tpu.memref_slice %arg8[%dma_start3A_128, %dma_start3A_133] : memref<80x128xi32, #tpu.memory_space<vmem>> -> memref<1x128xi32, #tpu.memory_space<vmem>>
    %dma_start3A_135 = tpu.memref_squeeze %dma_start3A_134 : memref<1x128xi32, #tpu.memory_space<vmem>> -> memref<128xi32, #tpu.memory_space<vmem>>
    %dma_start3A_136 = arith.constant 0 : i32
    %dma_start3A_137 = arith.constant 0 : i32
    %dma_start3A_138 = tpu.memref_slice %arg11[%dma_start3A_136, %dma_start3A_137] : memref<10240x64xf32, #tpu.memory_space<vmem_shared>> -> memref<10240x64xf32, #tpu.memory_space<vmem_shared>>
    tpu.enqueue_indirect_dma source(%dma_start3A_132 : memref<128x64xf32, #tpu.memory_space<vmem>>) target(%dma_start3A_138 : memref<10240x64xf32, #tpu.memory_space<vmem_shared>>) offsets(%dma_start3A_135 : memref<128xi32, #tpu.memory_space<vmem>>) semaphore(%arg18 : memref<!tpu.dma_semaphore, #tpu.memory_space<semaphore_mem>>) {add = true}
    %dma_wait3A_139 = arith.constant 79 : i32
    %dma_wait3A_140 = arith.constant 3 : i32
    %dma_wait3A_141 = arith.constant 0 : i32
    %dma_wait3A_142 = arith.constant 0 : i32
    %dma_wait3A_143 = tpu.memref_slice %arg9[%dma_wait3A_140, %dma_wait3A_141, %dma_wait3A_142] : memref<4x128x64xf32, #tpu.memory_space<vmem>> -> memref<1x128x64xf32, #tpu.memory_space<vmem>>
    %dma_wait3A_144 = tpu.memref_squeeze %dma_wait3A_143 : memref<1x128x64xf32, #tpu.memory_space<vmem>> -> memref<128x64xf32, #tpu.memory_space<vmem>>
    %dma_wait3A_145 = arith.constant 0 : i32
    %dma_wait3A_146 = tpu.memref_slice %arg7[%dma_wait3A_139, %dma_wait3A_145] : memref<80x128xi32, #tpu.memory_space<vmem>> -> memref<1x128xi32, #tpu.memory_space<vmem>>
    %dma_wait3A_147 = tpu.memref_squeeze %dma_wait3A_146 : memref<1x128xi32, #tpu.memory_space<vmem>> -> memref<128xi32, #tpu.memory_space<vmem>>
    %dma_wait3A_148 = arith.constant 0 : i32
    %dma_wait3A_149 = arith.constant 0 : i32
    %dma_wait3A_150 = tpu.memref_slice %arg2[%dma_wait3A_148, %dma_wait3A_149] : memref<20000x64xf32, #tpu.memory_space<hbm>> -> memref<20000x64xf32, #tpu.memory_space<hbm>>
    tpu.wait_indirect_dma semaphore(%arg15 : memref<!tpu.dma_semaphore, #tpu.memory_space<semaphore_mem>>) src(%dma_wait3A_150 : memref<20000x64xf32, #tpu.memory_space<hbm>>) dst(%dma_wait3A_144 : memref<128x64xf32, #tpu.memory_space<vmem>>)
    %dma_start3A_151 = arith.constant 3 : i32
    %dma_start3A_152 = arith.constant 79 : i32
    %dma_start3A_153 = arith.constant 0 : i32
    %dma_start3A_154 = arith.constant 0 : i32
    %dma_start3A_155 = tpu.memref_slice %arg9[%dma_start3A_151, %dma_start3A_153, %dma_start3A_154] : memref<4x128x64xf32, #tpu.memory_space<vmem>> -> memref<1x128x64xf32, #tpu.memory_space<vmem>>
    %dma_start3A_156 = tpu.memref_squeeze %dma_start3A_155 : memref<1x128x64xf32, #tpu.memory_space<vmem>> -> memref<128x64xf32, #tpu.memory_space<vmem>>
    %dma_start3A_157 = arith.constant 0 : i32
    %dma_start3A_158 = tpu.memref_slice %arg8[%dma_start3A_152, %dma_start3A_157] : memref<80x128xi32, #tpu.memory_space<vmem>> -> memref<1x128xi32, #tpu.memory_space<vmem>>
    %dma_start3A_159 = tpu.memref_squeeze %dma_start3A_158 : memref<1x128xi32, #tpu.memory_space<vmem>> -> memref<128xi32, #tpu.memory_space<vmem>>
    %dma_start3A_160 = arith.constant 0 : i32
    %dma_start3A_161 = arith.constant 0 : i32
    %dma_start3A_162 = tpu.memref_slice %arg11[%dma_start3A_160, %dma_start3A_161] : memref<10240x64xf32, #tpu.memory_space<vmem_shared>> -> memref<10240x64xf32, #tpu.memory_space<vmem_shared>>
    tpu.enqueue_indirect_dma source(%dma_start3A_156 : memref<128x64xf32, #tpu.memory_space<vmem>>) target(%dma_start3A_162 : memref<10240x64xf32, #tpu.memory_space<vmem_shared>>) offsets(%dma_start3A_159 : memref<128xi32, #tpu.memory_space<vmem>>) semaphore(%arg19 : memref<!tpu.dma_semaphore, #tpu.memory_space<semaphore_mem>>) {add = true}
    %dma_wait3A_163 = arith.constant 0 : i32
    %dma_wait3A_164 = arith.constant 76 : i32
    %dma_wait3A_165 = arith.constant 0 : i32
    %dma_wait3A_166 = arith.constant 0 : i32
    %dma_wait3A_167 = tpu.memref_slice %arg9[%dma_wait3A_163, %dma_wait3A_165, %dma_wait3A_166] : memref<4x128x64xf32, #tpu.memory_space<vmem>> -> memref<1x128x64xf32, #tpu.memory_space<vmem>>
    %dma_wait3A_168 = tpu.memref_squeeze %dma_wait3A_167 : memref<1x128x64xf32, #tpu.memory_space<vmem>> -> memref<128x64xf32, #tpu.memory_space<vmem>>
    %dma_wait3A_169 = arith.constant 0 : i32
    %dma_wait3A_170 = tpu.memref_slice %arg8[%dma_wait3A_164, %dma_wait3A_169] : memref<80x128xi32, #tpu.memory_space<vmem>> -> memref<1x128xi32, #tpu.memory_space<vmem>>
    %dma_wait3A_171 = tpu.memref_squeeze %dma_wait3A_170 : memref<1x128xi32, #tpu.memory_space<vmem>> -> memref<128xi32, #tpu.memory_space<vmem>>
    %dma_wait3A_172 = arith.constant 0 : i32
    %dma_wait3A_173 = arith.constant 0 : i32
    %dma_wait3A_174 = tpu.memref_slice %arg11[%dma_wait3A_172, %dma_wait3A_173] : memref<10240x64xf32, #tpu.memory_space<vmem_shared>> -> memref<10240x64xf32, #tpu.memory_space<vmem_shared>>
    tpu.wait_indirect_dma semaphore(%arg16 : memref<!tpu.dma_semaphore, #tpu.memory_space<semaphore_mem>>) src(%dma_wait3A_168 : memref<128x64xf32, #tpu.memory_space<vmem>>) dst(%dma_wait3A_174 : memref<10240x64xf32, #tpu.memory_space<vmem_shared>>)
    %dma_wait3A_175 = arith.constant 1 : i32
    %dma_wait3A_176 = arith.constant 77 : i32
    %dma_wait3A_177 = arith.constant 0 : i32
    %dma_wait3A_178 = arith.constant 0 : i32
    %dma_wait3A_179 = tpu.memref_slice %arg9[%dma_wait3A_175, %dma_wait3A_177, %dma_wait3A_178] : memref<4x128x64xf32, #tpu.memory_space<vmem>> -> memref<1x128x64xf32, #tpu.memory_space<vmem>>
    %dma_wait3A_180 = tpu.memref_squeeze %dma_wait3A_179 : memref<1x128x64xf32, #tpu.memory_space<vmem>> -> memref<128x64xf32, #tpu.memory_space<vmem>>
    %dma_wait3A_181 = arith.constant 0 : i32
    %dma_wait3A_182 = tpu.memref_slice %arg8[%dma_wait3A_176, %dma_wait3A_181] : memref<80x128xi32, #tpu.memory_space<vmem>> -> memref<1x128xi32, #tpu.memory_space<vmem>>
    %dma_wait3A_183 = tpu.memref_squeeze %dma_wait3A_182 : memref<1x128xi32, #tpu.memory_space<vmem>> -> memref<128xi32, #tpu.memory_space<vmem>>
    %dma_wait3A_184 = arith.constant 0 : i32
    %dma_wait3A_185 = arith.constant 0 : i32
    %dma_wait3A_186 = tpu.memref_slice %arg11[%dma_wait3A_184, %dma_wait3A_185] : memref<10240x64xf32, #tpu.memory_space<vmem_shared>> -> memref<10240x64xf32, #tpu.memory_space<vmem_shared>>
    tpu.wait_indirect_dma semaphore(%arg17 : memref<!tpu.dma_semaphore, #tpu.memory_space<semaphore_mem>>) src(%dma_wait3A_180 : memref<128x64xf32, #tpu.memory_space<vmem>>) dst(%dma_wait3A_186 : memref<10240x64xf32, #tpu.memory_space<vmem_shared>>)
    %dma_wait3A_187 = arith.constant 2 : i32
    %dma_wait3A_188 = arith.constant 78 : i32
    %dma_wait3A_189 = arith.constant 0 : i32
    %dma_wait3A_190 = arith.constant 0 : i32
    %dma_wait3A_191 = tpu.memref_slice %arg9[%dma_wait3A_187, %dma_wait3A_189, %dma_wait3A_190] : memref<4x128x64xf32, #tpu.memory_space<vmem>> -> memref<1x128x64xf32, #tpu.memory_space<vmem>>
    %dma_wait3A_192 = tpu.memref_squeeze %dma_wait3A_191 : memref<1x128x64xf32, #tpu.memory_space<vmem>> -> memref<128x64xf32, #tpu.memory_space<vmem>>
    %dma_wait3A_193 = arith.constant 0 : i32
    %dma_wait3A_194 = tpu.memref_slice %arg8[%dma_wait3A_188, %dma_wait3A_193] : memref<80x128xi32, #tpu.memory_space<vmem>> -> memref<1x128xi32, #tpu.memory_space<vmem>>
    %dma_wait3A_195 = tpu.memref_squeeze %dma_wait3A_194 : memref<1x128xi32, #tpu.memory_space<vmem>> -> memref<128xi32, #tpu.memory_space<vmem>>
    %dma_wait3A_196 = arith.constant 0 : i32
    %dma_wait3A_197 = arith.constant 0 : i32
    %dma_wait3A_198 = tpu.memref_slice %arg11[%dma_wait3A_196, %dma_wait3A_197] : memref<10240x64xf32, #tpu.memory_space<vmem_shared>> -> memref<10240x64xf32, #tpu.memory_space<vmem_shared>>
    tpu.wait_indirect_dma semaphore(%arg18 : memref<!tpu.dma_semaphore, #tpu.memory_space<semaphore_mem>>) src(%dma_wait3A_192 : memref<128x64xf32, #tpu.memory_space<vmem>>) dst(%dma_wait3A_198 : memref<10240x64xf32, #tpu.memory_space<vmem_shared>>)
    %dma_wait3A_199 = arith.constant 3 : i32
    %dma_wait3A_200 = arith.constant 79 : i32
    %dma_wait3A_201 = arith.constant 0 : i32
    %dma_wait3A_202 = arith.constant 0 : i32
    %dma_wait3A_203 = tpu.memref_slice %arg9[%dma_wait3A_199, %dma_wait3A_201, %dma_wait3A_202] : memref<4x128x64xf32, #tpu.memory_space<vmem>> -> memref<1x128x64xf32, #tpu.memory_space<vmem>>
    %dma_wait3A_204 = tpu.memref_squeeze %dma_wait3A_203 : memref<1x128x64xf32, #tpu.memory_space<vmem>> -> memref<128x64xf32, #tpu.memory_space<vmem>>
    %dma_wait3A_205 = arith.constant 0 : i32
    %dma_wait3A_206 = tpu.memref_slice %arg8[%dma_wait3A_200, %dma_wait3A_205] : memref<80x128xi32, #tpu.memory_space<vmem>> -> memref<1x128xi32, #tpu.memory_space<vmem>>
    %dma_wait3A_207 = tpu.memref_squeeze %dma_wait3A_206 : memref<1x128xi32, #tpu.memory_space<vmem>> -> memref<128xi32, #tpu.memory_space<vmem>>
    %dma_wait3A_208 = arith.constant 0 : i32
    %dma_wait3A_209 = arith.constant 0 : i32
    %dma_wait3A_210 = tpu.memref_slice %arg11[%dma_wait3A_208, %dma_wait3A_209] : memref<10240x64xf32, #tpu.memory_space<vmem_shared>> -> memref<10240x64xf32, #tpu.memory_space<vmem_shared>>
    tpu.wait_indirect_dma semaphore(%arg19 : memref<!tpu.dma_semaphore, #tpu.memory_space<semaphore_mem>>) src(%dma_wait3A_204 : memref<128x64xf32, #tpu.memory_space<vmem>>) dst(%dma_wait3A_210 : memref<10240x64xf32, #tpu.memory_space<vmem_shared>>)
    %barrier3A_211 = arith.constant 0 : index
    tpu.barrier barrier_id(%barrier3A_211)
    %add3A_212 = arith.constant 0 : i32
    %add3A_213 = arith.addi %mul3A_0, %add3A_212 : i32
    %run_scoped3A_214 = arith.constant 0 : i32
    "tpu.region"() ({
      %run_scoped3A_397 = tpu.sem_alloc : memref<!tpu.dma_semaphore, #tpu.memory_space<semaphore_mem>>
      %dma_start3A_398 = arith.constant 0 : i32
      %dma_start3A_399 = arith.constant 0 : i32
      %dma_start3A_400 = tpu.memref_slice %arg9[%run_scoped3A_214, %dma_start3A_398, %dma_start3A_399] : memref<4x128x64xf32, #tpu.memory_space<vmem>> -> memref<1x128x64xf32, #tpu.memory_space<vmem>>
      %dma_start3A_401 = tpu.memref_squeeze %dma_start3A_400 : memref<1x128x64xf32, #tpu.memory_space<vmem>> -> memref<128x64xf32, #tpu.memory_space<vmem>>
      %dma_start3A_402 = arith.constant 0 : i32
      %dma_start3A_403 = tpu.memref_slice %arg11[%add3A_213, %dma_start3A_402] : memref<10240x64xf32, #tpu.memory_space<vmem_shared>> -> memref<128x64xf32, #tpu.memory_space<vmem_shared>>
      %dma_start3A_404 = arith.constant 0 : i32
      %dma_start3A_405 = arith.constant 0 : i32
      %dma_start3A_406 = tpu.memref_slice %arg9[%run_scoped3A_214, %dma_start3A_404, %dma_start3A_405] : memref<4x128x64xf32, #tpu.memory_space<vmem>> -> memref<1x128x64xf32, #tpu.memory_space<vmem>>
      %dma_start3A_407 = tpu.memref_squeeze %dma_start3A_406 : memref<1x128x64xf32, #tpu.memory_space<vmem>> -> memref<128x64xf32, #tpu.memory_space<vmem>>
      %dma_start3A_408 = arith.constant 0 : i32
      %dma_start3A_409 = tpu.memref_slice %arg11[%add3A_213, %dma_start3A_408] : memref<10240x64xf32, #tpu.memory_space<vmem_shared>> -> memref<128x64xf32, #tpu.memory_space<vmem_shared>>
      tpu.enqueue_dma source(%dma_start3A_409 : memref<128x64xf32, #tpu.memory_space<vmem_shared>>) target(%dma_start3A_407 : memref<128x64xf32, #tpu.memory_space<vmem>>) target_semaphore(%run_scoped3A_397 : memref<!tpu.dma_semaphore, #tpu.memory_space<semaphore_mem>>)
      %dma_wait3A_410 = arith.constant 0 : i32
      %dma_wait3A_411 = arith.constant 0 : i32
      %dma_wait3A_412 = tpu.memref_slice %arg9[%run_scoped3A_214, %dma_wait3A_410, %dma_wait3A_411] : memref<4x128x64xf32, #tpu.memory_space<vmem>> -> memref<1x128x64xf32, #tpu.memory_space<vmem>>
      %dma_wait3A_413 = tpu.memref_squeeze %dma_wait3A_412 : memref<1x128x64xf32, #tpu.memory_space<vmem>> -> memref<128x64xf32, #tpu.memory_space<vmem>>
      %dma_wait3A_414 = arith.constant 0 : i32
      %dma_wait3A_415 = tpu.memref_slice %arg11[%add3A_213, %dma_wait3A_414] : memref<10240x64xf32, #tpu.memory_space<vmem_shared>> -> memref<128x64xf32, #tpu.memory_space<vmem_shared>>
      %dma_wait3A_416 = arith.constant 0 : i32
      %dma_wait3A_417 = arith.constant 0 : i32
      %dma_wait3A_418 = tpu.memref_slice %arg9[%run_scoped3A_214, %dma_wait3A_416, %dma_wait3A_417] : memref<4x128x64xf32, #tpu.memory_space<vmem>> -> memref<1x128x64xf32, #tpu.memory_space<vmem>>
      %dma_wait3A_419 = tpu.memref_squeeze %dma_wait3A_418 : memref<1x128x64xf32, #tpu.memory_space<vmem>> -> memref<128x64xf32, #tpu.memory_space<vmem>>
      %dma_wait3A_420 = arith.constant 0 : i32
      %dma_wait3A_421 = tpu.memref_slice %arg11[%add3A_213, %dma_wait3A_420] : memref<10240x64xf32, #tpu.memory_space<vmem_shared>> -> memref<128x64xf32, #tpu.memory_space<vmem_shared>>
      tpu.wait_dma2 semaphore(%run_scoped3A_397 : memref<!tpu.dma_semaphore, #tpu.memory_space<semaphore_mem>>) src(%dma_wait3A_421 : memref<128x64xf32, #tpu.memory_space<vmem_shared>>) dst(%dma_wait3A_419 : memref<128x64xf32, #tpu.memory_space<vmem>>)
      tpu.yield
    }) : () -> ()
    %add3A_215 = arith.constant 0 : i32
    %add3A_216 = arith.addi %mul3A_0, %add3A_215 : i32
    %dma_start3A_217 = arith.constant 0 : i32
    %dma_start3A_218 = arith.constant 0 : i32
    %dma_start3A_219 = arith.constant 0 : i32
    %dma_start3A_220 = tpu.memref_slice %arg9[%dma_start3A_217, %dma_start3A_218, %dma_start3A_219] : memref<4x128x64xf32, #tpu.memory_space<vmem>> -> memref<1x128x64xf32, #tpu.memory_space<vmem>>
    %dma_start3A_221 = tpu.memref_squeeze %dma_start3A_220 : memref<1x128x64xf32, #tpu.memory_space<vmem>> -> memref<128x64xf32, #tpu.memory_space<vmem>>
    %dma_start3A_222 = arith.constant 0 : i32
    %dma_start3A_223 = tpu.memref_slice %arg6[%arg0, %add3A_216, %dma_start3A_222] : memref<2x10240x64xf32, #tpu.memory_space<hbm>> -> memref<1x128x64xf32, #tpu.memory_space<hbm>>
    %dma_start3A_224 = tpu.memref_squeeze %dma_start3A_223 : memref<1x128x64xf32, #tpu.memory_space<hbm>> -> memref<128x64xf32, #tpu.memory_space<hbm>>
    %dma_start3A_225 = arith.constant 0 : i32
    %dma_start3A_226 = tpu.memref_slice %arg6[%arg0, %add3A_216, %dma_start3A_225] : memref<2x10240x64xf32, #tpu.memory_space<hbm>> -> memref<1x128x64xf32, #tpu.memory_space<hbm>>
    %dma_start3A_227 = tpu.memref_squeeze %dma_start3A_226 : memref<1x128x64xf32, #tpu.memory_space<hbm>> -> memref<128x64xf32, #tpu.memory_space<hbm>>
    %dma_start3A_228 = arith.constant 0 : i32
    %dma_start3A_229 = arith.constant 0 : i32
    %dma_start3A_230 = tpu.memref_slice %arg9[%dma_start3A_217, %dma_start3A_228, %dma_start3A_229] : memref<4x128x64xf32, #tpu.memory_space<vmem>> -> memref<1x128x64xf32, #tpu.memory_space<vmem>>
    %dma_start3A_231 = tpu.memref_squeeze %dma_start3A_230 : memref<1x128x64xf32, #tpu.memory_space<vmem>> -> memref<128x64xf32, #tpu.memory_space<vmem>>
    tpu.enqueue_dma source(%dma_start3A_231 : memref<128x64xf32, #tpu.memory_space<vmem>>) target(%dma_start3A_227 : memref<128x64xf32, #tpu.memory_space<hbm>>) target_semaphore(%arg16 : memref<!tpu.dma_semaphore, #tpu.memory_space<semaphore_mem>>)
    %add3A_232 = arith.constant 128 : i32
    %add3A_233 = arith.addi %mul3A_0, %add3A_232 : i32
    %run_scoped3A_234 = arith.constant 1 : i32
    "tpu.region"() ({
      %run_scoped3A_397 = tpu.sem_alloc : memref<!tpu.dma_semaphore, #tpu.memory_space<semaphore_mem>>
      %dma_start3A_398 = arith.constant 0 : i32
      %dma_start3A_399 = arith.constant 0 : i32
      %dma_start3A_400 = tpu.memref_slice %arg9[%run_scoped3A_234, %dma_start3A_398, %dma_start3A_399] : memref<4x128x64xf32, #tpu.memory_space<vmem>> -> memref<1x128x64xf32, #tpu.memory_space<vmem>>
      %dma_start3A_401 = tpu.memref_squeeze %dma_start3A_400 : memref<1x128x64xf32, #tpu.memory_space<vmem>> -> memref<128x64xf32, #tpu.memory_space<vmem>>
      %dma_start3A_402 = arith.constant 0 : i32
      %dma_start3A_403 = tpu.memref_slice %arg11[%add3A_233, %dma_start3A_402] : memref<10240x64xf32, #tpu.memory_space<vmem_shared>> -> memref<128x64xf32, #tpu.memory_space<vmem_shared>>
      %dma_start3A_404 = arith.constant 0 : i32
      %dma_start3A_405 = arith.constant 0 : i32
      %dma_start3A_406 = tpu.memref_slice %arg9[%run_scoped3A_234, %dma_start3A_404, %dma_start3A_405] : memref<4x128x64xf32, #tpu.memory_space<vmem>> -> memref<1x128x64xf32, #tpu.memory_space<vmem>>
      %dma_start3A_407 = tpu.memref_squeeze %dma_start3A_406 : memref<1x128x64xf32, #tpu.memory_space<vmem>> -> memref<128x64xf32, #tpu.memory_space<vmem>>
      %dma_start3A_408 = arith.constant 0 : i32
      %dma_start3A_409 = tpu.memref_slice %arg11[%add3A_233, %dma_start3A_408] : memref<10240x64xf32, #tpu.memory_space<vmem_shared>> -> memref<128x64xf32, #tpu.memory_space<vmem_shared>>
      tpu.enqueue_dma source(%dma_start3A_409 : memref<128x64xf32, #tpu.memory_space<vmem_shared>>) target(%dma_start3A_407 : memref<128x64xf32, #tpu.memory_space<vmem>>) target_semaphore(%run_scoped3A_397 : memref<!tpu.dma_semaphore, #tpu.memory_space<semaphore_mem>>)
      %dma_wait3A_410 = arith.constant 0 : i32
      %dma_wait3A_411 = arith.constant 0 : i32
      %dma_wait3A_412 = tpu.memref_slice %arg9[%run_scoped3A_234, %dma_wait3A_410, %dma_wait3A_411] : memref<4x128x64xf32, #tpu.memory_space<vmem>> -> memref<1x128x64xf32, #tpu.memory_space<vmem>>
      %dma_wait3A_413 = tpu.memref_squeeze %dma_wait3A_412 : memref<1x128x64xf32, #tpu.memory_space<vmem>> -> memref<128x64xf32, #tpu.memory_space<vmem>>
      %dma_wait3A_414 = arith.constant 0 : i32
      %dma_wait3A_415 = tpu.memref_slice %arg11[%add3A_233, %dma_wait3A_414] : memref<10240x64xf32, #tpu.memory_space<vmem_shared>> -> memref<128x64xf32, #tpu.memory_space<vmem_shared>>
      %dma_wait3A_416 = arith.constant 0 : i32
      %dma_wait3A_417 = arith.constant 0 : i32
      %dma_wait3A_418 = tpu.memref_slice %arg9[%run_scoped3A_234, %dma_wait3A_416, %dma_wait3A_417] : memref<4x128x64xf32, #tpu.memory_space<vmem>> -> memref<1x128x64xf32, #tpu.memory_space<vmem>>
      %dma_wait3A_419 = tpu.memref_squeeze %dma_wait3A_418 : memref<1x128x64xf32, #tpu.memory_space<vmem>> -> memref<128x64xf32, #tpu.memory_space<vmem>>
      %dma_wait3A_420 = arith.constant 0 : i32
      %dma_wait3A_421 = tpu.memref_slice %arg11[%add3A_233, %dma_wait3A_420] : memref<10240x64xf32, #tpu.memory_space<vmem_shared>> -> memref<128x64xf32, #tpu.memory_space<vmem_shared>>
      tpu.wait_dma2 semaphore(%run_scoped3A_397 : memref<!tpu.dma_semaphore, #tpu.memory_space<semaphore_mem>>) src(%dma_wait3A_421 : memref<128x64xf32, #tpu.memory_space<vmem_shared>>) dst(%dma_wait3A_419 : memref<128x64xf32, #tpu.memory_space<vmem>>)
      tpu.yield
    }) : () -> ()
    %add3A_235 = arith.constant 128 : i32
    %add3A_236 = arith.addi %mul3A_0, %add3A_235 : i32
    %dma_start3A_237 = arith.constant 1 : i32
    %dma_start3A_238 = arith.constant 0 : i32
    %dma_start3A_239 = arith.constant 0 : i32
    %dma_start3A_240 = tpu.memref_slice %arg9[%dma_start3A_237, %dma_start3A_238, %dma_start3A_239] : memref<4x128x64xf32, #tpu.memory_space<vmem>> -> memref<1x128x64xf32, #tpu.memory_space<vmem>>
    %dma_start3A_241 = tpu.memref_squeeze %dma_start3A_240 : memref<1x128x64xf32, #tpu.memory_space<vmem>> -> memref<128x64xf32, #tpu.memory_space<vmem>>
    %dma_start3A_242 = arith.constant 0 : i32
    %dma_start3A_243 = tpu.memref_slice %arg6[%arg0, %add3A_236, %dma_start3A_242] : memref<2x10240x64xf32, #tpu.memory_space<hbm>> -> memref<1x128x64xf32, #tpu.memory_space<hbm>>
    %dma_start3A_244 = tpu.memref_squeeze %dma_start3A_243 : memref<1x128x64xf32, #tpu.memory_space<hbm>> -> memref<128x64xf32, #tpu.memory_space<hbm>>
    %dma_start3A_245 = arith.constant 0 : i32
    %dma_start3A_246 = tpu.memref_slice %arg6[%arg0, %add3A_236, %dma_start3A_245] : memref<2x10240x64xf32, #tpu.memory_space<hbm>> -> memref<1x128x64xf32, #tpu.memory_space<hbm>>
    %dma_start3A_247 = tpu.memref_squeeze %dma_start3A_246 : memref<1x128x64xf32, #tpu.memory_space<hbm>> -> memref<128x64xf32, #tpu.memory_space<hbm>>
    %dma_start3A_248 = arith.constant 0 : i32
    %dma_start3A_249 = arith.constant 0 : i32
    %dma_start3A_250 = tpu.memref_slice %arg9[%dma_start3A_237, %dma_start3A_248, %dma_start3A_249] : memref<4x128x64xf32, #tpu.memory_space<vmem>> -> memref<1x128x64xf32, #tpu.memory_space<vmem>>
    %dma_start3A_251 = tpu.memref_squeeze %dma_start3A_250 : memref<1x128x64xf32, #tpu.memory_space<vmem>> -> memref<128x64xf32, #tpu.memory_space<vmem>>
    tpu.enqueue_dma source(%dma_start3A_251 : memref<128x64xf32, #tpu.memory_space<vmem>>) target(%dma_start3A_247 : memref<128x64xf32, #tpu.memory_space<hbm>>) target_semaphore(%arg17 : memref<!tpu.dma_semaphore, #tpu.memory_space<semaphore_mem>>)
    %add3A_252 = arith.constant 256 : i32
    %add3A_253 = arith.addi %mul3A_0, %add3A_252 : i32
    %run_scoped3A_254 = arith.constant 2 : i32
    "tpu.region"() ({
      %run_scoped3A_397 = tpu.sem_alloc : memref<!tpu.dma_semaphore, #tpu.memory_space<semaphore_mem>>
      %dma_start3A_398 = arith.constant 0 : i32
      %dma_start3A_399 = arith.constant 0 : i32
      %dma_start3A_400 = tpu.memref_slice %arg9[%run_scoped3A_254, %dma_start3A_398, %dma_start3A_399] : memref<4x128x64xf32, #tpu.memory_space<vmem>> -> memref<1x128x64xf32, #tpu.memory_space<vmem>>
      %dma_start3A_401 = tpu.memref_squeeze %dma_start3A_400 : memref<1x128x64xf32, #tpu.memory_space<vmem>> -> memref<128x64xf32, #tpu.memory_space<vmem>>
      %dma_start3A_402 = arith.constant 0 : i32
      %dma_start3A_403 = tpu.memref_slice %arg11[%add3A_253, %dma_start3A_402] : memref<10240x64xf32, #tpu.memory_space<vmem_shared>> -> memref<128x64xf32, #tpu.memory_space<vmem_shared>>
      %dma_start3A_404 = arith.constant 0 : i32
      %dma_start3A_405 = arith.constant 0 : i32
      %dma_start3A_406 = tpu.memref_slice %arg9[%run_scoped3A_254, %dma_start3A_404, %dma_start3A_405] : memref<4x128x64xf32, #tpu.memory_space<vmem>> -> memref<1x128x64xf32, #tpu.memory_space<vmem>>
      %dma_start3A_407 = tpu.memref_squeeze %dma_start3A_406 : memref<1x128x64xf32, #tpu.memory_space<vmem>> -> memref<128x64xf32, #tpu.memory_space<vmem>>
      %dma_start3A_408 = arith.constant 0 : i32
      %dma_start3A_409 = tpu.memref_slice %arg11[%add3A_253, %dma_start3A_408] : memref<10240x64xf32, #tpu.memory_space<vmem_shared>> -> memref<128x64xf32, #tpu.memory_space<vmem_shared>>
      tpu.enqueue_dma source(%dma_start3A_409 : memref<128x64xf32, #tpu.memory_space<vmem_shared>>) target(%dma_start3A_407 : memref<128x64xf32, #tpu.memory_space<vmem>>) target_semaphore(%run_scoped3A_397 : memref<!tpu.dma_semaphore, #tpu.memory_space<semaphore_mem>>)
      %dma_wait3A_410 = arith.constant 0 : i32
      %dma_wait3A_411 = arith.constant 0 : i32
      %dma_wait3A_412 = tpu.memref_slice %arg9[%run_scoped3A_254, %dma_wait3A_410, %dma_wait3A_411] : memref<4x128x64xf32, #tpu.memory_space<vmem>> -> memref<1x128x64xf32, #tpu.memory_space<vmem>>
      %dma_wait3A_413 = tpu.memref_squeeze %dma_wait3A_412 : memref<1x128x64xf32, #tpu.memory_space<vmem>> -> memref<128x64xf32, #tpu.memory_space<vmem>>
      %dma_wait3A_414 = arith.constant 0 : i32
      %dma_wait3A_415 = tpu.memref_slice %arg11[%add3A_253, %dma_wait3A_414] : memref<10240x64xf32, #tpu.memory_space<vmem_shared>> -> memref<128x64xf32, #tpu.memory_space<vmem_shared>>
      %dma_wait3A_416 = arith.constant 0 : i32
      %dma_wait3A_417 = arith.constant 0 : i32
      %dma_wait3A_418 = tpu.memref_slice %arg9[%run_scoped3A_254, %dma_wait3A_416, %dma_wait3A_417] : memref<4x128x64xf32, #tpu.memory_space<vmem>> -> memref<1x128x64xf32, #tpu.memory_space<vmem>>
      %dma_wait3A_419 = tpu.memref_squeeze %dma_wait3A_418 : memref<1x128x64xf32, #tpu.memory_space<vmem>> -> memref<128x64xf32, #tpu.memory_space<vmem>>
      %dma_wait3A_420 = arith.constant 0 : i32
      %dma_wait3A_421 = tpu.memref_slice %arg11[%add3A_253, %dma_wait3A_420] : memref<10240x64xf32, #tpu.memory_space<vmem_shared>> -> memref<128x64xf32, #tpu.memory_space<vmem_shared>>
      tpu.wait_dma2 semaphore(%run_scoped3A_397 : memref<!tpu.dma_semaphore, #tpu.memory_space<semaphore_mem>>) src(%dma_wait3A_421 : memref<128x64xf32, #tpu.memory_space<vmem_shared>>) dst(%dma_wait3A_419 : memref<128x64xf32, #tpu.memory_space<vmem>>)
      tpu.yield
    }) : () -> ()
    %add3A_255 = arith.constant 256 : i32
    %add3A_256 = arith.addi %mul3A_0, %add3A_255 : i32
    %dma_start3A_257 = arith.constant 2 : i32
    %dma_start3A_258 = arith.constant 0 : i32
    %dma_start3A_259 = arith.constant 0 : i32
    %dma_start3A_260 = tpu.memref_slice %arg9[%dma_start3A_257, %dma_start3A_258, %dma_start3A_259] : memref<4x128x64xf32, #tpu.memory_space<vmem>> -> memref<1x128x64xf32, #tpu.memory_space<vmem>>
    %dma_start3A_261 = tpu.memref_squeeze %dma_start3A_260 : memref<1x128x64xf32, #tpu.memory_space<vmem>> -> memref<128x64xf32, #tpu.memory_space<vmem>>
    %dma_start3A_262 = arith.constant 0 : i32
    %dma_start3A_263 = tpu.memref_slice %arg6[%arg0, %add3A_256, %dma_start3A_262] : memref<2x10240x64xf32, #tpu.memory_space<hbm>> -> memref<1x128x64xf32, #tpu.memory_space<hbm>>
    %dma_start3A_264 = tpu.memref_squeeze %dma_start3A_263 : memref<1x128x64xf32, #tpu.memory_space<hbm>> -> memref<128x64xf32, #tpu.memory_space<hbm>>
    %dma_start3A_265 = arith.constant 0 : i32
    %dma_start3A_266 = tpu.memref_slice %arg6[%arg0, %add3A_256, %dma_start3A_265] : memref<2x10240x64xf32, #tpu.memory_space<hbm>> -> memref<1x128x64xf32, #tpu.memory_space<hbm>>
    %dma_start3A_267 = tpu.memref_squeeze %dma_start3A_266 : memref<1x128x64xf32, #tpu.memory_space<hbm>> -> memref<128x64xf32, #tpu.memory_space<hbm>>
    %dma_start3A_268 = arith.constant 0 : i32
    %dma_start3A_269 = arith.constant 0 : i32
    %dma_start3A_270 = tpu.memref_slice %arg9[%dma_start3A_257, %dma_start3A_268, %dma_start3A_269] : memref<4x128x64xf32, #tpu.memory_space<vmem>> -> memref<1x128x64xf32, #tpu.memory_space<vmem>>
    %dma_start3A_271 = tpu.memref_squeeze %dma_start3A_270 : memref<1x128x64xf32, #tpu.memory_space<vmem>> -> memref<128x64xf32, #tpu.memory_space<vmem>>
    tpu.enqueue_dma source(%dma_start3A_271 : memref<128x64xf32, #tpu.memory_space<vmem>>) target(%dma_start3A_267 : memref<128x64xf32, #tpu.memory_space<hbm>>) target_semaphore(%arg18 : memref<!tpu.dma_semaphore, #tpu.memory_space<semaphore_mem>>)
    %add3A_272 = arith.constant 384 : i32
    %add3A_273 = arith.addi %mul3A_0, %add3A_272 : i32
    %run_scoped3A_274 = arith.constant 3 : i32
    "tpu.region"() ({
      %run_scoped3A_397 = tpu.sem_alloc : memref<!tpu.dma_semaphore, #tpu.memory_space<semaphore_mem>>
      %dma_start3A_398 = arith.constant 0 : i32
      %dma_start3A_399 = arith.constant 0 : i32
      %dma_start3A_400 = tpu.memref_slice %arg9[%run_scoped3A_274, %dma_start3A_398, %dma_start3A_399] : memref<4x128x64xf32, #tpu.memory_space<vmem>> -> memref<1x128x64xf32, #tpu.memory_space<vmem>>
      %dma_start3A_401 = tpu.memref_squeeze %dma_start3A_400 : memref<1x128x64xf32, #tpu.memory_space<vmem>> -> memref<128x64xf32, #tpu.memory_space<vmem>>
      %dma_start3A_402 = arith.constant 0 : i32
      %dma_start3A_403 = tpu.memref_slice %arg11[%add3A_273, %dma_start3A_402] : memref<10240x64xf32, #tpu.memory_space<vmem_shared>> -> memref<128x64xf32, #tpu.memory_space<vmem_shared>>
      %dma_start3A_404 = arith.constant 0 : i32
      %dma_start3A_405 = arith.constant 0 : i32
      %dma_start3A_406 = tpu.memref_slice %arg9[%run_scoped3A_274, %dma_start3A_404, %dma_start3A_405] : memref<4x128x64xf32, #tpu.memory_space<vmem>> -> memref<1x128x64xf32, #tpu.memory_space<vmem>>
      %dma_start3A_407 = tpu.memref_squeeze %dma_start3A_406 : memref<1x128x64xf32, #tpu.memory_space<vmem>> -> memref<128x64xf32, #tpu.memory_space<vmem>>
      %dma_start3A_408 = arith.constant 0 : i32
      %dma_start3A_409 = tpu.memref_slice %arg11[%add3A_273, %dma_start3A_408] : memref<10240x64xf32, #tpu.memory_space<vmem_shared>> -> memref<128x64xf32, #tpu.memory_space<vmem_shared>>
      tpu.enqueue_dma source(%dma_start3A_409 : memref<128x64xf32, #tpu.memory_space<vmem_shared>>) target(%dma_start3A_407 : memref<128x64xf32, #tpu.memory_space<vmem>>) target_semaphore(%run_scoped3A_397 : memref<!tpu.dma_semaphore, #tpu.memory_space<semaphore_mem>>)
      %dma_wait3A_410 = arith.constant 0 : i32
      %dma_wait3A_411 = arith.constant 0 : i32
      %dma_wait3A_412 = tpu.memref_slice %arg9[%run_scoped3A_274, %dma_wait3A_410, %dma_wait3A_411] : memref<4x128x64xf32, #tpu.memory_space<vmem>> -> memref<1x128x64xf32, #tpu.memory_space<vmem>>
      %dma_wait3A_413 = tpu.memref_squeeze %dma_wait3A_412 : memref<1x128x64xf32, #tpu.memory_space<vmem>> -> memref<128x64xf32, #tpu.memory_space<vmem>>
      %dma_wait3A_414 = arith.constant 0 : i32
      %dma_wait3A_415 = tpu.memref_slice %arg11[%add3A_273, %dma_wait3A_414] : memref<10240x64xf32, #tpu.memory_space<vmem_shared>> -> memref<128x64xf32, #tpu.memory_space<vmem_shared>>
      %dma_wait3A_416 = arith.constant 0 : i32
      %dma_wait3A_417 = arith.constant 0 : i32
      %dma_wait3A_418 = tpu.memref_slice %arg9[%run_scoped3A_274, %dma_wait3A_416, %dma_wait3A_417] : memref<4x128x64xf32, #tpu.memory_space<vmem>> -> memref<1x128x64xf32, #tpu.memory_space<vmem>>
      %dma_wait3A_419 = tpu.memref_squeeze %dma_wait3A_418 : memref<1x128x64xf32, #tpu.memory_space<vmem>> -> memref<128x64xf32, #tpu.memory_space<vmem>>
      %dma_wait3A_420 = arith.constant 0 : i32
      %dma_wait3A_421 = tpu.memref_slice %arg11[%add3A_273, %dma_wait3A_420] : memref<10240x64xf32, #tpu.memory_space<vmem_shared>> -> memref<128x64xf32, #tpu.memory_space<vmem_shared>>
      tpu.wait_dma2 semaphore(%run_scoped3A_397 : memref<!tpu.dma_semaphore, #tpu.memory_space<semaphore_mem>>) src(%dma_wait3A_421 : memref<128x64xf32, #tpu.memory_space<vmem_shared>>) dst(%dma_wait3A_419 : memref<128x64xf32, #tpu.memory_space<vmem>>)
      tpu.yield
    }) : () -> ()
    %add3A_275 = arith.constant 384 : i32
    %add3A_276 = arith.addi %mul3A_0, %add3A_275 : i32
    %dma_start3A_277 = arith.constant 3 : i32
    %dma_start3A_278 = arith.constant 0 : i32
    %dma_start3A_279 = arith.constant 0 : i32
    %dma_start3A_280 = tpu.memref_slice %arg9[%dma_start3A_277, %dma_start3A_278, %dma_start3A_279] : memref<4x128x64xf32, #tpu.memory_space<vmem>> -> memref<1x128x64xf32, #tpu.memory_space<vmem>>
    %dma_start3A_281 = tpu.memref_squeeze %dma_start3A_280 : memref<1x128x64xf32, #tpu.memory_space<vmem>> -> memref<128x64xf32, #tpu.memory_space<vmem>>
    %dma_start3A_282 = arith.constant 0 : i32
    %dma_start3A_283 = tpu.memref_slice %arg6[%arg0, %add3A_276, %dma_start3A_282] : memref<2x10240x64xf32, #tpu.memory_space<hbm>> -> memref<1x128x64xf32, #tpu.memory_space<hbm>>
    %dma_start3A_284 = tpu.memref_squeeze %dma_start3A_283 : memref<1x128x64xf32, #tpu.memory_space<hbm>> -> memref<128x64xf32, #tpu.memory_space<hbm>>
    %dma_start3A_285 = arith.constant 0 : i32
    %dma_start3A_286 = tpu.memref_slice %arg6[%arg0, %add3A_276, %dma_start3A_285] : memref<2x10240x64xf32, #tpu.memory_space<hbm>> -> memref<1x128x64xf32, #tpu.memory_space<hbm>>
    %dma_start3A_287 = tpu.memref_squeeze %dma_start3A_286 : memref<1x128x64xf32, #tpu.memory_space<hbm>> -> memref<128x64xf32, #tpu.memory_space<hbm>>
    %dma_start3A_288 = arith.constant 0 : i32
    %dma_start3A_289 = arith.constant 0 : i32
    %dma_start3A_290 = tpu.memref_slice %arg9[%dma_start3A_277, %dma_start3A_288, %dma_start3A_289] : memref<4x128x64xf32, #tpu.memory_space<vmem>> -> memref<1x128x64xf32, #tpu.memory_space<vmem>>
    %dma_start3A_291 = tpu.memref_squeeze %dma_start3A_290 : memref<1x128x64xf32, #tpu.memory_space<vmem>> -> memref<128x64xf32, #tpu.memory_space<vmem>>
    tpu.enqueue_dma source(%dma_start3A_291 : memref<128x64xf32, #tpu.memory_space<vmem>>) target(%dma_start3A_287 : memref<128x64xf32, #tpu.memory_space<hbm>>) target_semaphore(%arg19 : memref<!tpu.dma_semaphore, #tpu.memory_space<semaphore_mem>>)
    %add3A_292 = arith.constant 0 : i32
    %add3A_293 = arith.addi %mul3A_0, %add3A_292 : i32
    %dma_wait3A_294 = arith.constant 0 : i32
    %dma_wait3A_295 = arith.constant 0 : i32
    %dma_wait3A_296 = arith.constant 0 : i32
    %dma_wait3A_297 = tpu.memref_slice %arg9[%dma_wait3A_294, %dma_wait3A_295, %dma_wait3A_296] : memref<4x128x64xf32, #tpu.memory_space<vmem>> -> memref<1x128x64xf32, #tpu.memory_space<vmem>>
    %dma_wait3A_298 = tpu.memref_squeeze %dma_wait3A_297 : memref<1x128x64xf32, #tpu.memory_space<vmem>> -> memref<128x64xf32, #tpu.memory_space<vmem>>
    %dma_wait3A_299 = arith.constant 0 : i32
    %dma_wait3A_300 = tpu.memref_slice %arg6[%arg0, %add3A_293, %dma_wait3A_299] : memref<2x10240x64xf32, #tpu.memory_space<hbm>> -> memref<1x128x64xf32, #tpu.memory_space<hbm>>
    %dma_wait3A_301 = tpu.memref_squeeze %dma_wait3A_300 : memref<1x128x64xf32, #tpu.memory_space<hbm>> -> memref<128x64xf32, #tpu.memory_space<hbm>>
    %dma_wait3A_302 = arith.constant 0 : i32
    %dma_wait3A_303 = tpu.memref_slice %arg6[%arg0, %add3A_293, %dma_wait3A_302] : memref<2x10240x64xf32, #tpu.memory_space<hbm>> -> memref<1x128x64xf32, #tpu.memory_space<hbm>>
    %dma_wait3A_304 = tpu.memref_squeeze %dma_wait3A_303 : memref<1x128x64xf32, #tpu.memory_space<hbm>> -> memref<128x64xf32, #tpu.memory_space<hbm>>
    %dma_wait3A_305 = arith.constant 0 : i32
    %dma_wait3A_306 = arith.constant 0 : i32
    %dma_wait3A_307 = tpu.memref_slice %arg9[%dma_wait3A_294, %dma_wait3A_305, %dma_wait3A_306] : memref<4x128x64xf32, #tpu.memory_space<vmem>> -> memref<1x128x64xf32, #tpu.memory_space<vmem>>
    %dma_wait3A_308 = tpu.memref_squeeze %dma_wait3A_307 : memref<1x128x64xf32, #tpu.memory_space<vmem>> -> memref<128x64xf32, #tpu.memory_space<vmem>>
    tpu.wait_dma2 semaphore(%arg16 : memref<!tpu.dma_semaphore, #tpu.memory_space<semaphore_mem>>) src(%dma_wait3A_308 : memref<128x64xf32, #tpu.memory_space<vmem>>) dst(%dma_wait3A_304 : memref<128x64xf32, #tpu.memory_space<hbm>>)
    %add3A_309 = arith.constant 512 : i32
    %add3A_310 = arith.addi %mul3A_0, %add3A_309 : i32
    %run_scoped3A_311 = arith.constant 0 : i32
    "tpu.region"() ({
      %run_scoped3A_397 = tpu.sem_alloc : memref<!tpu.dma_semaphore, #tpu.memory_space<semaphore_mem>>
      %dma_start3A_398 = arith.constant 0 : i32
      %dma_start3A_399 = arith.constant 0 : i32
      %dma_start3A_400 = tpu.memref_slice %arg9[%run_scoped3A_311, %dma_start3A_398, %dma_start3A_399] : memref<4x128x64xf32, #tpu.memory_space<vmem>> -> memref<1x128x64xf32, #tpu.memory_space<vmem>>
      %dma_start3A_401 = tpu.memref_squeeze %dma_start3A_400 : memref<1x128x64xf32, #tpu.memory_space<vmem>> -> memref<128x64xf32, #tpu.memory_space<vmem>>
      %dma_start3A_402 = arith.constant 0 : i32
      %dma_start3A_403 = tpu.memref_slice %arg11[%add3A_310, %dma_start3A_402] : memref<10240x64xf32, #tpu.memory_space<vmem_shared>> -> memref<128x64xf32, #tpu.memory_space<vmem_shared>>
      %dma_start3A_404 = arith.constant 0 : i32
      %dma_start3A_405 = arith.constant 0 : i32
      %dma_start3A_406 = tpu.memref_slice %arg9[%run_scoped3A_311, %dma_start3A_404, %dma_start3A_405] : memref<4x128x64xf32, #tpu.memory_space<vmem>> -> memref<1x128x64xf32, #tpu.memory_space<vmem>>
      %dma_start3A_407 = tpu.memref_squeeze %dma_start3A_406 : memref<1x128x64xf32, #tpu.memory_space<vmem>> -> memref<128x64xf32, #tpu.memory_space<vmem>>
      %dma_start3A_408 = arith.constant 0 : i32
      %dma_start3A_409 = tpu.memref_slice %arg11[%add3A_310, %dma_start3A_408] : memref<10240x64xf32, #tpu.memory_space<vmem_shared>> -> memref<128x64xf32, #tpu.memory_space<vmem_shared>>
      tpu.enqueue_dma source(%dma_start3A_409 : memref<128x64xf32, #tpu.memory_space<vmem_shared>>) target(%dma_start3A_407 : memref<128x64xf32, #tpu.memory_space<vmem>>) target_semaphore(%run_scoped3A_397 : memref<!tpu.dma_semaphore, #tpu.memory_space<semaphore_mem>>)
      %dma_wait3A_410 = arith.constant 0 : i32
      %dma_wait3A_411 = arith.constant 0 : i32
      %dma_wait3A_412 = tpu.memref_slice %arg9[%run_scoped3A_311, %dma_wait3A_410, %dma_wait3A_411] : memref<4x128x64xf32, #tpu.memory_space<vmem>> -> memref<1x128x64xf32, #tpu.memory_space<vmem>>
      %dma_wait3A_413 = tpu.memref_squeeze %dma_wait3A_412 : memref<1x128x64xf32, #tpu.memory_space<vmem>> -> memref<128x64xf32, #tpu.memory_space<vmem>>
      %dma_wait3A_414 = arith.constant 0 : i32
      %dma_wait3A_415 = tpu.memref_slice %arg11[%add3A_310, %dma_wait3A_414] : memref<10240x64xf32, #tpu.memory_space<vmem_shared>> -> memref<128x64xf32, #tpu.memory_space<vmem_shared>>
      %dma_wait3A_416 = arith.constant 0 : i32
      %dma_wait3A_417 = arith.constant 0 : i32
      %dma_wait3A_418 = tpu.memref_slice %arg9[%run_scoped3A_311, %dma_wait3A_416, %dma_wait3A_417] : memref<4x128x64xf32, #tpu.memory_space<vmem>> -> memref<1x128x64xf32, #tpu.memory_space<vmem>>
      %dma_wait3A_419 = tpu.memref_squeeze %dma_wait3A_418 : memref<1x128x64xf32, #tpu.memory_space<vmem>> -> memref<128x64xf32, #tpu.memory_space<vmem>>
      %dma_wait3A_420 = arith.constant 0 : i32
      %dma_wait3A_421 = tpu.memref_slice %arg11[%add3A_310, %dma_wait3A_420] : memref<10240x64xf32, #tpu.memory_space<vmem_shared>> -> memref<128x64xf32, #tpu.memory_space<vmem_shared>>
      tpu.wait_dma2 semaphore(%run_scoped3A_397 : memref<!tpu.dma_semaphore, #tpu.memory_space<semaphore_mem>>) src(%dma_wait3A_421 : memref<128x64xf32, #tpu.memory_space<vmem_shared>>) dst(%dma_wait3A_419 : memref<128x64xf32, #tpu.memory_space<vmem>>)
      tpu.yield
    }) : () -> ()
    %add3A_312 = arith.constant 512 : i32
    %add3A_313 = arith.addi %mul3A_0, %add3A_312 : i32
    %dma_start3A_314 = arith.constant 0 : i32
    %dma_start3A_315 = arith.constant 0 : i32
    %dma_start3A_316 = arith.constant 0 : i32
    %dma_start3A_317 = tpu.memref_slice %arg9[%dma_start3A_314, %dma_start3A_315, %dma_start3A_316] : memref<4x128x64xf32, #tpu.memory_space<vmem>> -> memref<1x128x64xf32, #tpu.memory_space<vmem>>
    %dma_start3A_318 = tpu.memref_squeeze %dma_start3A_317 : memref<1x128x64xf32, #tpu.memory_space<vmem>> -> memref<128x64xf32, #tpu.memory_space<vmem>>
    %dma_start3A_319 = arith.constant 0 : i32
    %dma_start3A_320 = tpu.memref_slice %arg6[%arg0, %add3A_313, %dma_start3A_319] : memref<2x10240x64xf32, #tpu.memory_space<hbm>> -> memref<1x128x64xf32, #tpu.memory_space<hbm>>
    %dma_start3A_321 = tpu.memref_squeeze %dma_start3A_320 : memref<1x128x64xf32, #tpu.memory_space<hbm>> -> memref<128x64xf32, #tpu.memory_space<hbm>>
    %dma_start3A_322 = arith.constant 0 : i32
    %dma_start3A_323 = tpu.memref_slice %arg6[%arg0, %add3A_313, %dma_start3A_322] : memref<2x10240x64xf32, #tpu.memory_space<hbm>> -> memref<1x128x64xf32, #tpu.memory_space<hbm>>
    %dma_start3A_324 = tpu.memref_squeeze %dma_start3A_323 : memref<1x128x64xf32, #tpu.memory_space<hbm>> -> memref<128x64xf32, #tpu.memory_space<hbm>>
    %dma_start3A_325 = arith.constant 0 : i32
    %dma_start3A_326 = arith.constant 0 : i32
    %dma_start3A_327 = tpu.memref_slice %arg9[%dma_start3A_314, %dma_start3A_325, %dma_start3A_326] : memref<4x128x64xf32, #tpu.memory_space<vmem>> -> memref<1x128x64xf32, #tpu.memory_space<vmem>>
    %dma_start3A_328 = tpu.memref_squeeze %dma_start3A_327 : memref<1x128x64xf32, #tpu.memory_space<vmem>> -> memref<128x64xf32, #tpu.memory_space<vmem>>
    tpu.enqueue_dma source(%dma_start3A_328 : memref<128x64xf32, #tpu.memory_space<vmem>>) target(%dma_start3A_324 : memref<128x64xf32, #tpu.memory_space<hbm>>) target_semaphore(%arg16 : memref<!tpu.dma_semaphore, #tpu.memory_space<semaphore_mem>>)
    %add3A_329 = arith.constant 128 : i32
    %add3A_330 = arith.addi %mul3A_0, %add3A_329 : i32
    %dma_wait3A_331 = arith.constant 1 : i32
    %dma_wait3A_332 = arith.constant 0 : i32
    %dma_wait3A_333 = arith.constant 0 : i32
    %dma_wait3A_334 = tpu.memref_slice %arg9[%dma_wait3A_331, %dma_wait3A_332, %dma_wait3A_333] : memref<4x128x64xf32, #tpu.memory_space<vmem>> -> memref<1x128x64xf32, #tpu.memory_space<vmem>>
    %dma_wait3A_335 = tpu.memref_squeeze %dma_wait3A_334 : memref<1x128x64xf32, #tpu.memory_space<vmem>> -> memref<128x64xf32, #tpu.memory_space<vmem>>
    %dma_wait3A_336 = arith.constant 0 : i32
    %dma_wait3A_337 = tpu.memref_slice %arg6[%arg0, %add3A_330, %dma_wait3A_336] : memref<2x10240x64xf32, #tpu.memory_space<hbm>> -> memref<1x128x64xf32, #tpu.memory_space<hbm>>
    %dma_wait3A_338 = tpu.memref_squeeze %dma_wait3A_337 : memref<1x128x64xf32, #tpu.memory_space<hbm>> -> memref<128x64xf32, #tpu.memory_space<hbm>>
    %dma_wait3A_339 = arith.constant 0 : i32
    %dma_wait3A_340 = tpu.memref_slice %arg6[%arg0, %add3A_330, %dma_wait3A_339] : memref<2x10240x64xf32, #tpu.memory_space<hbm>> -> memref<1x128x64xf32, #tpu.memory_space<hbm>>
    %dma_wait3A_341 = tpu.memref_squeeze %dma_wait3A_340 : memref<1x128x64xf32, #tpu.memory_space<hbm>> -> memref<128x64xf32, #tpu.memory_space<hbm>>
    %dma_wait3A_342 = arith.constant 0 : i32
    %dma_wait3A_343 = arith.constant 0 : i32
    %dma_wait3A_344 = tpu.memref_slice %arg9[%dma_wait3A_331, %dma_wait3A_342, %dma_wait3A_343] : memref<4x128x64xf32, #tpu.memory_space<vmem>> -> memref<1x128x64xf32, #tpu.memory_space<vmem>>
    %dma_wait3A_345 = tpu.memref_squeeze %dma_wait3A_344 : memref<1x128x64xf32, #tpu.memory_space<vmem>> -> memref<128x64xf32, #tpu.memory_space<vmem>>
    tpu.wait_dma2 semaphore(%arg17 : memref<!tpu.dma_semaphore, #tpu.memory_space<semaphore_mem>>) src(%dma_wait3A_345 : memref<128x64xf32, #tpu.memory_space<vmem>>) dst(%dma_wait3A_341 : memref<128x64xf32, #tpu.memory_space<hbm>>)
    %add3A_346 = arith.constant 256 : i32
    %add3A_347 = arith.addi %mul3A_0, %add3A_346 : i32
    %dma_wait3A_348 = arith.constant 2 : i32
    %dma_wait3A_349 = arith.constant 0 : i32
    %dma_wait3A_350 = arith.constant 0 : i32
    %dma_wait3A_351 = tpu.memref_slice %arg9[%dma_wait3A_348, %dma_wait3A_349, %dma_wait3A_350] : memref<4x128x64xf32, #tpu.memory_space<vmem>> -> memref<1x128x64xf32, #tpu.memory_space<vmem>>
    %dma_wait3A_352 = tpu.memref_squeeze %dma_wait3A_351 : memref<1x128x64xf32, #tpu.memory_space<vmem>> -> memref<128x64xf32, #tpu.memory_space<vmem>>
    %dma_wait3A_353 = arith.constant 0 : i32
    %dma_wait3A_354 = tpu.memref_slice %arg6[%arg0, %add3A_347, %dma_wait3A_353] : memref<2x10240x64xf32, #tpu.memory_space<hbm>> -> memref<1x128x64xf32, #tpu.memory_space<hbm>>
    %dma_wait3A_355 = tpu.memref_squeeze %dma_wait3A_354 : memref<1x128x64xf32, #tpu.memory_space<hbm>> -> memref<128x64xf32, #tpu.memory_space<hbm>>
    %dma_wait3A_356 = arith.constant 0 : i32
    %dma_wait3A_357 = tpu.memref_slice %arg6[%arg0, %add3A_347, %dma_wait3A_356] : memref<2x10240x64xf32, #tpu.memory_space<hbm>> -> memref<1x128x64xf32, #tpu.memory_space<hbm>>
    %dma_wait3A_358 = tpu.memref_squeeze %dma_wait3A_357 : memref<1x128x64xf32, #tpu.memory_space<hbm>> -> memref<128x64xf32, #tpu.memory_space<hbm>>
    %dma_wait3A_359 = arith.constant 0 : i32
    %dma_wait3A_360 = arith.constant 0 : i32
    %dma_wait3A_361 = tpu.memref_slice %arg9[%dma_wait3A_348, %dma_wait3A_359, %dma_wait3A_360] : memref<4x128x64xf32, #tpu.memory_space<vmem>> -> memref<1x128x64xf32, #tpu.memory_space<vmem>>
    %dma_wait3A_362 = tpu.memref_squeeze %dma_wait3A_361 : memref<1x128x64xf32, #tpu.memory_space<vmem>> -> memref<128x64xf32, #tpu.memory_space<vmem>>
    tpu.wait_dma2 semaphore(%arg18 : memref<!tpu.dma_semaphore, #tpu.memory_space<semaphore_mem>>) src(%dma_wait3A_362 : memref<128x64xf32, #tpu.memory_space<vmem>>) dst(%dma_wait3A_358 : memref<128x64xf32, #tpu.memory_space<hbm>>)
    %add3A_363 = arith.constant 384 : i32
    %add3A_364 = arith.addi %mul3A_0, %add3A_363 : i32
    %dma_wait3A_365 = arith.constant 3 : i32
    %dma_wait3A_366 = arith.constant 0 : i32
    %dma_wait3A_367 = arith.constant 0 : i32
    %dma_wait3A_368 = tpu.memref_slice %arg9[%dma_wait3A_365, %dma_wait3A_366, %dma_wait3A_367] : memref<4x128x64xf32, #tpu.memory_space<vmem>> -> memref<1x128x64xf32, #tpu.memory_space<vmem>>
    %dma_wait3A_369 = tpu.memref_squeeze %dma_wait3A_368 : memref<1x128x64xf32, #tpu.memory_space<vmem>> -> memref<128x64xf32, #tpu.memory_space<vmem>>
    %dma_wait3A_370 = arith.constant 0 : i32
    %dma_wait3A_371 = tpu.memref_slice %arg6[%arg0, %add3A_364, %dma_wait3A_370] : memref<2x10240x64xf32, #tpu.memory_space<hbm>> -> memref<1x128x64xf32, #tpu.memory_space<hbm>>
    %dma_wait3A_372 = tpu.memref_squeeze %dma_wait3A_371 : memref<1x128x64xf32, #tpu.memory_space<hbm>> -> memref<128x64xf32, #tpu.memory_space<hbm>>
    %dma_wait3A_373 = arith.constant 0 : i32
    %dma_wait3A_374 = tpu.memref_slice %arg6[%arg0, %add3A_364, %dma_wait3A_373] : memref<2x10240x64xf32, #tpu.memory_space<hbm>> -> memref<1x128x64xf32, #tpu.memory_space<hbm>>
    %dma_wait3A_375 = tpu.memref_squeeze %dma_wait3A_374 : memref<1x128x64xf32, #tpu.memory_space<hbm>> -> memref<128x64xf32, #tpu.memory_space<hbm>>
    %dma_wait3A_376 = arith.constant 0 : i32
    %dma_wait3A_377 = arith.constant 0 : i32
    %dma_wait3A_378 = tpu.memref_slice %arg9[%dma_wait3A_365, %dma_wait3A_376, %dma_wait3A_377] : memref<4x128x64xf32, #tpu.memory_space<vmem>> -> memref<1x128x64xf32, #tpu.memory_space<vmem>>
    %dma_wait3A_379 = tpu.memref_squeeze %dma_wait3A_378 : memref<1x128x64xf32, #tpu.memory_space<vmem>> -> memref<128x64xf32, #tpu.memory_space<vmem>>
    tpu.wait_dma2 semaphore(%arg19 : memref<!tpu.dma_semaphore, #tpu.memory_space<semaphore_mem>>) src(%dma_wait3A_379 : memref<128x64xf32, #tpu.memory_space<vmem>>) dst(%dma_wait3A_375 : memref<128x64xf32, #tpu.memory_space<hbm>>)
    %add3A_380 = arith.constant 512 : i32
    %add3A_381 = arith.addi %mul3A_0, %add3A_380 : i32
    %dma_wait3A_382 = arith.constant 0 : i32
    %dma_wait3A_383 = arith.constant 0 : i32
    %dma_wait3A_384 = arith.constant 0 : i32
    %dma_wait3A_385 = tpu.memref_slice %arg9[%dma_wait3A_382, %dma_wait3A_383, %dma_wait3A_384] : memref<4x128x64xf32, #tpu.memory_space<vmem>> -> memref<1x128x64xf32, #tpu.memory_space<vmem>>
    %dma_wait3A_386 = tpu.memref_squeeze %dma_wait3A_385 : memref<1x128x64xf32, #tpu.memory_space<vmem>> -> memref<128x64xf32, #tpu.memory_space<vmem>>
    %dma_wait3A_387 = arith.constant 0 : i32
    %dma_wait3A_388 = tpu.memref_slice %arg6[%arg0, %add3A_381, %dma_wait3A_387] : memref<2x10240x64xf32, #tpu.memory_space<hbm>> -> memref<1x128x64xf32, #tpu.memory_space<hbm>>
    %dma_wait3A_389 = tpu.memref_squeeze %dma_wait3A_388 : memref<1x128x64xf32, #tpu.memory_space<hbm>> -> memref<128x64xf32, #tpu.memory_space<hbm>>
    %dma_wait3A_390 = arith.constant 0 : i32
    %dma_wait3A_391 = tpu.memref_slice %arg6[%arg0, %add3A_381, %dma_wait3A_390] : memref<2x10240x64xf32, #tpu.memory_space<hbm>> -> memref<1x128x64xf32, #tpu.memory_space<hbm>>
    %dma_wait3A_392 = tpu.memref_squeeze %dma_wait3A_391 : memref<1x128x64xf32, #tpu.memory_space<hbm>> -> memref<128x64xf32, #tpu.memory_space<hbm>>
    %dma_wait3A_393 = arith.constant 0 : i32
    %dma_wait3A_394 = arith.constant 0 : i32
    %dma_wait3A_395 = tpu.memref_slice %arg9[%dma_wait3A_382, %dma_wait3A_393, %dma_wait3A_394] : memref<4x128x64xf32, #tpu.memory_space<vmem>> -> memref<1x128x64xf32, #tpu.memory_space<vmem>>
    %dma_wait3A_396 = tpu.memref_squeeze %dma_wait3A_395 : memref<1x128x64xf32, #tpu.memory_space<vmem>> -> memref<128x64xf32, #tpu.memory_space<vmem>>
    tpu.wait_dma2 semaphore(%arg16 : memref<!tpu.dma_semaphore, #tpu.memory_space<semaphore_mem>>) src(%dma_wait3A_396 : memref<128x64xf32, #tpu.memory_space<vmem>>) dst(%dma_wait3A_392 : memref<128x64xf32, #tpu.memory_space<hbm>>)
    return
  }
}

module attributes {stable_mosaic.version = 14 : i64} {
  func.func @_ln_body(%arg0: i32, %arg1: memref<1000x128xf32, #tpu.memory_space<vmem>>, %arg2: memref<1x128xf32, #tpu.memory_space<vmem>>, %arg3: memref<1x128xf32, #tpu.memory_space<vmem>>, %arg4: memref<1000x128xf32, #tpu.memory_space<vmem>>) attributes {dimension_semantics = [#tpu.dimension_semantics<arbitrary>], iteration_bounds = array<i64: 10>, scalar_prefetch = 0 : i64, scratch_operands = 0 : i64, tpu.core_type = #tpu.core_type<tc>, window_params = [{transform_indices = @transform_0, window_bounds = array<i64: 1000, 128>}, {pipeline_mode = #tpu.pipeline_mode<synchronous>, transform_indices = @transform_1, window_bounds = array<i64: 1, 128>}, {pipeline_mode = #tpu.pipeline_mode<synchronous>, transform_indices = @transform_2, window_bounds = array<i64: 1, 128>}, {transform_indices = @transform_3, window_bounds = array<i64: 1000, 128>}]} {
    %get3A = arith.constant 0 : index
    %get3A_0 = arith.constant 0 : index
    %get3A_1 = vector.load %arg1[%get3A, %get3A_0] : memref<1000x128xf32, #tpu.memory_space<vmem>>, vector<1000x128xf32>
    %reduce_sum3A = arith.constant dense<0.000000e+00> : vector<1000xf32>
    %reduce_sum3A_2 = vector.multi_reduction <add>, %get3A_1, %reduce_sum3A [1] : vector<1000x128xf32> to vector<1000xf32>
    %broadcast_in_dim3A = vector.shape_cast %reduce_sum3A_2 : vector<1000xf32> to vector<1000x1xf32>
    %div3A = arith.constant 1.280000e+02 : f32
    %div3A_3 = vector.broadcast %div3A : f32 to vector<1000x1xf32>
    %div3A_4 = arith.divf %broadcast_in_dim3A, %div3A_3 : vector<1000x1xf32>
    %sub3A = vector.broadcast %div3A_4 : vector<1000x1xf32> to vector<1000x128xf32>
    %sub3A_5 = arith.subf %get3A_1, %sub3A : vector<1000x128xf32>
    %mul3A = arith.mulf %sub3A_5, %sub3A_5 : vector<1000x128xf32>
    %reduce_sum3A_6 = arith.constant dense<0.000000e+00> : vector<1000xf32>
    %reduce_sum3A_7 = vector.multi_reduction <add>, %mul3A, %reduce_sum3A_6 [1] : vector<1000x128xf32> to vector<1000xf32>
    %broadcast_in_dim3A_8 = vector.shape_cast %reduce_sum3A_7 : vector<1000xf32> to vector<1000x1xf32>
    %div3A_9 = arith.constant 1.280000e+02 : f32
    %div3A_10 = vector.broadcast %div3A_9 : f32 to vector<1000x1xf32>
    %div3A_11 = arith.divf %broadcast_in_dim3A_8, %div3A_10 : vector<1000x1xf32>
    %add3A = arith.constant 9.99999974E-6 : f32
    %add3A_12 = vector.broadcast %add3A : f32 to vector<1000x1xf32>
    %add3A_13 = arith.addf %div3A_11, %add3A_12 : vector<1000x1xf32>
    %rsqrt3A = math.rsqrt %add3A_13 : vector<1000x1xf32>
    %mul3A_14 = vector.broadcast %rsqrt3A : vector<1000x1xf32> to vector<1000x128xf32>
    %mul3A_15 = arith.mulf %sub3A_5, %mul3A_14 : vector<1000x128xf32>
    %get3A_16 = arith.constant 0 : index
    %get3A_17 = arith.constant 0 : index
    %get3A_18 = vector.load %arg2[%get3A_16, %get3A_17] : memref<1x128xf32, #tpu.memory_space<vmem>>, vector<1x128xf32>
    %mul3A_19 = vector.broadcast %get3A_18 : vector<1x128xf32> to vector<1000x128xf32>
    %mul3A_20 = arith.mulf %mul3A_15, %mul3A_19 : vector<1000x128xf32>
    %get3A_21 = arith.constant 0 : index
    %get3A_22 = arith.constant 0 : index
    %get3A_23 = vector.load %arg3[%get3A_21, %get3A_22] : memref<1x128xf32, #tpu.memory_space<vmem>>, vector<1x128xf32>
    %add3A_24 = vector.broadcast %get3A_23 : vector<1x128xf32> to vector<1000x128xf32>
    %add3A_25 = arith.addf %mul3A_20, %add3A_24 : vector<1000x128xf32>
    %swap3A = arith.constant 0 : index
    %swap3A_26 = arith.constant 0 : index
    %swap3A_27 = vector.load %arg4[%swap3A, %swap3A_26] : memref<1000x128xf32, #tpu.memory_space<vmem>>, vector<1000x128xf32>
    tpu.vector_store %arg4[%swap3A, %swap3A_26], %add3A_25 {strides = array<i32>} : memref<1000x128xf32, #tpu.memory_space<vmem>>, vector<1000x128xf32>,
    return
  }
  func.func @transform_0(%arg0: i32) -> (i32, i32) {
    %c0_i32 = arith.constant 0 : i32
    %c0_i32_0 = arith.constant 0 : i32
    return %arg0, %c0_i32 : i32, i32
  }
  func.func @transform_1(%arg0: i32) -> (i32, i32) {
    %c0_i32 = arith.constant 0 : i32
    %c0_i32_0 = arith.constant 0 : i32
    %c0_i32_1 = arith.constant 0 : i32
    return %c0_i32, %c0_i32_0 : i32, i32
  }
  func.func @transform_2(%arg0: i32) -> (i32, i32) {
    %c0_i32 = arith.constant 0 : i32
    %c0_i32_0 = arith.constant 0 : i32
    %c0_i32_1 = arith.constant 0 : i32
    return %c0_i32, %c0_i32_0 : i32, i32
  }
  func.func @transform_3(%arg0: i32) -> (i32, i32) {
    %c0_i32 = arith.constant 0 : i32
    %c0_i32_0 = arith.constant 0 : i32
    return %arg0, %c0_i32 : i32, i32
  }
}

module attributes {stable_mosaic.version = 14 : i64} {
  func.func @_final_body(%arg0: i32, %arg1: memref<1024x128xf32, #tpu.memory_space<vmem>>, %arg2: memref<2x1024x64xf32, #tpu.memory_space<vmem>>, %arg3: memref<2x1024x64xf32, #tpu.memory_space<vmem>>, %arg4: memref<2x16x1024xf32, #tpu.memory_space<vmem>>, %arg5: memref<128x128xf32, #tpu.memory_space<vmem>>, %arg6: memref<128x128xf32, #tpu.memory_space<vmem>>, %arg7: memref<1x128xf32, #tpu.memory_space<vmem>>, %arg8: memref<1024x128xf32, #tpu.memory_space<vmem>>) attributes {dimension_semantics = [#tpu.dimension_semantics<arbitrary>], iteration_bounds = array<i64: 10>, scalar_prefetch = 0 : i64, scratch_operands = 0 : i64, tpu.core_type = #tpu.core_type<tc>, window_params = [{transform_indices = @transform_0, window_bounds = array<i64: 1024, 128>}, {transform_indices = @transform_1, window_bounds = array<i64: 2, 1024, 64>}, {transform_indices = @transform_2, window_bounds = array<i64: 2, 1024, 64>}, {transform_indices = @transform_3, window_bounds = array<i64: 2, 16, 1024>}, {pipeline_mode = #tpu.pipeline_mode<synchronous>, transform_indices = @transform_4, window_bounds = array<i64: 128, 128>}, {pipeline_mode = #tpu.pipeline_mode<synchronous>, transform_indices = @transform_5, window_bounds = array<i64: 128, 128>}, {pipeline_mode = #tpu.pipeline_mode<synchronous>, transform_indices = @transform_6, window_bounds = array<i64: 1, 128>}, {transform_indices = @transform_7, window_bounds = array<i64: 1024, 128>}]} {
    %get3A = arith.constant 0 : index
    %get3A_0 = arith.constant 0 : index
    %get3A_1 = vector.load %arg1[%get3A, %get3A_0] : memref<1024x128xf32, #tpu.memory_space<vmem>>, vector<1024x128xf32>
    %get3A_2 = arith.constant 0 : index
    %get3A_3 = arith.constant 0 : index
    %get3A_4 = arith.constant 0 : index
    %get3A_5 = vector.load %arg2[%get3A_2, %get3A_3, %get3A_4] : memref<2x1024x64xf32, #tpu.memory_space<vmem>>, vector<2x1024x64xf32>
    %reduce_sum3A = arith.constant dense<0.000000e+00> : vector<1024x64xf32>
    %reduce_sum3A_6 = vector.multi_reduction <add>, %get3A_5, %reduce_sum3A [0] : vector<2x1024x64xf32> to vector<1024x64xf32>
    %get3A_7 = arith.constant 0 : index
    %get3A_8 = arith.constant 0 : index
    %get3A_9 = arith.constant 0 : index
    %get3A_10 = vector.load %arg3[%get3A_7, %get3A_8, %get3A_9] : memref<2x1024x64xf32, #tpu.memory_space<vmem>>, vector<2x1024x64xf32>
    %reduce_sum3A_11 = arith.constant dense<0.000000e+00> : vector<1024x64xf32>
    %reduce_sum3A_12 = vector.multi_reduction <add>, %get3A_10, %reduce_sum3A_11 [0] : vector<2x1024x64xf32> to vector<1024x64xf32>
    %concatenate3A = tpu.concatenate %reduce_sum3A_6, %reduce_sum3A_12 in 1 : vector<1024x64xf32>, vector<1024x64xf32> -> vector<1024x128xf32>
    %get3A_13 = arith.constant 0 : index
    %get3A_14 = arith.constant 0 : index
    %get3A_15 = arith.constant 0 : index
    %get3A_16 = vector.load %arg4[%get3A_13, %get3A_14, %get3A_15] : memref<2x16x1024xf32, #tpu.memory_space<vmem>>, vector<2x16x1024xf32>
    %reduce_sum3A_17 = arith.constant dense<0.000000e+00> : vector<1024xf32>
    %reduce_sum3A_18 = vector.multi_reduction <add>, %get3A_16, %reduce_sum3A_17 [0, 1] : vector<2x16x1024xf32> to vector<1024xf32>
    %max3A = arith.constant 1.000000e+00 : f32
    %max3A_19 = vector.broadcast %max3A : f32 to vector<1024xf32>
    %max3A_20 = arith.maximumf %reduce_sum3A_18, %max3A_19 : vector<1024xf32>
    %broadcast_in_dim3A = vector.shape_cast %max3A_20 : vector<1024xf32> to vector<1024x1xf32>
    %div3A = vector.broadcast %broadcast_in_dim3A : vector<1024x1xf32> to vector<1024x128xf32>
    %div3A_21 = arith.divf %concatenate3A, %div3A : vector<1024x128xf32>
    %get3A_22 = arith.constant 0 : index
    %get3A_23 = arith.constant 0 : index
    %get3A_24 = vector.load %arg5[%get3A_22, %get3A_23] : memref<128x128xf32, #tpu.memory_space<vmem>>, vector<128x128xf32>
    %dot_general3A = arith.constant dense<0.000000e+00> : vector<1024x128xf32>
    %dot_general3A_25 = tpu.matmul %get3A_1, %get3A_24, %dot_general3A {dimension_numbers = #tpu.dot_dimension_numbers<[1], [1], [0], [0], [0, 0, 1, 0], [], []>, transpose_lhs_hint = false} : vector<1024x128xf32>, vector<128x128xf32>, vector<1024x128xf32> -> vector<1024x128xf32>
    %get3A_26 = arith.constant 0 : index
    %get3A_27 = arith.constant 0 : index
    %get3A_28 = vector.load %arg6[%get3A_26, %get3A_27] : memref<128x128xf32, #tpu.memory_space<vmem>>, vector<128x128xf32>
    %dot_general3A_29 = arith.constant dense<0.000000e+00> : vector<1024x128xf32>
    %dot_general3A_30 = tpu.matmul %div3A_21, %get3A_28, %dot_general3A_29 {dimension_numbers = #tpu.dot_dimension_numbers<[1], [1], [0], [0], [0, 0, 1, 0], [], []>, transpose_lhs_hint = false} : vector<1024x128xf32>, vector<128x128xf32>, vector<1024x128xf32> -> vector<1024x128xf32>
    %add3A = arith.addf %dot_general3A_25, %dot_general3A_30 : vector<1024x128xf32>
    %get3A_31 = arith.constant 0 : index
    %get3A_32 = arith.constant 0 : index
    %get3A_33 = vector.load %arg7[%get3A_31, %get3A_32] : memref<1x128xf32, #tpu.memory_space<vmem>>, vector<1x128xf32>
    %add3A_34 = vector.broadcast %get3A_33 : vector<1x128xf32> to vector<1024x128xf32>
    %add3A_35 = arith.addf %add3A, %add3A_34 : vector<1024x128xf32>
    %swap3A = arith.constant 0 : index
    %swap3A_36 = arith.constant 0 : index
    %swap3A_37 = vector.load %arg8[%swap3A, %swap3A_36] : memref<1024x128xf32, #tpu.memory_space<vmem>>, vector<1024x128xf32>
    tpu.vector_store %arg8[%swap3A, %swap3A_36], %add3A_35 {strides = array<i32>} : memref<1024x128xf32, #tpu.memory_space<vmem>>, vector<1024x128xf32>,
    return
  }
  func.func @transform_0(%arg0: i32) -> (i32, i32) {
    %c0_i32 = arith.constant 0 : i32
    %c0_i32_0 = arith.constant 0 : i32
    return %arg0, %c0_i32 : i32, i32
  }
  func.func @transform_1(%arg0: i32) -> (i32, i32, i32) {
    %c0_i32 = arith.constant 0 : i32
    %c0_i32_0 = arith.constant 0 : i32
    %c0_i32_1 = arith.constant 0 : i32
    return %c0_i32, %arg0, %c0_i32_0 : i32, i32, i32
  }
  func.func @transform_2(%arg0: i32) -> (i32, i32, i32) {
    %c0_i32 = arith.constant 0 : i32
    %c0_i32_0 = arith.constant 0 : i32
    %c0_i32_1 = arith.constant 0 : i32
    return %c0_i32, %arg0, %c0_i32_0 : i32, i32, i32
  }
  func.func @transform_3(%arg0: i32) -> (i32, i32, i32) {
    %c0_i32 = arith.constant 0 : i32
    %c0_i32_0 = arith.constant 0 : i32
    %c0_i32_1 = arith.constant 0 : i32
    return %c0_i32, %c0_i32_0, %arg0 : i32, i32, i32
  }
  func.func @transform_4(%arg0: i32) -> (i32, i32) {
    %c0_i32 = arith.constant 0 : i32
    %c0_i32_0 = arith.constant 0 : i32
    %c0_i32_1 = arith.constant 0 : i32
    return %c0_i32, %c0_i32_0 : i32, i32
  }
  func.func @transform_5(%arg0: i32) -> (i32, i32) {
    %c0_i32 = arith.constant 0 : i32
    %c0_i32_0 = arith.constant 0 : i32
    %c0_i32_1 = arith.constant 0 : i32
    return %c0_i32, %c0_i32_0 : i32, i32
  }
  func.func @transform_6(%arg0: i32) -> (i32, i32) {
    %c0_i32 = arith.constant 0 : i32
    %c0_i32_0 = arith.constant 0 : i32
    %c0_i32_1 = arith.constant 0 : i32
    return %c0_i32, %c0_i32_0 : i32, i32
  }
  func.func @transform_7(%arg0: i32) -> (i32, i32) {
    %c0_i32 = arith.constant 0 : i32
    %c0_i32_0 = arith.constant 0 : i32
    return %arg0, %c0_i32 : i32, i32
  }
}

</mosaic_0001>

<sc_bundles>
// kernel: kernel.6.cloned.1.call-start
scs
__scs_entry_jumppad:
0x0: {  	(pc) =	sbr.rel $0x88, $3  }
0x1: {  	(tag) =	ssettag $0x0;
	lr =	simm.s32 $0x1  }
0x2: {  	[smem:$0x3F9A] =	sst lr;
	_ =	strace $0xD0000000  }
0x3: {  	_ = 	snop  }
0x4: {  	_ = 	snop  }
0x5: {  	_ = 	snop  }
0x6: {  	_ = 	snop  }
0x7: {  	_ = 	snop  }
__scs_overlays_trampoline_lowered:
0x8: {  	[smem:$0x3FA9] =	sst s0  }
0x9: {  	[smem:$0x3FAA] =	sst s1  }
0xa: {  	[smem:$0x3FAB] =	sst s2  }
0xb: {  	[smem:$0x3FAC] =	sst s3  }
0xc: {  	[smem:$0x3FAD] =	sst s4  }
0xd: {  	[smem:$0x3FAE] =	sst s5  }
0xe: {  	[smem:$0x3FAF] =	sst s6  }
0xf: {  	[smem:$0x3FB0] =	sst s7  }
0x10: {  	[smem:$0x3FB1] =	sst s8  }
0x11: {  	[smem:$0x3FB2] =	sst s9;
	s0 =	simm.s32 @!p0 $0x0  }
0x12: {  	s1 =	sld [smem:$0x3F98];
	s0 =	simm.s32 @p0 $0x1  }
0x13: {  	[smem:$0x3FB3] =	sst s0;
	s0 =	simm.s32 @!p1 $0x0  }
0x14: {  	s2 =	sld [smem:$0x3F97];
	s0 =	simm.s32 @p1 $0x1  }
0x15: {  	[smem:$0x3FB4] =	sst s0;
	s0 =	simm.s32 @!p2 $0x0  }
0x16: {  	s3 =	sld [smem:$0x3FDB];
	s0 =	simm.s32 @p2 $0x1  }
0x17: {  	s4 =	simm.s32 $0x1BF5;
	[smem:$0x3FB6] =	sst s0  }
0x18: {  	s0 =	sld [smem:$0x3F99];
	_ =	swait.ge [sflag:s4], $0x0  }
0x19: {  	s7 =	sld [smem:$0x3F9A]  }
0x1a: {  	s8 =	sadd.s32 $0xFFFFE003, lr  }
0x1b: {  	s9 =	sadd.s32 $0xFFFFFEF7, lr;
	s5 =	simm.s32 $0xFFFFFFFF;
	p2 =	slt.u32 s8, $0xFFFFF086  }
0x1c: {  	p1 =	slt.u32 s9, $0xF7A;
	s5 =	simm.s32 @!p2 $0x0  }
0x1d: {  	s5 =	simm.s32 @p1 $0x1;
	p0 =	seq.s32 s7, s2  }
0x1e: {  	s7 =	smul.u32 @!p0 $0xF7A, s2;
	p2 =	seq.s32 @!p0 s5, $0x0  }
0x1f: {  	s9 =	smul.u32 $0xF7A, s1;
	s8 =	simm.s32 @!p0 $0x1BF5;
	p2 =	por !p2, p0  }
0x20: {  	[sflag:s8] =	ssyncset.s32 @!p0 $0xFFFFF086;
	s6 =	sadd.s32 @!p0 s3, s7;
	s7 =	simm.s32 @!p0 $0x108  }
0x21: {  	s3 =	sadd.s32 s3, s9;
	s6 =	sadd.s32 @!p0 $0x88, s6;
	s7 =	simm.s32 @p2 $0x1082  }
0x22: {  	[simem:s7], [sflag:s8] =	dma.local @!p0 [hbm:s6], $0xF7A  }
0x23: {  	s9 =	sor.u32 $0xD0000000, s2;
	s6 =	simm.s32 $0x108;
	_ =	swait.ge @!p0 [sflag:s8], $0x0  }
0x24: {  	s3 =	sadd.s32 $0x88, s3;
	s6 =	simm.s32 @!p1 $0x1082;
	[sflag:s4] =	ssyncset.s32 $0xFFFFF086  }
0x25: {  	[simem:s6], [sflag:s4] =	dma.local [hbm:s3], $0xF7A  }
0x26: {  	[smem:$0x3F9A] =	sst s1;
	(tag) =	ssettag s2;
	_ =	strace s9  }
0x27: {  	s1 =	sld [smem:$0x3FAA]  }
0x28: {  	s2 =	sld [smem:$0x3FAB]  }
0x29: {  	s4 =	sld [smem:$0x3FAD]  }
0x2a: {  	p0 =	seq.s32 s5, $0x0;
	s5 =	sld [smem:$0x3FAE]  }
0x2b: {  	s6 =	sld [smem:$0x3FAF]  }
0x2c: {  	s7 =	sld [smem:$0x3FB0]  }
0x2d: {  	s3 =	simm.s32 $0x108;
	s8 =	sld [smem:$0x3FB1]  }
0x2e: {  	s3 =	simm.s32 @!p0 $0x1082;
	s9 =	sld [smem:$0x3FB2]  }
0x2f: {  	lr =	sadd.s32 s0, s3;
	s0 =	sld [smem:$0x3FA9]  }
0x30: {  	s3 =	sld [smem:$0x3FAC]  }
0x31: {  	[smem:$0x3FB5] =	sst s10  }
0x32: {  	s10 =	sld [smem:$0x3FB3];
	_ =	sdelay $0x3  }
0x33: {  	p0 =	seq.s32 s10, $0x1;
	s10 =	sld [smem:$0x3FB5];
	_ =	sdelay $0x3  }
0x34: {  	[smem:$0x3FB5] =	sst s10  }
0x35: {  	s10 =	sld [smem:$0x3FB4];
	_ =	sdelay $0x3  }
0x36: {  	p1 =	seq.s32 s10, $0x1;
	s10 =	sld [smem:$0x3FB5];
	_ =	sdelay $0x3  }
0x37: {  	[smem:$0x3FB5] =	sst s10  }
0x38: {  	s10 =	sld [smem:$0x3FB6]  }
0x39: {  	_ = 	snop;
	(pc) =	sbr.ind lr, $3  }
0x3a: {  	_ = 	snop  }
0x3b: {  	_ = 	snop  }
0x3c: {  	p2 =	seq.s32 s10, $0x1;
	s10 =	sld [smem:$0x3FB5]  }
0x3d: {  	_ =	shalt  }
0x3e: {  	_ =	shalt  }
0x3f: {  	_ =	shalt  }
0x40: {  	_ =	shalt  }
0x41: {  	_ =	shalt  }
0x42: {  	_ =	shalt  }
0x43: {  	_ =	shalt  }
0x44: {  	_ =	shalt  }
0x45: {  	_ =	shalt  }
0x46: {  	_ =	shalt  }
0x47: {  	_ =	shalt  }
0x48: {  	_ =	shalt  }
0x49: {  	_ =	shalt  }
0x4a: {  	_ =	shalt  }
0x4b: {  	_ =	shalt  }
0x4c: {  	_ =	shalt  }
0x4d: {  	_ =	shalt  }
0x4e: {  	_ =	shalt  }
0x4f: {  	_ =	shalt  }
0x50: {  	_ =	shalt  }
0x51: {  	_ =	shalt  }
0x52: {  	_ =	shalt  }
0x53: {  	_ =	shalt  }
0x54: {  	_ =	shalt  }
0x55: {  	_ =	shalt  }
0x56: {  	_ =	shalt  }
0x57: {  	_ =	shalt  }
0x58: {  	_ =	shalt  }
0x59: {  	_ =	shalt  }
0x5a: {  	_ =	shalt  }
0x5b: {  	_ =	shalt  }
0x5c: {  	_ =	shalt  }
0x5d: {  	_ =	shalt  }
0x5e: {  	_ =	shalt  }
0x5f: {  	_ =	shalt  }
0x60: {  	_ =	shalt  }
0x61: {  	_ =	shalt  }
0x62: {  	_ =	shalt  }
0x63: {  	_ =	shalt  }
0x64: {  	_ =	shalt  }
0x65: {  	_ =	shalt  }
0x66: {  	_ =	shalt  }
0x67: {  	_ =	shalt  }
0x68: {  	_ =	shalt  }
0x69: {  	_ =	shalt  }
0x6a: {  	_ =	shalt  }
0x6b: {  	_ =	shalt  }
0x6c: {  	_ =	shalt  }
0x6d: {  	_ =	shalt  }
0x6e: {  	_ =	shalt  }
0x6f: {  	_ =	shalt  }
0x70: {  	_ =	shalt  }
0x71: {  	_ =	shalt  }
0x72: {  	_ =	shalt  }
0x73: {  	_ =	shalt  }
0x74: {  	_ =	shalt  }
0x75: {  	_ =	shalt  }
0x76: {  	_ =	shalt  }
0x77: {  	_ =	shalt  }
0x78: {  	_ =	shalt  }
0x79: {  	_ =	shalt  }
0x7a: {  	_ =	shalt  }
0x7b: {  	_ =	shalt  }
0x7c: {  	_ =	shalt  }
0x7d: {  	_ =	shalt  }
0x7e: {  	_ =	shalt  }
0x7f: {  	_ =	shalt  }
0x80: {  	_ =	shalt  }
0x81: {  	_ =	shalt  }
0x82: {  	_ =	shalt  }
0x83: {  	_ =	shalt  }
0x84: {  	_ =	shalt  }
0x85: {  	_ =	shalt  }
0x86: {  	_ =	shalt  }
0x87: {  	_ =	shalt  }
.Lfunc_end0:
.L_simem_size_0:
called_computation_lowered:
.L_overlay_start_0:
0x88: {  	s2 =	sld [smem:$0x3FD9]  }
0x89: {  	s3 =	sld [smem:$0x3FFE];
	_ =	sdelay $0x1  }
0x8a: {  	s1 =	srdreg.scid  }
0x8b: {  	s0 =	sand.u32 $0x1, s1  }
0x8c: {  	s17 =	sshll.u32 s0, $0xA;
	s2 =	sadd.s32 s3, s2  }
0x8d: {  	s2 =	sadd.s32 s2, s17  }
0x8e: {  	[smem:$0x3FC1] =	sst s2  }
0x8f: {  	_ = 	snop  }
0x90: {  	s18 =	sld [smem:$0x3FD0];
	(tm) =	ssettm $0x1  }
0x91: {  	s19 =	sld [smem:$0x3FFB];
	_ =	sdelay $0x3  }
0x92: {  	_ =	strace s19  }
0x93: {  	s2 =	sld [smem:$0x3FFC];
	_ =	sdelay $0x3  }
0x94: {  	_ =	strace s2  }
0x95: {  	s2 =	sld [smem:$0x3FFD];
	_ =	sdelay $0x3  }
0x96: {  	_ =	strace s2  }
0x97: {  	_ =	strace $0x8FFFFFFF  }
0x98: {  	s20 =	sld [smem:$0x3FDB];
	_ =	sdelay $0x1  }
0x99: {  	s4 =	simm.s32 $_scs_section_size  }
0x9a: {  	s5 =	simm.s32 $_size__tile_overlayer_lowered;
	s6 =	simm.s32 $_tile_overlayer_lowered  }
0x9b: {  	s7 =	simm.s32 $0x1BFF;
	s21 =	sshll.u32 s6, $0x1;
	s4 =	sadd.s32 s4, s20  }
0x9c: {  	s22 =	simm.s32 $0x0;
	s5 =	sshll.u32 s5, $0x1;
	s6 =	sadd.s32 s21, s4  }
0x9d: {  	[timem:s22], [sflag:s7] =	dma.local [hbm:s6], s5  }
0x9e: {  	_ =	swait.ge [sflag:s7], s5  }
0x9f: {  	s5 =	ssub.s32 $0x0, s5;
	[sflag:s7] =	ssyncset.done $0x0  }
0xa0: {  	[sflag:s7] =	ssyncadd.s32 s5;
	_ =	sdelay $0x1  }
0xa1: {  	s23 =	simm.s32 $0x1B8B  }
0xa2: {  	_ =	swait.ge [sflag:s23], $0x1  }
0xa3: {  	[sflag:s23] =	ssyncset.done $0x0  }
0xa4: {  	[sflag:s23] =	ssyncadd.s32 $0xFFFFFFFF  }
0xa5: {  	s5 =	sld [smem:$0x0]  }
0xa6: {  	s6 =	sand.u32 $0xFFFFFFFE, s1  }
0xa7: {  	p0 =	sne.s32 s1, s6  }
0xa8: {  	s6 =	sshll.u32 @p0 s6, $0xE  }
0xa9: {  	s6 =	sadd.s32 @p0 $0x11B8D, s6;
	s7 =	sshll.u32 @p0 s5, $0x11  }
0xaa: {  	s6 =	sor.u32 @p0 s7, s6  }
0xab: {  	[sflag:s6] =	ssyncadd.remote.s32 @p0 $0x1;
	_ =	sdelay $0x1  }
0xac: {  	s6 =	simm.s32 @p0 $0x1B8D  }
0xad: {  	_ =	swait.eq @p0 [sflag:s6], $0x1  }
0xae: {  	[sflag:s6] =	ssyncadd.s32 @p0 $0xFFFFFFFF  }
0xaf: {  	s7 =	sshll.u32 @!p0 s1, $0xE  }
0xb0: {  	s7 =	sor.u32 @!p0 $0x4000, s7;
	s6 =	simm.s32 @!p0 $0x1B8D  }
0xb1: {  	s5 =	sshll.u32 @!p0 s5, $0x11;
	s7 =	sadd.s32 @!p0 $0x11B8D, s7;
	_ =	swait.eq @!p0 [sflag:s6], $0x1  }
0xb2: {  	s5 =	sor.u32 @!p0 s5, s7;
	[sflag:s6] =	ssyncadd.s32 @!p0 $0xFFFFFFFF  }
0xb3: {  	s25 =	simm.s32 $0x1B8E;
	s24 =	sld [smem:$0x3FFE];
	[sflag:s5] =	ssyncadd.remote.s32 @!p0 $0x1  }
0xb4: {  	s26 =	simm.s32 $execute0_lowered;
	[smem:$0x3FD2] =	sst s25  }
0xb5: {  	s6 =	sshll.u32 s26, $0x1;
	_ =	strace $0x80000049;
	[dreg:$0x1] =	wrdreg $0xFFFFFFFF  }
0xb6: {  	s28 =	simm.s32 $_size_execute0_lowered;
	s4 =	sadd.s32 s4, s6;
	[dreg:$0x0] =	wrdreg $0x0  }
0xb7: {  	s6 =	sshll.u32 s28, $0x1;
	[dreg:$0x2] =	wrdreg s4  }
0xb8: {  	[dreg:$0x3] =	wrdreg s6  }
0xb9: {  	[dreg:$0x4] =	wrdreg $0xC0  }
0xba: {  	_ =	task [dreg:s22], $0x5FFFF  }
0xbb: {  	[dreg:$0x1] =	wrdreg $0xFFFFFFFF  }
0xbc: {  	[dreg:$0x0] =	wrdreg $0x60  }
0xbd: {  	[dreg:$0x2] =	wrdreg s18  }
0xbe: {  	[dreg:$0x3] =	wrdreg s24  }
0xbf: {  	[dreg:$0x4] =	wrdreg $0xF8000  }
0xc0: {  	[dreg:$0x5] =	wrdreg $0x9  }
0xc1: {  	_ =	task.clear_ibuf [dreg:s22], $0x6FFFF;
	_ =	strace $0x90000049  }
0xc2: {  	s29 =	simm.s32 $0x9;
	_ =	strace $0x8000004B  }
0xc3: {  	_ =	swait.ge [sflag:s29], $0x1  }
0xc4: {  	[sflag:s29] =	ssyncadd.s32 $0xFFFFFFFF  }
0xc5: {  	_ =	strace $0x9000004B  }
0xc6: {  	_ =	sfence  }
0xc7: {  	s30 =	sld [smem:$0x0];
	_ =	sdelay $0x2  }
0xc8: {  	s31 =	sshll.u32 s1, $0xD;
	s1 =	sshrl.u32 s1, $0x2  }
0xc9: {  	s4 =	sand.u32 $0x4000, s31;
	s1 =	sadd.s32 s1, s30  }
0xca: {  	s0 =	sor.u32 s4, s0;
	s1 =	sshll.u32 s1, $0x11  }
0xcb: {  	s0 =	sor.u32 s1, s0  }
0xcc: {  	s0 =	sadd.s32 $0x8F2B, s0  }
0xcd: {  	[sflag:s0] =	ssyncadd.remote.s32 $0x1  }
0xce: {  	_ =	sfence.sel $0xFFFF  }
0xcf: {  	[dreg:$0x0] =	wrdreg $0xFFFFFFFF;
	(pc) =	sbr.abs _section_cstart, $3  }
0xd0: {  	[dreg:$0x1] =	wrdreg $0xFFFFFFFF  }
0xd1: {  	_ =	task.clear_ibuf [dreg:s22], $0x2FFFF;
	_ =	strace $0x9FFFFFFF  }
0xd2: {  	(tm) =	ssettm $0x7FFFFFFF  }
0xd3: {  	_ =	shalt  }
tec
execute0_lowered:
.L_overlay_start_1:
0x0: {  	(tag) =	ssettag $0x1  }
0x1: {  	s0 =	rddreg [dreg:$0x0]  }
0x2: {  	s1 =	rddreg [dreg:$0x1];
	s2 =	srdreg.scid  }
0x3: {  	s3 =	rddreg [dreg:$0x2];
	s8 =	stileid.u32;
	s4 =	simm.s32 $0x0  }
0x4: {  	s28 =	simm.s32 $0x9000;
	s30 =	simm.s32 $0xB000;
	s31 =	simm.s32 $0x1  }
0x5: {  	s29 =	simm.s32 $0x6;
	s2 =	sand.u32 $0x1, s2;
	s6 =	smul.u32 $0x2800, s8  }
0x6: {  	[smem:$0x7FF] =	sst s4;
	s18 =	sadd.s32 $0x1FC00, s1;
	s12 =	smul.u32 $0xA000, s8  }
0x7: {  	s5 =	smul.u32 $0x28000, s2;
	_ =	strace $0x8000004A;
	s19 =	ssub.s32 $0x2, s2  }
0x8: {  	[dreg:$0x4] =	wrdreg s18;
	s2 =	smul.u32 $0xA0000, s2;
	s7 =	sshrl.u32 s19, $0x1  }
0x9: {  	s8 =	sadd.s32 s12, s3;
	s22 =	sadd.s32 $0x2000, s12;
	s13 =	sadd.s32 $0x4000, s12  }
0xa: {  	s14 =	sadd.s32 $0x6000, s12;
	s15 =	sadd.s32 $0x8000, s12;
	s5 =	sadd.s32 s6, s5  }
0xb: {  	s6 =	ssub.s32 s19, s7;
	s9 =	sadd.s32 s22, s3;
	s10 =	sadd.s32 s13, s3  }
0xc: {  	s11 =	sadd.s32 s14, s3;
	s16 =	sadd.s32 s12, s2;
	s7 =	sadd.s32 s2, s22  }
0xd: {  	s12 =	sadd.s32 s15, s3;
	s25 =	sadd.s32 s2, s13;
	s26 =	sadd.s32 s2, s14  }
0xe: {  	s2 =	sadd.s32 s2, s15;
	s22 =	simm.s32 $0x5000;
	s5 =	sshrl.u32 s5, $0x3  }
0xf: {  	s16 =	sshrl.u32 s16, $0x3;
	s7 =	sshrl.u32 s7, $0x3;
	s5 =	sadd.s32 s5, s1  }
0x10: {  	s2 =	sshrl.u32 s2, $0x3;
	s19 =	smax.u32 s6, $0x1;
	s20 =	sadd.s32 $0xBC00, s5  }
0x11: {  	s6 =	simm.s32 $0x8;
	s21 =	sadd.s32 $0x15C00, s5;
	[dreg:$0x5] =	wrdreg s20  }
0x12: {  	s1 =	sadd.s32 $0x52000, s1;
	s5 =	sadd.s32 $0x48000, s5;
	[dreg:$0x6] =	wrdreg s21  }
0x13: {  	s23 =	sadd.s32 s1, s16;
	s24 =	sadd.s32 s1, s7;
	[dreg:$0x7] =	wrdreg s5  }
0x14: {  	s7 =	sshrl.u32 s26, $0x3;
	s18 =	sadd.s32 s1, s2;
	[dreg:$0x8] =	wrdreg s23  }
0x15: {  	s2 =	simm.s32 $0x3;
	s26 =	simm.s32 $0x5;
	[dreg:$0x9] =	wrdreg s24  }
0x16: {  	s5 =	sshrl.u32 s25, $0x3;
	s17 =	sadd.s32 s1, s7;
	s20 =	simm.s32 $0x9  }
0x17: {  	s23 =	simm.s32 $0xD000;
	s24 =	simm.s32 $0x80;
	s25 =	simm.s32 $0x7000  }
0x18: {  	s21 =	simm.s32 $0x4;
	s7 =	simm.s32 $0x0;
	s5 =	sadd.s32 s1, s5  }
0x19: {  	v0 =	vimm.f32 $0.0e+00;
	v1 =	vimm.f32 $1.000000000e+00;
	s1 =	simm.s32 $0x2;
	[dreg:$0xa] =	wrdreg s5;
	s5 =	simm.s32 $0x7  }
.LBB2_1:
0x1a: {  	s13 =	rddreg [dreg:$0x5]  }
0x1b: {  	[tilespmem:s4], [sflag:$0x9] =	stream.linear.gather [hbm4b:s13+s4], $0x2800, $0x38;
	[tilespmem:$0x19800] =	vst v63  }
0x1c: {  	_ =	swait.ge [sflag:s20], $0x2800  }
0x1d: {  	[sflag:s20] =	ssyncset.done $0x0  }
0x1e: {  	s14 =	simm.s32 $0x2800;
	s15 =	rddreg [dreg:$0x6];
	[sflag:s20] =	ssyncadd.s32 $0xFFFFD800  }
0x1f: {  	[tilespmem:s14], [sflag:$0x9] =	stream.linear.gather [hbm4b:s15+s4], $0x2800, $0x38;
	[tilespmem:$0x19800] =	vst v63  }
0x20: {  	_ =	swait.ge [sflag:s20], $0x2800  }
0x21: {  	[sflag:s20] =	ssyncset.done $0x0  }
0x22: {  	s16 =	rddreg [dreg:$0x4];
	[sflag:s20] =	ssyncadd.s32 $0xFFFFD800  }
0x23: {  	[tilespmem:s22], [sflag:$0x9] =	stream.linear.gather [hbm4b:s16+s4], $0x2000, $0x38;
	[tilespmem:$0x19800] =	vst v63  }
0x24: {  	_ =	swait.ge [sflag:s20], $0x2000  }
0x25: {  	[sflag:s20] =	ssyncset.done $0x0  }
0x26: {  	[sflag:s20] =	ssyncadd.s32 $0xFFFFE000  }
0x27: {  	[spmem:s8] =	stream.linear.scatter [tilespmem:s22], [sflag:$0x9], $0x2000, $0x38;
	[tilespmem:$0x19800] =	vst v63  }
0x28: {  	_ =	swait.ge [sflag:s20], $0x2000  }
0x29: {  	[sflag:s20] =	ssyncset.done $0x0  }
0x2a: {  	[sflag:s20] =	ssyncadd.s32 $0xFFFFE000  }
0x2b: {  	[spmem:s9] =	stream.linear.scatter [tilespmem:s22], [sflag:$0x9], $0x2000, $0x38;
	[tilespmem:$0x19800] =	vst v63  }
0x2c: {  	_ =	swait.ge [sflag:s20], $0x2000  }
0x2d: {  	[sflag:s20] =	ssyncset.done $0x0  }
0x2e: {  	[sflag:s20] =	ssyncadd.s32 $0xFFFFE000  }
0x2f: {  	[spmem:s10] =	stream.linear.scatter [tilespmem:s22], [sflag:$0x9], $0x2000, $0x38;
	[tilespmem:$0x19800] =	vst v63  }
0x30: {  	_ =	swait.ge [sflag:s20], $0x2000  }
0x31: {  	[sflag:s20] =	ssyncset.done $0x0  }
0x32: {  	[sflag:s20] =	ssyncadd.s32 $0xFFFFE000  }
0x33: {  	[spmem:s11] =	stream.linear.scatter [tilespmem:s22], [sflag:$0x9], $0x2000, $0x38;
	[tilespmem:$0x19800] =	vst v63  }
0x34: {  	_ =	swait.ge [sflag:s20], $0x2000  }
0x35: {  	[sflag:s20] =	ssyncset.done $0x0  }
0x36: {  	[sflag:s20] =	ssyncadd.s32 $0xFFFFE000  }
0x37: {  	[spmem:s12] =	stream.linear.scatter [tilespmem:s22], [sflag:$0x9], $0x2000, $0x38;
	[tilespmem:$0x19800] =	vst v63  }
0x38: {  	_ =	swait.ge [sflag:s20], $0x2000  }
0x39: {  	[sflag:s20] =	ssyncset.done $0x0  }
0x3a: {  	s13 =	simm.s32 $0x0;
	[sflag:s20] =	ssyncadd.s32 $0xFFFFE000  }
.LBB2_2:
0x3b: {  	p0 =	sne.s32 s13, $0x9FC0  }
.Ltmp0:
0x3c: {  	_ = 	snop;
	(pc) =	sbr.rel @p0 .LBB2_2-.Ltmp0, $3  }
0x3d: {  	_ =	sdelay $0x1  }
0x3e: {  	s14 =	sshra.s32 s13, $0x2  }
0x3f: {  	s13 =	sadd.s32 $0x40, s13;
	[tilespmem:s14+$0xD000] =	vst v0  }
0x40: {  	s13 =	simm.s32 $0x0  }
0x41: {  	s14 =	sand.u32 $0xFE00, s13  }
0x42: {  	s13 =	sand.u32 $0x70, s13;
	s14 =	sshrl.u32 s14, $0x2  }
0x43: {  	s13 =	sor.u32 s13, s14  }
0x44: {  	v2 =	vld [tilespmem:s13+$0x2800];
	_ =	sdelay $0x4  }
0x45: {  	s15 =	simm.s32 $0x40  }
0x46: {  	s15 =	sand.u32 $0xFE00, s15;
	s14 =	simm.s32 $0x80;
	s13 =	simm.s32 $0x10  }
.LBB2_4:
0x47: {  	p0 =	sne.s32 s14, $0x9FC0;
	s16 =	sand.u32 $0x70, s13;
	s15 =	sshrl.u32 s15, $0x2  }
0x48: {  	s15 =	sor.u32 s16, s15;
	[tilespmem:v2+s23+$0x0] =	vst.idx.add.f32.msk $0xffff, v1  }
0x49: {  	v2 =	vld [tilespmem:s15+$0x2800];
	_ =	sdelay $0x1  }
.Ltmp1:
0x4a: {  	(pc) =	sbr.rel @p0 .LBB2_4-.Ltmp1, $2  }
0x4b: {  	_ =	sdelay $0x2  }
0x4c: {  	s13 =	sadd.s32 $0x10, s13;
	s15 =	sand.u32 $0xFE00, s14;
	s14 =	sadd.s32 $0x40, s14  }
0x4d: {  	_ =	sdelay $0x2  }
0x4e: {  	s13 =	sand.u32 $0x70, s13;
	s14 =	sshrl.u32 s15, $0x2  }
0x4f: {  	[tilespmem:v2+s23+$0x0] =	vst.idx.add.f32.msk $0xffff, v1;
	s13 =	sor.u32 s13, s14  }
0x50: {  	v2 =	vld [tilespmem:s13+$0x2800];
	_ =	sdelay $0x7  }
0x51: {  	s15 =	simm.s32 $0x0;
	s16 =	rddreg [dreg:$0x7];
	[tilespmem:v2+s23+$0x0] =	vst.idx.add.f32.msk $0xffff, v1  }
0x52: {  	[hbm4b:s16+s15] =	stream.linear.scatter [tilespmem:s23], [sflag:$0x9], $0x2800, $0x38;
	[tilespmem:$0x19800] =	vst v63  }
0x53: {  	_ =	swait.ge [sflag:s20], $0x2800  }
0x54: {  	[sflag:s20] =	ssyncset.done $0x0  }
0x55: {  	[sflag:s20] =	ssyncadd.s32 $0xFFFFD800  }
0x56: {  	[bflag:$0x0] =	sbarrier.arrive $0xFFFF  }
0x57: {  	[tilespmem:s22], [sflag:$0x1] =	stream.indirect.gather [hbm4b:s0+s24], $0x40, s15, s24, $0xb8;
	[tilespmem:$0x19800] =	vst v63  }
0x58: {  	_ = 	snop  }
0x59: {  	[tilespmem:s25], [sflag:$0x2] =	stream.indirect.gather [hbm4b:s0+s24], $0x40, s24, s24, $0xb8;
	[tilespmem:$0x19800] =	vst v63  }
0x5a: {  	s14 =	simm.s32 $0x100  }
0x5b: {  	[tilespmem:s28], [sflag:$0x3] =	stream.indirect.gather [hbm4b:s0+s24], $0x40, s14, s24, $0xb8;
	[tilespmem:$0x19800] =	vst v63  }
0x5c: {  	s15 =	simm.s32 $0x180  }
0x5d: {  	[tilespmem:s30], [sflag:$0x4] =	stream.indirect.gather [hbm4b:s0+s24], $0x40, s15, s24, $0xb8;
	[tilespmem:$0x19800] =	vst v63  }
0x5e: {  	_ =	swait.ge [sflag:s31], $0x2000  }
0x5f: {  	[sflag:s31] =	ssyncset.done $0x0  }
0x60: {  	s16 =	simm.s32 $0x2800;
	[sflag:s31] =	ssyncadd.s32 $0xFFFFE000  }
0x61: {  	[spmem:s3] =	stream.indirect.scatter.add.f32 [tilespmem:s22], [sflag:$0x5], $0x40, s16, s24, $0xb8;
	[tilespmem:$0x19800] =	vst v63  }
0x62: {  	_ =	swait.ge [sflag:s1], $0x2000  }
0x63: {  	[sflag:s1] =	ssyncset.done $0x0  }
0x64: {  	s14 =	simm.s32 $0x2880;
	[sflag:s1] =	ssyncadd.s32 $0xFFFFE000  }
0x65: {  	[spmem:s3] =	stream.indirect.scatter.add.f32 [tilespmem:s25], [sflag:$0x6], $0x40, s14, s24, $0xb8;
	[tilespmem:$0x19800] =	vst v63  }
0x66: {  	_ =	swait.ge [sflag:s2], $0x2000  }
0x67: {  	[sflag:s2] =	ssyncset.done $0x0  }
0x68: {  	s15 =	simm.s32 $0x2900;
	[sflag:s2] =	ssyncadd.s32 $0xFFFFE000  }
0x69: {  	[spmem:s3] =	stream.indirect.scatter.add.f32 [tilespmem:s28], [sflag:$0x7], $0x40, s15, s24, $0xb8;
	[tilespmem:$0x19800] =	vst v63  }
0x6a: {  	_ =	swait.ge [sflag:s21], $0x2000  }
0x6b: {  	[sflag:s21] =	ssyncset.done $0x0  }
0x6c: {  	s16 =	simm.s32 $0x2980;
	[sflag:s21] =	ssyncadd.s32 $0xFFFFE000  }
0x6d: {  	[spmem:s3] =	stream.indirect.scatter.add.f32 [tilespmem:s30], [sflag:$0x8], $0x40, s16, s24, $0xb8;
	[tilespmem:$0x19800] =	vst v63  }
0x6e: {  	_ =	swait.ge [sflag:s26], $0x2000  }
0x6f: {  	[sflag:s26] =	ssyncset.done $0x0  }
0x70: {  	s14 =	simm.s32 $0x200;
	[sflag:s26] =	ssyncadd.s32 $0xFFFFE000  }
0x71: {  	[tilespmem:s22], [sflag:$0x1] =	stream.indirect.gather [hbm4b:s0+s24], $0x40, s14, s24, $0xb8;
	[tilespmem:$0x19800] =	vst v63  }
0x72: {  	_ =	swait.ge [sflag:s29], $0x2000  }
0x73: {  	[sflag:s29] =	ssyncset.done $0x0  }
0x74: {  	s15 =	simm.s32 $0x280;
	[sflag:s29] =	ssyncadd.s32 $0xFFFFE000  }
0x75: {  	[tilespmem:s25], [sflag:$0x2] =	stream.indirect.gather [hbm4b:s0+s24], $0x40, s15, s24, $0xb8;
	[tilespmem:$0x19800] =	vst v63  }
0x76: {  	_ =	swait.ge [sflag:s5], $0x2000  }
0x77: {  	[sflag:s5] =	ssyncset.done $0x0  }
0x78: {  	s16 =	simm.s32 $0x300;
	[sflag:s5] =	ssyncadd.s32 $0xFFFFE000  }
0x79: {  	[tilespmem:s28], [sflag:$0x3] =	stream.indirect.gather [hbm4b:s0+s24], $0x40, s16, s24, $0xb8;
	[tilespmem:$0x19800] =	vst v63  }
0x7a: {  	_ =	swait.ge [sflag:s6], $0x2000  }
0x7b: {  	[sflag:s6] =	ssyncset.done $0x0  }
0x7c: {  	s13 =	simm.s32 $0x800;
	s14 =	simm.s32 $0x380;
	[sflag:s6] =	ssyncadd.s32 $0xFFFFE000  }
.LBB2_6:
0x7d: {  	[tilespmem:s30], [sflag:$0x4] =	stream.indirect.gather [hbm4b:s0+s24], $0x40, s14, s24, $0xb8;
	[tilespmem:$0x19800] =	vst v63  }
0x7e: {  	s14 =	smov.u32 s13  }
0x7f: {  	p0 =	sne.s32 s13, $0x9000;
	s13 =	sadd.s32 $0x800, s13;
	_ =	swait.ge [sflag:s31], $0x2000  }
0x80: {  	s14 =	sshra.s32 s14, $0x2;
	[sflag:s31] =	ssyncset.done $0x0  }
0x81: {  	s15 =	sadd.s32 $0x2800, s14;
	[sflag:s31] =	ssyncadd.s32 $0xFFFFE000  }
0x82: {  	[spmem:s3] =	stream.indirect.scatter.add.f32 [tilespmem:s22], [sflag:$0x5], $0x40, s15, s24, $0xb8;
	[tilespmem:$0x19800] =	vst v63  }
0x83: {  	_ =	swait.ge [sflag:s1], $0x2000  }
0x84: {  	[sflag:s1] =	ssyncset.done $0x0  }
0x85: {  	s15 =	sadd.s32 $0x2880, s14;
	[sflag:s1] =	ssyncadd.s32 $0xFFFFE000  }
0x86: {  	[spmem:s3] =	stream.indirect.scatter.add.f32 [tilespmem:s25], [sflag:$0x6], $0x40, s15, s24, $0xb8;
	[tilespmem:$0x19800] =	vst v63  }
0x87: {  	_ =	swait.ge [sflag:s2], $0x2000  }
0x88: {  	[sflag:s2] =	ssyncset.done $0x0  }
0x89: {  	s15 =	sadd.s32 $0x2900, s14;
	[sflag:s2] =	ssyncadd.s32 $0xFFFFE000  }
0x8a: {  	[spmem:s3] =	stream.indirect.scatter.add.f32 [tilespmem:s28], [sflag:$0x7], $0x40, s15, s24, $0xb8;
	[tilespmem:$0x19800] =	vst v63  }
0x8b: {  	_ =	swait.ge [sflag:s21], $0x2000  }
0x8c: {  	[sflag:s21] =	ssyncset.done $0x0  }
0x8d: {  	s15 =	sadd.s32 $0x2980, s14;
	[sflag:s21] =	ssyncadd.s32 $0xFFFFE000  }
0x8e: {  	[spmem:s3] =	stream.indirect.scatter.add.f32 [tilespmem:s30], [sflag:$0x8], $0x40, s15, s24, $0xb8;
	[tilespmem:$0x19800] =	vst v63  }
0x8f: {  	_ =	swait.ge [sflag:s26], $0x2000  }
0x90: {  	[sflag:s26] =	ssyncset.done $0x0  }
0x91: {  	s15 =	sadd.s32 $0x200, s14;
	[sflag:s26] =	ssyncadd.s32 $0xFFFFE000  }
0x92: {  	[tilespmem:s22], [sflag:$0x1] =	stream.indirect.gather [hbm4b:s0+s24], $0x40, s15, s24, $0xb8;
	[tilespmem:$0x19800] =	vst v63  }
0x93: {  	_ =	swait.ge [sflag:s29], $0x2000  }
0x94: {  	[sflag:s29] =	ssyncset.done $0x0  }
0x95: {  	s15 =	sadd.s32 $0x280, s14;
	[sflag:s29] =	ssyncadd.s32 $0xFFFFE000  }
0x96: {  	[tilespmem:s25], [sflag:$0x2] =	stream.indirect.gather [hbm4b:s0+s24], $0x40, s15, s24, $0xb8;
	[tilespmem:$0x19800] =	vst v63  }
0x97: {  	_ =	swait.ge [sflag:s5], $0x2000  }
0x98: {  	[sflag:s5] =	ssyncset.done $0x0  }
.Ltmp2:
0x99: {  	s15 =	sadd.s32 $0x300, s14;
	[sflag:s5] =	ssyncadd.s32 $0xFFFFE000;
	(pc) =	sbr.rel @p0 .LBB2_6-.Ltmp2, $4  }
0x9a: {  	[tilespmem:s28], [sflag:$0x3] =	stream.indirect.gather [hbm4b:s0+s24], $0x40, s15, s24, $0xb8;
	[tilespmem:$0x19800] =	vst v63  }
0x9b: {  	_ =	swait.ge [sflag:s6], $0x2000  }
0x9c: {  	[sflag:s6] =	ssyncset.done $0x0  }
0x9d: {  	s14 =	sadd.s32 $0x380, s14;
	[sflag:s6] =	ssyncadd.s32 $0xFFFFE000  }
0x9e: {  	[tilespmem:s30], [sflag:$0x4] =	stream.indirect.gather [hbm4b:s0+s24], $0x40, s14, s24, $0xb8;
	[tilespmem:$0x19800] =	vst v63  }
0x9f: {  	_ =	swait.ge [sflag:s31], $0x2000  }
0xa0: {  	[sflag:s31] =	ssyncset.done $0x0  }
0xa1: {  	s13 =	simm.s32 $0x4E00;
	[sflag:s31] =	ssyncadd.s32 $0xFFFFE000  }
0xa2: {  	[spmem:s3] =	stream.indirect.scatter.add.f32 [tilespmem:s22], [sflag:$0x5], $0x40, s13, s24, $0xb8;
	[tilespmem:$0x19800] =	vst v63  }
0xa3: {  	_ =	swait.ge [sflag:s1], $0x2000  }
0xa4: {  	[sflag:s1] =	ssyncset.done $0x0  }
0xa5: {  	s14 =	simm.s32 $0x4E80;
	[sflag:s1] =	ssyncadd.s32 $0xFFFFE000  }
0xa6: {  	[spmem:s3] =	stream.indirect.scatter.add.f32 [tilespmem:s25], [sflag:$0x6], $0x40, s14, s24, $0xb8;
	[tilespmem:$0x19800] =	vst v63  }
0xa7: {  	_ =	swait.ge [sflag:s2], $0x2000  }
0xa8: {  	[sflag:s2] =	ssyncset.done $0x0  }
0xa9: {  	s15 =	simm.s32 $0x4F00;
	[sflag:s2] =	ssyncadd.s32 $0xFFFFE000  }
0xaa: {  	[spmem:s3] =	stream.indirect.scatter.add.f32 [tilespmem:s28], [sflag:$0x7], $0x40, s15, s24, $0xb8;
	[tilespmem:$0x19800] =	vst v63  }
0xab: {  	_ =	swait.ge [sflag:s21], $0x2000  }
0xac: {  	[sflag:s21] =	ssyncset.done $0x0  }
0xad: {  	s16 =	simm.s32 $0x4F80;
	[sflag:s21] =	ssyncadd.s32 $0xFFFFE000  }
0xae: {  	[spmem:s3] =	stream.indirect.scatter.add.f32 [tilespmem:s30], [sflag:$0x8], $0x40, s16, s24, $0xb8;
	[tilespmem:$0x19800] =	vst v63  }
0xaf: {  	_ =	swait.ge [sflag:s26], $0x2000  }
0xb0: {  	[sflag:s26] =	ssyncset.done $0x0  }
0xb1: {  	[sflag:s26] =	ssyncadd.s32 $0xFFFFE000  }
0xb2: {  	_ =	swait.ge [sflag:s29], $0x2000  }
0xb3: {  	[sflag:s29] =	ssyncset.done $0x0  }
0xb4: {  	[sflag:s29] =	ssyncadd.s32 $0xFFFFE000  }
0xb5: {  	_ =	swait.ge [sflag:s5], $0x2000  }
0xb6: {  	[sflag:s5] =	ssyncset.done $0x0  }
0xb7: {  	[sflag:s5] =	ssyncadd.s32 $0xFFFFE000  }
0xb8: {  	_ =	swait.ge [sflag:s6], $0x2000  }
0xb9: {  	[sflag:s6] =	ssyncset.done $0x0  }
0xba: {  	[sflag:s6] =	ssyncadd.s32 $0xFFFFE000  }
0xbb: {  	[bflag:$0x0] =	sbarrier.arrive $0xFFFF  }
0xbc: {  	[tilespmem:s22], [sflag:$0x9] =	stream.linear.gather [spmem:s8], $0x2000, $0x38;
	[tilespmem:$0x19800] =	vst v63  }
0xbd: {  	_ =	swait.ge [sflag:s20], $0x2000  }
0xbe: {  	[sflag:s20] =	ssyncset.done $0x0  }
0xbf: {  	s14 =	rddreg [dreg:$0x8];
	[sflag:s20] =	ssyncadd.s32 $0xFFFFE000  }
0xc0: {  	[hbm4b:s14+s4] =	stream.linear.scatter [tilespmem:s22], [sflag:$0x5], $0x2000, $0x38;
	[tilespmem:$0x19800] =	vst v63  }
0xc1: {  	_ = 	snop  }
0xc2: {  	[tilespmem:s25], [sflag:$0x9] =	stream.linear.gather [spmem:s9], $0x2000, $0x38;
	[tilespmem:$0x19800] =	vst v63  }
0xc3: {  	_ =	swait.ge [sflag:s20], $0x2000  }
0xc4: {  	[sflag:s20] =	ssyncset.done $0x0  }
0xc5: {  	s15 =	rddreg [dreg:$0x9];
	[sflag:s20] =	ssyncadd.s32 $0xFFFFE000  }
0xc6: {  	[hbm4b:s15+s4] =	stream.linear.scatter [tilespmem:s25], [sflag:$0x6], $0x2000, $0x38;
	[tilespmem:$0x19800] =	vst v63  }
0xc7: {  	_ = 	snop  }
0xc8: {  	[tilespmem:s28], [sflag:$0x9] =	stream.linear.gather [spmem:s10], $0x2000, $0x38;
	[tilespmem:$0x19800] =	vst v63  }
0xc9: {  	_ =	swait.ge [sflag:s20], $0x2000  }
0xca: {  	[sflag:s20] =	ssyncset.done $0x0  }
0xcb: {  	s16 =	rddreg [dreg:$0xa];
	[sflag:s20] =	ssyncadd.s32 $0xFFFFE000  }
0xcc: {  	[hbm4b:s16+s4] =	stream.linear.scatter [tilespmem:s28], [sflag:$0x7], $0x2000, $0x38;
	[tilespmem:$0x19800] =	vst v63  }
0xcd: {  	_ = 	snop  }
0xce: {  	[tilespmem:s30], [sflag:$0x9] =	stream.linear.gather [spmem:s11], $0x2000, $0x38;
	[tilespmem:$0x19800] =	vst v63  }
0xcf: {  	_ =	swait.ge [sflag:s20], $0x2000  }
0xd0: {  	[sflag:s20] =	ssyncset.done $0x0  }
0xd1: {  	[sflag:s20] =	ssyncadd.s32 $0xFFFFE000  }
0xd2: {  	[hbm4b:s17+s4] =	stream.linear.scatter [tilespmem:s30], [sflag:$0x8], $0x2000, $0x38;
	[tilespmem:$0x19800] =	vst v63  }
0xd3: {  	_ =	swait.ge [sflag:s26], $0x2000  }
0xd4: {  	[sflag:s26] =	ssyncset.done $0x0  }
0xd5: {  	[sflag:s26] =	ssyncadd.s32 $0xFFFFE000  }
0xd6: {  	[tilespmem:s22], [sflag:$0x9] =	stream.linear.gather [spmem:s12], $0x2000, $0x38;
	[tilespmem:$0x19800] =	vst v63  }
0xd7: {  	_ =	swait.ge [sflag:s20], $0x2000  }
0xd8: {  	[sflag:s20] =	ssyncset.done $0x0  }
0xd9: {  	[sflag:s20] =	ssyncadd.s32 $0xFFFFE000  }
0xda: {  	[hbm4b:s18+s4] =	stream.linear.scatter [tilespmem:s22], [sflag:$0x5], $0x2000, $0x38;
	[tilespmem:$0x19800] =	vst v63  }
0xdb: {  	_ =	swait.ge [sflag:s29], $0x2000  }
0xdc: {  	[sflag:s29] =	ssyncset.done $0x0  }
0xdd: {  	[sflag:s29] =	ssyncadd.s32 $0xFFFFE000  }
0xde: {  	_ =	swait.ge [sflag:s5], $0x2000  }
0xdf: {  	[sflag:s5] =	ssyncset.done $0x0  }
0xe0: {  	s7 =	sadd.s32 $0x1, s7;
	[sflag:s5] =	ssyncadd.s32 $0xFFFFE000  }
0xe1: {  	p0 =	sne.s32 s7, s19;
	_ =	swait.ge [sflag:s6], $0x2000  }
.Ltmp3:
0xe2: {  	[sflag:s6] =	ssyncset.done $0x0;
	(pc) =	sbr.rel @p0 .LBB2_1-.Ltmp3, $4  }
0xe3: {  	[sflag:s6] =	ssyncadd.s32 $0xFFFFE000  }
0xe4: {  	_ =	swait.ge [sflag:s26], $0x2000  }
0xe5: {  	[sflag:s26] =	ssyncset.done $0x0  }
0xe6: {  	[sflag:s26] =	ssyncadd.s32 $0xFFFFE000  }
0xe7: {  	_ =	sfence.sel $0x180000  }
0xe8: {  	[bflag:$0x0] =	sbarrier.arrive $0xFFFF  }
0xe9: {  	_ =	strace $0x9000004A  }
0xea: {  	s0 =	stileid.u32;
	[bflag:$0x2] =	sbarrier.arrive $0xFFFF  }
0xeb: {  	p0 =	sne.s32 s0, $0x0;
	s0 =	rddreg [dreg:$0x3]  }
0xec: {  	s0 =	sadd.s32 @!p0 $0x100000, s0  }
0xed: {  	[sflag:s0] =	ssyncadd.tile.s32 @!p0 $0x1;
	_ =	shalt  }
.Lfunc_end2:
_tile_overlayer_lowered:
.L_overlay_start_2:
0xee: {  	(tag) =	ssettag $0x2  }
0xef: {  	s0 =	rddreg [dreg:$0x0];
	s2 =	stileid.u32  }
0xf0: {  	s1 =	rddreg [dreg:$0x1];
	p0 =	sne.s32 s2, $0x0  }
0xf1: {  	s3 =	rddreg [dreg:$0x2];
	[bflag:$0x3] =	sbarrier.arrive $0xFFFF;
	s2 =	simm.s32 @!p0 $0x1C09  }
0xf2: {  	[timem:s3], [sflag:s2] =	dma.local @!p0 [hbm:s0], s1  }
0xf3: {  	s0 =	simm.s32 @!p0 $0x9  }
0xf4: {  	_ =	swait.ge @!p0 [sflag:s0], s1  }
0xf5: {  	s1 =	ssub.s32 @!p0 $0x0, s1;
	[sflag:s0] =	ssyncset.done @!p0 $0x0  }
0xf6: {  	[sflag:s0] =	ssyncadd.s32 @!p0 s1  }
0xf7: {  	[bflag:$0x3] =	sbarrier.arrive $0xFFFF  }
0xf8: {  	_ =	shalt  }

// kernel: kernel.9.cloned.1.call-start
scs
__scs_entry_jumppad:
0x0: {  	(pc) =	sbr.rel $0x88, $3  }
0x1: {  	(tag) =	ssettag $0x0;
	lr =	simm.s32 $0x1  }
0x2: {  	[smem:$0x3F9A] =	sst lr;
	_ =	strace $0xD0000000  }
0x3: {  	_ = 	snop  }
0x4: {  	_ = 	snop  }
0x5: {  	_ = 	snop  }
0x6: {  	_ = 	snop  }
0x7: {  	_ = 	snop  }
__scs_overlays_trampoline_lowered:
0x8: {  	[smem:$0x3FA9] =	sst s0  }
0x9: {  	[smem:$0x3FAA] =	sst s1  }
0xa: {  	[smem:$0x3FAB] =	sst s2  }
0xb: {  	[smem:$0x3FAC] =	sst s3  }
0xc: {  	[smem:$0x3FAD] =	sst s4  }
0xd: {  	[smem:$0x3FAE] =	sst s5  }
0xe: {  	[smem:$0x3FAF] =	sst s6  }
0xf: {  	[smem:$0x3FB0] =	sst s7  }
0x10: {  	[smem:$0x3FB1] =	sst s8  }
0x11: {  	[smem:$0x3FB2] =	sst s9;
	s0 =	simm.s32 @!p0 $0x0  }
0x12: {  	s1 =	sld [smem:$0x3F98];
	s0 =	simm.s32 @p0 $0x1  }
0x13: {  	[smem:$0x3FB3] =	sst s0;
	s0 =	simm.s32 @!p1 $0x0  }
0x14: {  	s2 =	sld [smem:$0x3F97];
	s0 =	simm.s32 @p1 $0x1  }
0x15: {  	[smem:$0x3FB4] =	sst s0;
	s0 =	simm.s32 @!p2 $0x0  }
0x16: {  	s3 =	sld [smem:$0x3FDB];
	s0 =	simm.s32 @p2 $0x1  }
0x17: {  	s4 =	simm.s32 $0x1BF5;
	[smem:$0x3FB6] =	sst s0  }
0x18: {  	s0 =	sld [smem:$0x3F99];
	_ =	swait.ge [sflag:s4], $0x0  }
0x19: {  	s7 =	sld [smem:$0x3F9A]  }
0x1a: {  	s8 =	sadd.s32 $0xFFFFE003, lr  }
0x1b: {  	s9 =	sadd.s32 $0xFFFFFEF7, lr;
	s5 =	simm.s32 $0xFFFFFFFF;
	p2 =	slt.u32 s8, $0xFFFFF086  }
0x1c: {  	p1 =	slt.u32 s9, $0xF7A;
	s5 =	simm.s32 @!p2 $0x0  }
0x1d: {  	s5 =	simm.s32 @p1 $0x1;
	p0 =	seq.s32 s7, s2  }
0x1e: {  	s7 =	smul.u32 @!p0 $0xF7A, s2;
	p2 =	seq.s32 @!p0 s5, $0x0  }
0x1f: {  	s9 =	smul.u32 $0xF7A, s1;
	s8 =	simm.s32 @!p0 $0x1BF5;
	p2 =	por !p2, p0  }
0x20: {  	[sflag:s8] =	ssyncset.s32 @!p0 $0xFFFFF086;
	s6 =	sadd.s32 @!p0 s3, s7;
	s7 =	simm.s32 @!p0 $0x108  }
0x21: {  	s3 =	sadd.s32 s3, s9;
	s6 =	sadd.s32 @!p0 $0x88, s6;
	s7 =	simm.s32 @p2 $0x1082  }
0x22: {  	[simem:s7], [sflag:s8] =	dma.local @!p0 [hbm:s6], $0xF7A  }
0x23: {  	s9 =	sor.u32 $0xD0000000, s2;
	s6 =	simm.s32 $0x108;
	_ =	swait.ge @!p0 [sflag:s8], $0x0  }
0x24: {  	s3 =	sadd.s32 $0x88, s3;
	s6 =	simm.s32 @!p1 $0x1082;
	[sflag:s4] =	ssyncset.s32 $0xFFFFF086  }
0x25: {  	[simem:s6], [sflag:s4] =	dma.local [hbm:s3], $0xF7A  }
0x26: {  	[smem:$0x3F9A] =	sst s1;
	(tag) =	ssettag s2;
	_ =	strace s9  }
0x27: {  	s1 =	sld [smem:$0x3FAA]  }
0x28: {  	s2 =	sld [smem:$0x3FAB]  }
0x29: {  	s4 =	sld [smem:$0x3FAD]  }
0x2a: {  	p0 =	seq.s32 s5, $0x0;
	s5 =	sld [smem:$0x3FAE]  }
0x2b: {  	s6 =	sld [smem:$0x3FAF]  }
0x2c: {  	s7 =	sld [smem:$0x3FB0]  }
0x2d: {  	s3 =	simm.s32 $0x108;
	s8 =	sld [smem:$0x3FB1]  }
0x2e: {  	s3 =	simm.s32 @!p0 $0x1082;
	s9 =	sld [smem:$0x3FB2]  }
0x2f: {  	lr =	sadd.s32 s0, s3;
	s0 =	sld [smem:$0x3FA9]  }
0x30: {  	s3 =	sld [smem:$0x3FAC]  }
0x31: {  	[smem:$0x3FB5] =	sst s10  }
0x32: {  	s10 =	sld [smem:$0x3FB3];
	_ =	sdelay $0x3  }
0x33: {  	p0 =	seq.s32 s10, $0x1;
	s10 =	sld [smem:$0x3FB5];
	_ =	sdelay $0x3  }
0x34: {  	[smem:$0x3FB5] =	sst s10  }
0x35: {  	s10 =	sld [smem:$0x3FB4];
	_ =	sdelay $0x3  }
0x36: {  	p1 =	seq.s32 s10, $0x1;
	s10 =	sld [smem:$0x3FB5];
	_ =	sdelay $0x3  }
0x37: {  	[smem:$0x3FB5] =	sst s10  }
0x38: {  	s10 =	sld [smem:$0x3FB6]  }
0x39: {  	_ = 	snop;
	(pc) =	sbr.ind lr, $3  }
0x3a: {  	_ = 	snop  }
0x3b: {  	_ = 	snop  }
0x3c: {  	p2 =	seq.s32 s10, $0x1;
	s10 =	sld [smem:$0x3FB5]  }
0x3d: {  	_ =	shalt  }
0x3e: {  	_ =	shalt  }
0x3f: {  	_ =	shalt  }
0x40: {  	_ =	shalt  }
0x41: {  	_ =	shalt  }
0x42: {  	_ =	shalt  }
0x43: {  	_ =	shalt  }
0x44: {  	_ =	shalt  }
0x45: {  	_ =	shalt  }
0x46: {  	_ =	shalt  }
0x47: {  	_ =	shalt  }
0x48: {  	_ =	shalt  }
0x49: {  	_ =	shalt  }
0x4a: {  	_ =	shalt  }
0x4b: {  	_ =	shalt  }
0x4c: {  	_ =	shalt  }
0x4d: {  	_ =	shalt  }
0x4e: {  	_ =	shalt  }
0x4f: {  	_ =	shalt  }
0x50: {  	_ =	shalt  }
0x51: {  	_ =	shalt  }
0x52: {  	_ =	shalt  }
0x53: {  	_ =	shalt  }
0x54: {  	_ =	shalt  }
0x55: {  	_ =	shalt  }
0x56: {  	_ =	shalt  }
0x57: {  	_ =	shalt  }
0x58: {  	_ =	shalt  }
0x59: {  	_ =	shalt  }
0x5a: {  	_ =	shalt  }
0x5b: {  	_ =	shalt  }
0x5c: {  	_ =	shalt  }
0x5d: {  	_ =	shalt  }
0x5e: {  	_ =	shalt  }
0x5f: {  	_ =	shalt  }
0x60: {  	_ =	shalt  }
0x61: {  	_ =	shalt  }
0x62: {  	_ =	shalt  }
0x63: {  	_ =	shalt  }
0x64: {  	_ =	shalt  }
0x65: {  	_ =	shalt  }
0x66: {  	_ =	shalt  }
0x67: {  	_ =	shalt  }
0x68: {  	_ =	shalt  }
0x69: {  	_ =	shalt  }
0x6a: {  	_ =	shalt  }
0x6b: {  	_ =	shalt  }
0x6c: {  	_ =	shalt  }
0x6d: {  	_ =	shalt  }
0x6e: {  	_ =	shalt  }
0x6f: {  	_ =	shalt  }
0x70: {  	_ =	shalt  }
0x71: {  	_ =	shalt  }
0x72: {  	_ =	shalt  }
0x73: {  	_ =	shalt  }
0x74: {  	_ =	shalt  }
0x75: {  	_ =	shalt  }
0x76: {  	_ =	shalt  }
0x77: {  	_ =	shalt  }
0x78: {  	_ =	shalt  }
0x79: {  	_ =	shalt  }
0x7a: {  	_ =	shalt  }
0x7b: {  	_ =	shalt  }
0x7c: {  	_ =	shalt  }
0x7d: {  	_ =	shalt  }
0x7e: {  	_ =	shalt  }
0x7f: {  	_ =	shalt  }
0x80: {  	_ =	shalt  }
0x81: {  	_ =	shalt  }
0x82: {  	_ =	shalt  }
0x83: {  	_ =	shalt  }
0x84: {  	_ =	shalt  }
0x85: {  	_ =	shalt  }
0x86: {  	_ =	shalt  }
0x87: {  	_ =	shalt  }
.Lfunc_end0:
.L_simem_size_0:
called_computation.1_lowered:
.L_overlay_start_0:
0x88: {  	s2 =	sld [smem:$0x3FD9]  }
0x89: {  	s3 =	sld [smem:$0x3FFE];
	_ =	sdelay $0x1  }
0x8a: {  	s1 =	srdreg.scid  }
0x8b: {  	s0 =	sand.u32 $0x1, s1  }
0x8c: {  	s17 =	sshll.u32 s0, $0xA;
	s2 =	sadd.s32 s3, s2  }
0x8d: {  	s2 =	sadd.s32 s2, s17  }
0x8e: {  	[smem:$0x3FC1] =	sst s2  }
0x8f: {  	_ = 	snop  }
0x90: {  	s2 =	sld [smem:$0x3FD0];
	(tm) =	ssettm $0x1  }
0x91: {  	s18 =	sld [smem:$0x3FFB];
	_ =	sdelay $0x3  }
0x92: {  	_ =	strace s18  }
0x93: {  	s3 =	sld [smem:$0x3FFC];
	_ =	sdelay $0x3  }
0x94: {  	_ =	strace s3  }
0x95: {  	s3 =	sld [smem:$0x3FFD];
	_ =	sdelay $0x3  }
0x96: {  	_ =	strace s3  }
0x97: {  	_ =	strace $0x8FFFFFFF  }
0x98: {  	s19 =	sld [smem:$0x3FDB];
	_ =	sdelay $0x1  }
0x99: {  	s4 =	simm.s32 $_scs_section_size  }
0x9a: {  	s5 =	simm.s32 $_size__tile_overlayer_lowered;
	s6 =	simm.s32 $_tile_overlayer_lowered  }
0x9b: {  	s22 =	simm.s32 $0x1BFF;
	s21 =	sshll.u32 s6, $0x1;
	s3 =	sadd.s32 s4, s19  }
0x9c: {  	s7 =	simm.s32 $0x0;
	s20 =	sshll.u32 s5, $0x1;
	s5 =	sadd.s32 s21, s3  }
0x9d: {  	[timem:s7], [sflag:s22] =	dma.local [hbm:s5], s20  }
0x9e: {  	_ =	swait.ge [sflag:s22], s20  }
0x9f: {  	s4 =	ssub.s32 $0x0, s20;
	[sflag:s22] =	ssyncset.done $0x0  }
0xa0: {  	[sflag:s22] =	ssyncadd.s32 s4;
	_ =	sdelay $0x1  }
0xa1: {  	s23 =	simm.s32 $0x1B8B  }
0xa2: {  	_ =	swait.ge [sflag:s23], $0x1  }
0xa3: {  	[sflag:s23] =	ssyncset.done $0x0  }
0xa4: {  	s25 =	simm.s32 $0x1B8E;
	s24 =	sld [smem:$0x3FFE];
	[sflag:s23] =	ssyncadd.s32 $0xFFFFFFFF  }
0xa5: {  	s26 =	simm.s32 $execute0_lowered;
	[smem:$0x3FD2] =	sst s25  }
0xa6: {  	s5 =	sshll.u32 s26, $0x1;
	_ =	strace $0x80000046;
	[dreg:$0x1] =	wrdreg $0xFFFFFFFF  }
0xa7: {  	s28 =	simm.s32 $_size_execute0_lowered;
	s3 =	sadd.s32 s3, s5;
	[dreg:$0x0] =	wrdreg $0x0  }
0xa8: {  	s5 =	sshll.u32 s28, $0x1;
	[dreg:$0x2] =	wrdreg s3  }
0xa9: {  	[dreg:$0x3] =	wrdreg s5  }
0xaa: {  	[dreg:$0x4] =	wrdreg $0xC0  }
0xab: {  	_ =	task [dreg:s7], $0x5FFFF  }
0xac: {  	[dreg:$0x1] =	wrdreg $0xFFFFFFFF  }
0xad: {  	[dreg:$0x0] =	wrdreg $0x60  }
0xae: {  	[dreg:$0x2] =	wrdreg s2  }
0xaf: {  	[dreg:$0x3] =	wrdreg s24  }
0xb0: {  	[dreg:$0x4] =	wrdreg $0xD0000  }
0xb1: {  	[dreg:$0x5] =	wrdreg $0xA  }
0xb2: {  	_ =	task.clear_ibuf [dreg:s7], $0x6FFFF;
	_ =	strace $0x90000046  }
0xb3: {  	s29 =	simm.s32 $0xA;
	_ =	strace $0x80000048  }
0xb4: {  	_ =	swait.ge [sflag:s29], $0x1  }
0xb5: {  	[sflag:s29] =	ssyncadd.s32 $0xFFFFFFFF  }
0xb6: {  	_ =	strace $0x90000048  }
0xb7: {  	_ =	sfence  }
0xb8: {  	s30 =	sld [smem:$0x0];
	_ =	sdelay $0x2  }
0xb9: {  	s31 =	sshll.u32 s1, $0xD;
	s1 =	sshrl.u32 s1, $0x2  }
0xba: {  	s3 =	sand.u32 $0x4000, s31;
	s1 =	sadd.s32 s1, s30  }
0xbb: {  	s0 =	sor.u32 s3, s0;
	s1 =	sshll.u32 s1, $0x11  }
0xbc: {  	s0 =	sor.u32 s1, s0  }
0xbd: {  	s0 =	sadd.s32 $0x8F2B, s0  }
0xbe: {  	[sflag:s0] =	ssyncadd.remote.s32 $0x1  }
0xbf: {  	_ =	sfence.sel $0xFFFF  }
0xc0: {  	[dreg:$0x0] =	wrdreg $0xFFFFFFFF;
	(pc) =	sbr.abs _section_cstart, $3  }
0xc1: {  	[dreg:$0x1] =	wrdreg $0xFFFFFFFF  }
0xc2: {  	_ =	task.clear_ibuf [dreg:s7], $0x2FFFF;
	_ =	strace $0x9FFFFFFF  }
0xc3: {  	(tm) =	ssettm $0x7FFFFFFF  }
tec
execute0_lowered:
.L_overlay_start_1:
0x0: {  	(tag) =	ssettag $0x1  }
0x1: {  	s1 =	rddreg [dreg:$0x0];
	s0 =	srdreg.scid  }
0x2: {  	s2 =	rddreg [dreg:$0x1];
	s8 =	stileid.u32  }
0x3: {  	s3 =	rddreg [dreg:$0x2];
	s4 =	simm.s32 $0x0;
	s19 =	simm.s32 $0x9  }
0x4: {  	s28 =	simm.s32 $0xB000;
	s29 =	simm.s32 $0x1;
	s30 =	simm.s32 $0x2  }
0x5: {  	s31 =	simm.s32 $0x3;
	s0 =	sand.u32 $0x1, s0;
	s6 =	smul.u32 $0x2800, s8  }
0x6: {  	[smem:$0x7FF] =	sst s4;
	s20 =	sadd.s32 $0x1FC00, s2;
	s12 =	smul.u32 $0xA000, s8  }
0x7: {  	s5 =	smul.u32 $0x28000, s0;
	_ =	strace $0x80000047;
	[dreg:$0x4] =	wrdreg s20  }
0x8: {  	s21 =	ssub.s32 $0x2, s0;
	s0 =	smul.u32 $0xA0000, s0;
	s20 =	simm.s32 $0x6  }
0x9: {  	s7 =	sshrl.u32 s21, $0x1;
	s8 =	sadd.s32 s12, s3;
	s23 =	sadd.s32 $0x2000, s12  }
0xa: {  	s24 =	sadd.s32 $0x4000, s12;
	s15 =	sadd.s32 $0x6000, s12;
	s16 =	sadd.s32 $0x8000, s12  }
0xb: {  	s5 =	sadd.s32 s6, s5;
	s6 =	ssub.s32 s21, s7;
	s9 =	sadd.s32 s23, s3  }
0xc: {  	s10 =	sadd.s32 s24, s3;
	s11 =	sadd.s32 s15, s3;
	s13 =	sadd.s32 s12, s0  }
0xd: {  	s12 =	sadd.s32 s16, s3;
	s25 =	sadd.s32 s0, s24;
	s26 =	sadd.s32 s0, s15  }
0xe: {  	s21 =	simm.s32 $0x5000;
	s24 =	simm.s32 $0x7;
	s5 =	sshrl.u32 s5, $0x3  }
0xf: {  	s13 =	sshrl.u32 s13, $0x3;
	s7 =	sshrl.u32 s26, $0x3;
	s5 =	sadd.s32 s5, s2  }
0x10: {  	s18 =	smax.u32 s6, $0x1;
	s26 =	simm.s32 $0x8;
	s22 =	sadd.s32 $0x1C00, s5  }
0x11: {  	s2 =	sadd.s32 $0x20000, s2;
	s5 =	sadd.s32 $0x15C00, s5;
	[dreg:$0x5] =	wrdreg s22  }
0x12: {  	s13 =	sadd.s32 s2, s13;
	[dreg:$0x6] =	wrdreg s5;
	s5 =	sadd.s32 s0, s23  }
0x13: {  	[dreg:$0x7] =	wrdreg s13;
	s0 =	sadd.s32 s0, s16;
	s16 =	sadd.s32 s2, s7  }
0x14: {  	s22 =	simm.s32 $0x80;
	s23 =	simm.s32 $0x7000;
	s5 =	sshrl.u32 s5, $0x3  }
0x15: {  	s0 =	sshrl.u32 s0, $0x3;
	s14 =	sadd.s32 s2, s5;
	s5 =	sshrl.u32 s25, $0x3  }
0x16: {  	s17 =	sadd.s32 s2, s0;
	s25 =	simm.s32 $0x9000;
	s0 =	simm.s32 $0x5  }
0x17: {  	s15 =	sadd.s32 s2, s5;
	s2 =	simm.s32 $0x4;
	s5 =	simm.s32 $0x0  }
.LBB2_1:
0x18: {  	s6 =	rddreg [dreg:$0x5]  }
0x19: {  	[tilespmem:s4], [sflag:$0x9] =	stream.linear.gather [hbm4b:s6+s4], $0x2800, $0x38;
	[tilespmem:$0x17000] =	vst v63  }
0x1a: {  	_ =	swait.ge [sflag:s19], $0x2800  }
0x1b: {  	[sflag:s19] =	ssyncset.done $0x0  }
0x1c: {  	s7 =	simm.s32 $0x2800;
	s13 =	rddreg [dreg:$0x6];
	[sflag:s19] =	ssyncadd.s32 $0xFFFFD800  }
0x1d: {  	[tilespmem:s7], [sflag:$0x9] =	stream.linear.gather [hbm4b:s13+s4], $0x2800, $0x38;
	[tilespmem:$0x17000] =	vst v63  }
0x1e: {  	_ =	swait.ge [sflag:s19], $0x2800  }
0x1f: {  	[sflag:s19] =	ssyncset.done $0x0  }
0x20: {  	s7 =	rddreg [dreg:$0x4];
	[sflag:s19] =	ssyncadd.s32 $0xFFFFD800  }
0x21: {  	[tilespmem:s21], [sflag:$0x9] =	stream.linear.gather [hbm4b:s7+s4], $0x2000, $0x38;
	[tilespmem:$0x17000] =	vst v63  }
0x22: {  	_ =	swait.ge [sflag:s19], $0x2000  }
0x23: {  	[sflag:s19] =	ssyncset.done $0x0  }
0x24: {  	[sflag:s19] =	ssyncadd.s32 $0xFFFFE000  }
0x25: {  	[spmem:s8] =	stream.linear.scatter [tilespmem:s21], [sflag:$0x9], $0x2000, $0x38;
	[tilespmem:$0x17000] =	vst v63  }
0x26: {  	_ =	swait.ge [sflag:s19], $0x2000  }
0x27: {  	[sflag:s19] =	ssyncset.done $0x0  }
0x28: {  	[sflag:s19] =	ssyncadd.s32 $0xFFFFE000  }
0x29: {  	[spmem:s9] =	stream.linear.scatter [tilespmem:s21], [sflag:$0x9], $0x2000, $0x38;
	[tilespmem:$0x17000] =	vst v63  }
0x2a: {  	_ =	swait.ge [sflag:s19], $0x2000  }
0x2b: {  	[sflag:s19] =	ssyncset.done $0x0  }
0x2c: {  	[sflag:s19] =	ssyncadd.s32 $0xFFFFE000  }
0x2d: {  	[spmem:s10] =	stream.linear.scatter [tilespmem:s21], [sflag:$0x9], $0x2000, $0x38;
	[tilespmem:$0x17000] =	vst v63  }
0x2e: {  	_ =	swait.ge [sflag:s19], $0x2000  }
0x2f: {  	[sflag:s19] =	ssyncset.done $0x0  }
0x30: {  	[sflag:s19] =	ssyncadd.s32 $0xFFFFE000  }
0x31: {  	[spmem:s11] =	stream.linear.scatter [tilespmem:s21], [sflag:$0x9], $0x2000, $0x38;
	[tilespmem:$0x17000] =	vst v63  }
0x32: {  	_ =	swait.ge [sflag:s19], $0x2000  }
0x33: {  	[sflag:s19] =	ssyncset.done $0x0  }
0x34: {  	[sflag:s19] =	ssyncadd.s32 $0xFFFFE000  }
0x35: {  	[spmem:s12] =	stream.linear.scatter [tilespmem:s21], [sflag:$0x9], $0x2000, $0x38;
	[tilespmem:$0x17000] =	vst v63  }
0x36: {  	_ =	swait.ge [sflag:s19], $0x2000  }
0x37: {  	[sflag:s19] =	ssyncset.done $0x0  }
0x38: {  	[sflag:s19] =	ssyncadd.s32 $0xFFFFE000  }
0x39: {  	[bflag:$0x0] =	sbarrier.arrive $0xFFFF  }
0x3a: {  	[tilespmem:s21], [sflag:$0x1] =	stream.indirect.gather [hbm4b:s1+s22], $0x40, s4, s22, $0xb8;
	[tilespmem:$0x17000] =	vst v63  }
0x3b: {  	_ = 	snop  }
0x3c: {  	[tilespmem:s23], [sflag:$0x2] =	stream.indirect.gather [hbm4b:s1+s22], $0x40, s22, s22, $0xb8;
	[tilespmem:$0x17000] =	vst v63  }
0x3d: {  	s13 =	simm.s32 $0x100  }
0x3e: {  	[tilespmem:s25], [sflag:$0x3] =	stream.indirect.gather [hbm4b:s1+s22], $0x40, s13, s22, $0xb8;
	[tilespmem:$0x17000] =	vst v63  }
0x3f: {  	s7 =	simm.s32 $0x180  }
0x40: {  	[tilespmem:s28], [sflag:$0x4] =	stream.indirect.gather [hbm4b:s1+s22], $0x40, s7, s22, $0xb8;
	[tilespmem:$0x17000] =	vst v63  }
0x41: {  	_ =	swait.ge [sflag:s29], $0x2000  }
0x42: {  	[sflag:s29] =	ssyncset.done $0x0  }
0x43: {  	s13 =	simm.s32 $0x2800;
	[sflag:s29] =	ssyncadd.s32 $0xFFFFE000  }
0x44: {  	[spmem:s3] =	stream.indirect.scatter.add.f32 [tilespmem:s21], [sflag:$0x5], $0x40, s13, s22, $0xb8;
	[tilespmem:$0x17000] =	vst v63  }
0x45: {  	_ =	swait.ge [sflag:s30], $0x2000  }
0x46: {  	[sflag:s30] =	ssyncset.done $0x0  }
0x47: {  	s7 =	simm.s32 $0x2880;
	[sflag:s30] =	ssyncadd.s32 $0xFFFFE000  }
0x48: {  	[spmem:s3] =	stream.indirect.scatter.add.f32 [tilespmem:s23], [sflag:$0x6], $0x40, s7, s22, $0xb8;
	[tilespmem:$0x17000] =	vst v63  }
0x49: {  	_ =	swait.ge [sflag:s31], $0x2000  }
0x4a: {  	[sflag:s31] =	ssyncset.done $0x0  }
0x4b: {  	s13 =	simm.s32 $0x2900;
	[sflag:s31] =	ssyncadd.s32 $0xFFFFE000  }
0x4c: {  	[spmem:s3] =	stream.indirect.scatter.add.f32 [tilespmem:s25], [sflag:$0x7], $0x40, s13, s22, $0xb8;
	[tilespmem:$0x17000] =	vst v63  }
0x4d: {  	_ =	swait.ge [sflag:s2], $0x2000  }
0x4e: {  	[sflag:s2] =	ssyncset.done $0x0  }
0x4f: {  	s7 =	simm.s32 $0x2980;
	[sflag:s2] =	ssyncadd.s32 $0xFFFFE000  }
0x50: {  	[spmem:s3] =	stream.indirect.scatter.add.f32 [tilespmem:s28], [sflag:$0x8], $0x40, s7, s22, $0xb8;
	[tilespmem:$0x17000] =	vst v63  }
0x51: {  	_ =	swait.ge [sflag:s0], $0x2000  }
0x52: {  	[sflag:s0] =	ssyncset.done $0x0  }
0x53: {  	s13 =	simm.s32 $0x200;
	[sflag:s0] =	ssyncadd.s32 $0xFFFFE000  }
0x54: {  	[tilespmem:s21], [sflag:$0x1] =	stream.indirect.gather [hbm4b:s1+s22], $0x40, s13, s22, $0xb8;
	[tilespmem:$0x17000] =	vst v63  }
0x55: {  	_ =	swait.ge [sflag:s20], $0x2000  }
0x56: {  	[sflag:s20] =	ssyncset.done $0x0  }
0x57: {  	s7 =	simm.s32 $0x280;
	[sflag:s20] =	ssyncadd.s32 $0xFFFFE000  }
0x58: {  	[tilespmem:s23], [sflag:$0x2] =	stream.indirect.gather [hbm4b:s1+s22], $0x40, s7, s22, $0xb8;
	[tilespmem:$0x17000] =	vst v63  }
0x59: {  	_ =	swait.ge [sflag:s24], $0x2000  }
0x5a: {  	[sflag:s24] =	ssyncset.done $0x0  }
0x5b: {  	s13 =	simm.s32 $0x300;
	[sflag:s24] =	ssyncadd.s32 $0xFFFFE000  }
0x5c: {  	[tilespmem:s25], [sflag:$0x3] =	stream.indirect.gather [hbm4b:s1+s22], $0x40, s13, s22, $0xb8;
	[tilespmem:$0x17000] =	vst v63  }
0x5d: {  	_ =	swait.ge [sflag:s26], $0x2000  }
0x5e: {  	[sflag:s26] =	ssyncset.done $0x0  }
0x5f: {  	s6 =	simm.s32 $0x800;
	s7 =	simm.s32 $0x380;
	[sflag:s26] =	ssyncadd.s32 $0xFFFFE000  }
.LBB2_2:
0x60: {  	[tilespmem:s28], [sflag:$0x4] =	stream.indirect.gather [hbm4b:s1+s22], $0x40, s7, s22, $0xb8;
	[tilespmem:$0x17000] =	vst v63  }
0x61: {  	s7 =	smov.u32 s6  }
0x62: {  	p0 =	sne.s32 s6, $0x9000;
	s6 =	sadd.s32 $0x800, s6;
	_ =	swait.ge [sflag:s29], $0x2000  }
0x63: {  	s7 =	sshra.s32 s7, $0x2;
	[sflag:s29] =	ssyncset.done $0x0  }
0x64: {  	s13 =	sadd.s32 $0x2800, s7;
	[sflag:s29] =	ssyncadd.s32 $0xFFFFE000  }
0x65: {  	[spmem:s3] =	stream.indirect.scatter.add.f32 [tilespmem:s21], [sflag:$0x5], $0x40, s13, s22, $0xb8;
	[tilespmem:$0x17000] =	vst v63  }
0x66: {  	_ =	swait.ge [sflag:s30], $0x2000  }
0x67: {  	[sflag:s30] =	ssyncset.done $0x0  }
0x68: {  	s13 =	sadd.s32 $0x2880, s7;
	[sflag:s30] =	ssyncadd.s32 $0xFFFFE000  }
0x69: {  	[spmem:s3] =	stream.indirect.scatter.add.f32 [tilespmem:s23], [sflag:$0x6], $0x40, s13, s22, $0xb8;
	[tilespmem:$0x17000] =	vst v63  }
0x6a: {  	_ =	swait.ge [sflag:s31], $0x2000  }
0x6b: {  	[sflag:s31] =	ssyncset.done $0x0  }
0x6c: {  	s13 =	sadd.s32 $0x2900, s7;
	[sflag:s31] =	ssyncadd.s32 $0xFFFFE000  }
0x6d: {  	[spmem:s3] =	stream.indirect.scatter.add.f32 [tilespmem:s25], [sflag:$0x7], $0x40, s13, s22, $0xb8;
	[tilespmem:$0x17000] =	vst v63  }
0x6e: {  	_ =	swait.ge [sflag:s2], $0x2000  }
0x6f: {  	[sflag:s2] =	ssyncset.done $0x0  }
0x70: {  	s13 =	sadd.s32 $0x2980, s7;
	[sflag:s2] =	ssyncadd.s32 $0xFFFFE000  }
0x71: {  	[spmem:s3] =	stream.indirect.scatter.add.f32 [tilespmem:s28], [sflag:$0x8], $0x40, s13, s22, $0xb8;
	[tilespmem:$0x17000] =	vst v63  }
0x72: {  	_ =	swait.ge [sflag:s0], $0x2000  }
0x73: {  	[sflag:s0] =	ssyncset.done $0x0  }
0x74: {  	s13 =	sadd.s32 $0x200, s7;
	[sflag:s0] =	ssyncadd.s32 $0xFFFFE000  }
0x75: {  	[tilespmem:s21], [sflag:$0x1] =	stream.indirect.gather [hbm4b:s1+s22], $0x40, s13, s22, $0xb8;
	[tilespmem:$0x17000] =	vst v63  }
0x76: {  	_ =	swait.ge [sflag:s20], $0x2000  }
0x77: {  	[sflag:s20] =	ssyncset.done $0x0  }
0x78: {  	s13 =	sadd.s32 $0x280, s7;
	[sflag:s20] =	ssyncadd.s32 $0xFFFFE000  }
0x79: {  	[tilespmem:s23], [sflag:$0x2] =	stream.indirect.gather [hbm4b:s1+s22], $0x40, s13, s22, $0xb8;
	[tilespmem:$0x17000] =	vst v63  }
0x7a: {  	_ =	swait.ge [sflag:s24], $0x2000  }
0x7b: {  	[sflag:s24] =	ssyncset.done $0x0  }
.Ltmp0:
0x7c: {  	s13 =	sadd.s32 $0x300, s7;
	[sflag:s24] =	ssyncadd.s32 $0xFFFFE000;
	(pc) =	sbr.rel @p0 .LBB2_2-.Ltmp0, $4  }
0x7d: {  	[tilespmem:s25], [sflag:$0x3] =	stream.indirect.gather [hbm4b:s1+s22], $0x40, s13, s22, $0xb8;
	[tilespmem:$0x17000] =	vst v63  }
0x7e: {  	_ =	swait.ge [sflag:s26], $0x2000  }
0x7f: {  	[sflag:s26] =	ssyncset.done $0x0  }
0x80: {  	s7 =	sadd.s32 $0x380, s7;
	[sflag:s26] =	ssyncadd.s32 $0xFFFFE000  }
0x81: {  	[tilespmem:s28], [sflag:$0x4] =	stream.indirect.gather [hbm4b:s1+s22], $0x40, s7, s22, $0xb8;
	[tilespmem:$0x17000] =	vst v63  }
0x82: {  	_ =	swait.ge [sflag:s29], $0x2000  }
0x83: {  	[sflag:s29] =	ssyncset.done $0x0  }
0x84: {  	s6 =	simm.s32 $0x4E00;
	[sflag:s29] =	ssyncadd.s32 $0xFFFFE000  }
0x85: {  	[spmem:s3] =	stream.indirect.scatter.add.f32 [tilespmem:s21], [sflag:$0x5], $0x40, s6, s22, $0xb8;
	[tilespmem:$0x17000] =	vst v63  }
0x86: {  	_ =	swait.ge [sflag:s30], $0x2000  }
0x87: {  	[sflag:s30] =	ssyncset.done $0x0  }
0x88: {  	s7 =	simm.s32 $0x4E80;
	[sflag:s30] =	ssyncadd.s32 $0xFFFFE000  }
0x89: {  	[spmem:s3] =	stream.indirect.scatter.add.f32 [tilespmem:s23], [sflag:$0x6], $0x40, s7, s22, $0xb8;
	[tilespmem:$0x17000] =	vst v63  }
0x8a: {  	_ =	swait.ge [sflag:s31], $0x2000  }
0x8b: {  	[sflag:s31] =	ssyncset.done $0x0  }
0x8c: {  	s13 =	simm.s32 $0x4F00;
	[sflag:s31] =	ssyncadd.s32 $0xFFFFE000  }
0x8d: {  	[spmem:s3] =	stream.indirect.scatter.add.f32 [tilespmem:s25], [sflag:$0x7], $0x40, s13, s22, $0xb8;
	[tilespmem:$0x17000] =	vst v63  }
0x8e: {  	_ =	swait.ge [sflag:s2], $0x2000  }
0x8f: {  	[sflag:s2] =	ssyncset.done $0x0  }
0x90: {  	s7 =	simm.s32 $0x4F80;
	[sflag:s2] =	ssyncadd.s32 $0xFFFFE000  }
0x91: {  	[spmem:s3] =	stream.indirect.scatter.add.f32 [tilespmem:s28], [sflag:$0x8], $0x40, s7, s22, $0xb8;
	[tilespmem:$0x17000] =	vst v63  }
0x92: {  	_ =	swait.ge [sflag:s0], $0x2000  }
0x93: {  	[sflag:s0] =	ssyncset.done $0x0  }
0x94: {  	[sflag:s0] =	ssyncadd.s32 $0xFFFFE000  }
0x95: {  	_ =	swait.ge [sflag:s20], $0x2000  }
0x96: {  	[sflag:s20] =	ssyncset.done $0x0  }
0x97: {  	[sflag:s20] =	ssyncadd.s32 $0xFFFFE000  }
0x98: {  	_ =	swait.ge [sflag:s24], $0x2000  }
0x99: {  	[sflag:s24] =	ssyncset.done $0x0  }
0x9a: {  	[sflag:s24] =	ssyncadd.s32 $0xFFFFE000  }
0x9b: {  	_ =	swait.ge [sflag:s26], $0x2000  }
0x9c: {  	[sflag:s26] =	ssyncset.done $0x0  }
0x9d: {  	[sflag:s26] =	ssyncadd.s32 $0xFFFFE000  }
0x9e: {  	[bflag:$0x0] =	sbarrier.arrive $0xFFFF  }
0x9f: {  	[tilespmem:s21], [sflag:$0x9] =	stream.linear.gather [spmem:s8], $0x2000, $0x38;
	[tilespmem:$0x17000] =	vst v63  }
0xa0: {  	_ =	swait.ge [sflag:s19], $0x2000  }
0xa1: {  	[sflag:s19] =	ssyncset.done $0x0  }
0xa2: {  	s13 =	rddreg [dreg:$0x7];
	[sflag:s19] =	ssyncadd.s32 $0xFFFFE000  }
0xa3: {  	[hbm4b:s13+s4] =	stream.linear.scatter [tilespmem:s21], [sflag:$0x5], $0x2000, $0x38;
	[tilespmem:$0x17000] =	vst v63  }
0xa4: {  	_ = 	snop  }
0xa5: {  	[tilespmem:s23], [sflag:$0x9] =	stream.linear.gather [spmem:s9], $0x2000, $0x38;
	[tilespmem:$0x17000] =	vst v63  }
0xa6: {  	_ =	swait.ge [sflag:s19], $0x2000  }
0xa7: {  	[sflag:s19] =	ssyncset.done $0x0  }
0xa8: {  	[sflag:s19] =	ssyncadd.s32 $0xFFFFE000  }
0xa9: {  	[hbm4b:s14+s4] =	stream.linear.scatter [tilespmem:s23], [sflag:$0x6], $0x2000, $0x38;
	[tilespmem:$0x17000] =	vst v63  }
0xaa: {  	_ = 	snop  }
0xab: {  	[tilespmem:s25], [sflag:$0x9] =	stream.linear.gather [spmem:s10], $0x2000, $0x38;
	[tilespmem:$0x17000] =	vst v63  }
0xac: {  	_ =	swait.ge [sflag:s19], $0x2000  }
0xad: {  	[sflag:s19] =	ssyncset.done $0x0  }
0xae: {  	[sflag:s19] =	ssyncadd.s32 $0xFFFFE000  }
0xaf: {  	[hbm4b:s15+s4] =	stream.linear.scatter [tilespmem:s25], [sflag:$0x7], $0x2000, $0x38;
	[tilespmem:$0x17000] =	vst v63  }
0xb0: {  	_ = 	snop  }
0xb1: {  	[tilespmem:s28], [sflag:$0x9] =	stream.linear.gather [spmem:s11], $0x2000, $0x38;
	[tilespmem:$0x17000] =	vst v63  }
0xb2: {  	_ =	swait.ge [sflag:s19], $0x2000  }
0xb3: {  	[sflag:s19] =	ssyncset.done $0x0  }
0xb4: {  	[sflag:s19] =	ssyncadd.s32 $0xFFFFE000  }
0xb5: {  	[hbm4b:s16+s4] =	stream.linear.scatter [tilespmem:s28], [sflag:$0x8], $0x2000, $0x38;
	[tilespmem:$0x17000] =	vst v63  }
0xb6: {  	_ =	swait.ge [sflag:s0], $0x2000  }
0xb7: {  	[sflag:s0] =	ssyncset.done $0x0  }
0xb8: {  	[sflag:s0] =	ssyncadd.s32 $0xFFFFE000  }
0xb9: {  	[tilespmem:s21], [sflag:$0x9] =	stream.linear.gather [spmem:s12], $0x2000, $0x38;
	[tilespmem:$0x17000] =	vst v63  }
0xba: {  	_ =	swait.ge [sflag:s19], $0x2000  }
0xbb: {  	[sflag:s19] =	ssyncset.done $0x0  }
0xbc: {  	[sflag:s19] =	ssyncadd.s32 $0xFFFFE000  }
0xbd: {  	[hbm4b:s17+s4] =	stream.linear.scatter [tilespmem:s21], [sflag:$0x5], $0x2000, $0x38;
	[tilespmem:$0x17000] =	vst v63  }
0xbe: {  	_ =	swait.ge [sflag:s20], $0x2000  }
0xbf: {  	[sflag:s20] =	ssyncset.done $0x0  }
0xc0: {  	[sflag:s20] =	ssyncadd.s32 $0xFFFFE000  }
0xc1: {  	_ =	swait.ge [sflag:s24], $0x2000  }
0xc2: {  	[sflag:s24] =	ssyncset.done $0x0  }
0xc3: {  	s5 =	sadd.s32 $0x1, s5;
	[sflag:s24] =	ssyncadd.s32 $0xFFFFE000  }
0xc4: {  	p0 =	sne.s32 s5, s18;
	_ =	swait.ge [sflag:s26], $0x2000  }
.Ltmp1:
0xc5: {  	[sflag:s26] =	ssyncset.done $0x0;
	(pc) =	sbr.rel @p0 .LBB2_1-.Ltmp1, $4  }
0xc6: {  	[sflag:s26] =	ssyncadd.s32 $0xFFFFE000  }
0xc7: {  	_ =	swait.ge [sflag:s0], $0x2000  }
0xc8: {  	[sflag:s0] =	ssyncset.done $0x0  }
0xc9: {  	[sflag:s0] =	ssyncadd.s32 $0xFFFFE000  }
0xca: {  	_ =	sfence.sel $0x180000  }
0xcb: {  	[bflag:$0x0] =	sbarrier.arrive $0xFFFF  }
0xcc: {  	_ =	strace $0x90000047  }
0xcd: {  	s0 =	stileid.u32;
	[bflag:$0x2] =	sbarrier.arrive $0xFFFF  }
0xce: {  	p0 =	sne.s32 s0, $0x0;
	s0 =	rddreg [dreg:$0x3]  }
0xcf: {  	s0 =	sadd.s32 @!p0 $0x100000, s0  }
0xd0: {  	[sflag:s0] =	ssyncadd.tile.s32 @!p0 $0x1;
	_ =	shalt  }
.Lfunc_end2:
_tile_overlayer_lowered:
.L_overlay_start_2:
0xd1: {  	(tag) =	ssettag $0x2  }
0xd2: {  	s0 =	rddreg [dreg:$0x0];
	s2 =	stileid.u32  }
0xd3: {  	s1 =	rddreg [dreg:$0x1];
	p0 =	sne.s32 s2, $0x0  }
0xd4: {  	s3 =	rddreg [dreg:$0x2];
	[bflag:$0x3] =	sbarrier.arrive $0xFFFF;
	s2 =	simm.s32 @!p0 $0x1C09  }
0xd5: {  	[timem:s3], [sflag:s2] =	dma.local @!p0 [hbm:s0], s1  }
0xd6: {  	s0 =	simm.s32 @!p0 $0x9  }
0xd7: {  	_ =	swait.ge @!p0 [sflag:s0], s1  }
0xd8: {  	s1 =	ssub.s32 @!p0 $0x0, s1;
	[sflag:s0] =	ssyncset.done @!p0 $0x0  }
0xd9: {  	[sflag:s0] =	ssyncadd.s32 @!p0 s1  }
0xda: {  	[bflag:$0x3] =	sbarrier.arrive $0xFFFF  }
0xdb: {  	_ =	shalt  }

</sc_bundles>
